<compile_context>
chip_gen: v7x
topology: tpu7x:2x2x1
jax: 0.10.2.dev20260603
libtpu: 0.0.44.dev20260713+nightly
codegen_flags: <defaults>
</compile_context>

<pallas_src>
import functools

import jax
import jax.numpy as jnp
from jax import lax
from jax.experimental import pallas as pl
from jax.experimental.pallas import tpu as pltpu
from jax.experimental.pallas import tpu_sc as plsc

N = 100000
E = 3200000
HID = 128
HOR = 12
B = 4
T = 12

NC = 2
NS = 16
NW = NC * NS
LGRP = 128
N_PAD = 100352
SL = N_PAD // NS
E_ROWS = 25088
ROWS_PT = E_ROWS // NW
SR = 16
N_CH = ROWS_PT // SR
BLK = 2048
GRID_N = N_PAD // BLK

_sc_mesh = plsc.VectorSubcoreMesh(core_axis_name="c", subcore_axis_name="s")


@functools.partial(
    pl.kernel,
    out_type=(
        jax.ShapeDtypeStruct((NC, N_PAD), jnp.float32),
        jax.ShapeDtypeStruct((NC, N_PAD), jnp.float32),
    ),
    mesh=_sc_mesh,
    scratch_types=(
        pltpu.VMEM_SHARED((N_PAD,), jnp.float32),
        pltpu.VMEM_SHARED((N_PAD,), jnp.float32),
        pltpu.VMEM((SR, LGRP), jnp.int32),
        pltpu.VMEM((SR, LGRP), jnp.int32),
        pltpu.VMEM((LGRP,), jnp.float32),
        pltpu.SemaphoreType.DMA,
    ),
)
def _degrees(rows_h, cols_h, zeros_h, degs_h, degc_h, hs, hc, ridx, cidx, ones_v, sem):
    c = lax.axis_index("c")
    s = lax.axis_index("s")
    for k in range(LGRP // 16):
        ones_v[pl.ds(k * 16, 16)] = jnp.ones((16,), jnp.float32)
    pltpu.sync_copy(zeros_h.at[pl.ds(s * SL, SL)], hs.at[pl.ds(s * SL, SL)])
    pltpu.sync_copy(zeros_h.at[pl.ds(s * SL, SL)], hc.at[pl.ds(s * SL, SL)])
    plsc.subcore_barrier()

    base = (c * NS + s) * ROWS_PT

    @pl.loop(0, N_CH)
    def _chunk(i):
        pltpu.sync_copy(rows_h.at[pl.ds(base + i * SR, SR)], ridx)
        pltpu.sync_copy(cols_h.at[pl.ds(base + i * SR, SR)], cidx)

        @pl.loop(0, SR // 2)
        def _grp(h):
            j0 = h * 2
            ds = [
                pltpu.async_copy(ones_v, hs.at[ridx.at[j0]], sem, add=True),
                pltpu.async_copy(ones_v, hc.at[cidx.at[j0]], sem, add=True),
                pltpu.async_copy(ones_v, hs.at[ridx.at[j0 + 1]], sem, add=True),
                pltpu.async_copy(ones_v, hc.at[cidx.at[j0 + 1]], sem, add=True),
            ]
            for d in ds:
                d.wait()

    plsc.subcore_barrier()
    pltpu.sync_copy(hs.at[pl.ds(s * SL, SL)], degs_h.at[c, pl.ds(s * SL, SL)])
    pltpu.sync_copy(hc.at[pl.ds(s * SL, SL)], degc_h.at[c, pl.ds(s * SL, SL)])


def _coef_body(x_r, ds_r, dc_r, gt_r, dinv_r):
    i = pl.program_id(0)
    m4 = jnp.sum(x_r[...], axis=1) * (1.0 / T)
    dsrc = ds_r[0] + ds_r[1]
    deg = dc_r[0] + dc_r[1] + 1.0
    dinv = lax.rsqrt(deg)
    iso = 1.0 / (dsrc + 0.001)
    coef = dinv * iso
    nidx = lax.broadcasted_iota(jnp.int32, (BLK,), 0) + i * BLK
    valid = nidx < N
    gt_r[...] = jnp.where(valid[None, :], m4 * coef[None, :], 0.0)
    dinv_r[...] = jnp.where(valid, dinv, 0.0).reshape(1, BLK)


_coef = pl.pallas_call(
    _coef_body,
    grid=(GRID_N,),
    in_specs=[
        pl.BlockSpec((B, T, BLK), lambda i: (0, 0, i)),
        pl.BlockSpec((2, BLK), lambda i: (0, i)),
        pl.BlockSpec((2, BLK), lambda i: (0, i)),
    ],
    out_specs=[
        pl.BlockSpec((B, BLK), lambda i: (0, i)),
        pl.BlockSpec((1, BLK), lambda i: (0, i)),
    ],
    out_shape=[
        jax.ShapeDtypeStruct((B, N_PAD), jnp.float32),
        jax.ShapeDtypeStruct((1, N_PAD), jnp.float32),
    ],
)


@functools.partial(
    pl.kernel,
    out_type=jax.ShapeDtypeStruct((NC, B, N_PAD), jnp.float32),
    mesh=_sc_mesh,
    scratch_types=(
        pltpu.VMEM_SHARED((N_PAD,), jnp.float32),
        pltpu.VMEM_SHARED((N_PAD,), jnp.float32),
        pltpu.VMEM_SHARED((N_PAD,), jnp.float32),
        pltpu.VMEM_SHARED((N_PAD,), jnp.float32),
        pltpu.VMEM_SHARED((N_PAD,), jnp.float32),
        pltpu.VMEM_SHARED((N_PAD,), jnp.float32),
        pltpu.VMEM_SHARED((N_PAD,), jnp.float32),
        pltpu.VMEM_SHARED((N_PAD,), jnp.float32),
        pltpu.VMEM((SR, LGRP), jnp.int32),
        pltpu.VMEM((SR, LGRP), jnp.int32),
        pltpu.VMEM((2, B, LGRP), jnp.float32),
        pltpu.SemaphoreType.DMA,
        pltpu.SemaphoreType.DMA,
    ),
)
def _edge_pass(
    rows_h, cols_h, gt_h, zeros_h, y_h,
    g0, g1, g2, g3, y0, y1, y2, y3, ridx, cidx, vbuf, semg, sems,
):
    c = lax.axis_index("c")
    s = lax.axis_index("s")
    gs = (g0, g1, g2, g3)
    ys = (y0, y1, y2, y3)
    for b in range(B):
        pltpu.sync_copy(gt_h.at[b, pl.ds(s * SL, SL)], gs[b].at[pl.ds(s * SL, SL)])
        pltpu.sync_copy(zeros_h.at[pl.ds(s * SL, SL)], ys[b].at[pl.ds(s * SL, SL)])
    plsc.subcore_barrier()

    base = (c * NS + s) * ROWS_PT

    def fire_g(p, j):
        for b in range(B):
            pltpu.async_copy(gs[b].at[ridx.at[j]], vbuf.at[p, b], semg)

    def wait_g(p):
        for b in range(B):
            pltpu.make_async_copy(gs[b].at[ridx.at[0]], vbuf.at[p, b], semg).wait()

    def fire_s(p, j):
        for b in range(B):
            pltpu.async_copy(vbuf.at[p, b], ys[b].at[cidx.at[j]], sems, add=True)

    def wait_s(p):
        for b in range(B):
            pltpu.make_async_copy(vbuf.at[p, b], ys[b].at[cidx.at[0]], sems).wait()

    @pl.loop(0, N_CH)
    def _chunk(i):
        pltpu.sync_copy(rows_h.at[pl.ds(base + i * SR, SR)], ridx)
        pltpu.sync_copy(cols_h.at[pl.ds(base + i * SR, SR)], cidx)
        fire_g(0, 0)

        @pl.loop(0, SR // 2)
        def _pair(h):
            j0 = h * 2
            wait_g(0)
            fire_s(0, j0)
            fire_g(1, j0 + 1)
            wait_s(0)
            wait_g(1)
            fire_s(1, j0 + 1)

            @pl.when(h < SR // 2 - 1)
            def _prefetch():
                fire_g(0, j0 + 2)

            wait_s(1)

    plsc.subcore_barrier()
    for b in range(B):
        pltpu.sync_copy(ys[b].at[pl.ds(s * SL, SL)], y_h.at[c, b, pl.ds(s * SL, SL)])


def _final_body(y_r, gt_r, dinv_r, wg_r, wp_r, bg_r, bp_r, out_r):
    s4 = (y_r[0] + y_r[1] + gt_r[...]) * dinv_r[...]
    v = jnp.dot(wg_r[...], wp_r[...], preferred_element_type=jnp.float32)
    c0 = jnp.dot(bg_r[...], wp_r[...], preferred_element_type=jnp.float32)
    c0 = c0 + bp_r[...]
    for b in range(B):
        outer = lax.dot_general(
            s4[b : b + 1], v, (((0,), (0,)), ((), ())),
            preferred_element_type=jnp.float32,
        )
        out_r[b] = outer + c0


_final = pl.pallas_call(
    _final_body,
    grid=(GRID_N,),
    in_specs=[
        pl.BlockSpec((NC, B, BLK), lambda i: (0, 0, i)),
        pl.BlockSpec((B, BLK), lambda i: (0, i)),
        pl.BlockSpec((1, BLK), lambda i: (0, i)),
        pl.BlockSpec((1, HID), lambda i: (0, 0)),
        pl.BlockSpec((HID, HOR), lambda i: (0, 0)),
        pl.BlockSpec((1, HID), lambda i: (0, 0)),
        pl.BlockSpec((1, HOR), lambda i: (0, 0)),
    ],
    out_specs=pl.BlockSpec((B, BLK, HOR), lambda i: (0, i, 0)),
    out_shape=jax.ShapeDtypeStruct((B, N, HOR), jnp.float32),
)


def kernel(x, edge_index, W_gcn, b_gcn, W_proj, b_proj):
    ei = edge_index.astype(jnp.int32)
    pad = jnp.full((E_ROWS * LGRP - E,), N_PAD - 1, jnp.int32)
    rows2d = jnp.concatenate([ei[0], pad]).reshape(E_ROWS, LGRP)
    cols2d = jnp.concatenate([ei[1], pad]).reshape(E_ROWS, LGRP)
    zeros1 = jnp.zeros((N_PAD,), jnp.float32)
    x3 = x[..., 0]

    degs_p, degc_p = _degrees(rows2d, cols2d, zeros1)
    gt4, dinv1 = _coef(x3, degs_p, degc_p)
    y_p = _edge_pass(rows2d, cols2d, gt4, zeros1)
    return _final(
        y_p, gt4, dinv1,
        W_gcn, W_proj,
        b_gcn.reshape(1, HID), b_proj.reshape(1, HOR),
    )

# --- scband reference (transcript-rebuilt; emitter-appended) ---
"""Pipeline reference for scband-isolated-node-expertv2-58308476011152 (READ-ONLY COPY).

The authoritative reference and input builder live on the scoring server;
editing this copy changes nothing except your own understanding.
"""

import jax, jax.numpy as jnp
import numpy as np

N = 100000
E = 3200000
HID = 128
HOR = 12
B = 4
T = 12


def setup_inputs(seed: int = 0) -> dict:
    key = jax.random.key(seed)
    k1, k2, k3, k4, k5 = jax.random.split(key, 5)
    x = jax.random.normal(k1, (B, T, N, 1), dtype=jnp.float32)
    edge_index = jax.random.randint(k2, (2, E), 0, N)
    # GCNConv(1, HID) weight (glorot) and bias (zeros, as in PyG default init)
    std_gcn = float(np.sqrt(6.0 / (1 + HID)))
    W_gcn = jax.random.uniform(k3, (1, HID), dtype=jnp.float32, minval=-std_gcn, maxval=std_gcn)
    b_gcn = jnp.zeros((HID,), dtype=jnp.float32)
    # Linear(HID, HOR)
    lim = float(1.0 / np.sqrt(HID))
    W_proj = jax.random.uniform(k4, (HID, HOR), dtype=jnp.float32, minval=-lim, maxval=lim)
    b_proj = jax.random.uniform(k5, (HOR,), dtype=jnp.float32, minval=-lim, maxval=lim)
    return {"x": x, "edge_index": edge_index, "W_gcn": W_gcn, "b_gcn": b_gcn, "W_proj": W_proj, "b_proj": b_proj}


def reference(x, edge_index, W_gcn, b_gcn, W_proj, b_proj):
    # iso_score buffer: 1 / (out-degree + 1e-3), degree from edge_index[0]
    deg_src = jnp.bincount(edge_index[0], length=N).astype(jnp.float32)
    iso = 1.0 / (deg_src + 0.001)

    x_mean = jnp.mean(x, axis=1)[..., 0]          # [B, N]
    x_w = x_mean * iso[None, :]                   # [B, N]

    # GCN normalization with self-loops (PyG gcn_norm, fill_value=1)
    loop = jnp.arange(N, dtype=edge_index.dtype)
    row = jnp.concatenate([edge_index[0], loop])
    col = jnp.concatenate([edge_index[1], loop])
    ew = jnp.ones(row.shape[0], dtype=jnp.float32)
    deg = jax.ops.segment_sum(ew, col, num_segments=N)
    dinv = jnp.where(deg > 0, deg ** -0.5, 0.0)
    norm = dinv[row] * dinv[col]

    def gcn_one(xb):
        h = xb[:, None] @ W_gcn                   # [N, HID] linear (no bias yet)
        msg = h[row] * norm[:, None]              # gather over edges
        agg = jax.ops.segment_sum(msg, col, num_segments=N)  # scatter-add to dst
        return agg + b_gcn                        # bias added after aggregation (PyG)

    h = jax.vmap(gcn_one)(x_w)                    # [B, N, HID]; dropout = identity (eval)
    out = h @ W_proj + b_proj                     # [B, N, HOR]
    return out

if __name__ == "__main__":
    import jax
    _d = setup_inputs()
    print(jax.jit(kernel)(*tuple(_d.values())))

</pallas_src>

<mosaic_0001>
#map = affine_map<(d0, d1) -> (0, 0)>
#map1 = affine_map<(d0, d1) -> (0)>
module attributes {stable_mosaic.version = 14 : i64} {
  func.func @_degrees(%arg0: i32, %arg1: i32, %arg2: memref<25088x128xi32, #tpu.memory_space<hbm>>, %arg3: memref<25088x128xi32, #tpu.memory_space<hbm>>, %arg4: memref<100352xf32, #tpu.memory_space<hbm>>, %arg5: memref<2x100352xf32, #tpu.memory_space<hbm>>, %arg6: memref<2x100352xf32, #tpu.memory_space<hbm>>, %arg7: memref<100352xf32, #tpu.memory_space<vmem_shared>>, %arg8: memref<100352xf32, #tpu.memory_space<vmem_shared>>, %arg9: memref<16x128xi32, #tpu.memory_space<vmem>>, %arg10: memref<16x128xi32, #tpu.memory_space<vmem>>, %arg11: memref<128xf32, #tpu.memory_space<vmem>>, %arg12: memref<!tpu.dma_semaphore, #tpu.memory_space<semaphore_mem>>) attributes {dimension_semantics = [#tpu.dimension_semantics<core_parallel>, #tpu.dimension_semantics<subcore_parallel>], iteration_bounds = array<i64: 2, 16>, scalar_prefetch = 0 : i64, scratch_operands = 6 : i64, tpu.core_type = #tpu.core_type<sc_vector_subcore>, window_params = [{transform_indices = #map}, {transform_indices = #map}, {transform_indices = #map1}, {transform_indices = #map}, {transform_indices = #map}]} {
    %broadcast_in_dim3A = arith.constant 1.000000e+00 : f32
    %broadcast_in_dim3A_0 = vector.broadcast %broadcast_in_dim3A : f32 to vector<16xf32>
    %swap3A = arith.constant 0 : index
    %swap3A_1 = tpu.vector_load %arg11[%swap3A] {strides = array<i32>} : memref<128xf32, #tpu.memory_space<vmem>>, vector<16xf32>,
    %swap3A_2 = vector.shape_cast %swap3A_1 : vector<16xf32> to vector<16xf32>
    %swap3A_3 = vector.shape_cast %broadcast_in_dim3A_0 : vector<16xf32> to vector<16xf32>
    tpu.vector_store %arg11[%swap3A], %swap3A_3 {strides = array<i32>} : memref<128xf32, #tpu.memory_space<vmem>>, vector<16xf32>,
    %broadcast_in_dim3A_4 = arith.constant 1.000000e+00 : f32
    %broadcast_in_dim3A_5 = vector.broadcast %broadcast_in_dim3A_4 : f32 to vector<16xf32>
    %swap3A_6 = arith.constant 16 : index
    %swap3A_7 = tpu.vector_load %arg11[%swap3A_6] {strides = array<i32>} : memref<128xf32, #tpu.memory_space<vmem>>, vector<16xf32>,
    %swap3A_8 = vector.shape_cast %swap3A_7 : vector<16xf32> to vector<16xf32>
    %swap3A_9 = vector.shape_cast %broadcast_in_dim3A_5 : vector<16xf32> to vector<16xf32>
    tpu.vector_store %arg11[%swap3A_6], %swap3A_9 {strides = array<i32>} : memref<128xf32, #tpu.memory_space<vmem>>, vector<16xf32>,
    %broadcast_in_dim3A_10 = arith.constant 1.000000e+00 : f32
    %broadcast_in_dim3A_11 = vector.broadcast %broadcast_in_dim3A_10 : f32 to vector<16xf32>
    %swap3A_12 = arith.constant 32 : index
    %swap3A_13 = tpu.vector_load %arg11[%swap3A_12] {strides = array<i32>} : memref<128xf32, #tpu.memory_space<vmem>>, vector<16xf32>,
    %swap3A_14 = vector.shape_cast %swap3A_13 : vector<16xf32> to vector<16xf32>
    %swap3A_15 = vector.shape_cast %broadcast_in_dim3A_11 : vector<16xf32> to vector<16xf32>
    tpu.vector_store %arg11[%swap3A_12], %swap3A_15 {strides = array<i32>} : memref<128xf32, #tpu.memory_space<vmem>>, vector<16xf32>,
    %broadcast_in_dim3A_16 = arith.constant 1.000000e+00 : f32
    %broadcast_in_dim3A_17 = vector.broadcast %broadcast_in_dim3A_16 : f32 to vector<16xf32>
    %swap3A_18 = arith.constant 48 : index
    %swap3A_19 = tpu.vector_load %arg11[%swap3A_18] {strides = array<i32>} : memref<128xf32, #tpu.memory_space<vmem>>, vector<16xf32>,
    %swap3A_20 = vector.shape_cast %swap3A_19 : vector<16xf32> to vector<16xf32>
    %swap3A_21 = vector.shape_cast %broadcast_in_dim3A_17 : vector<16xf32> to vector<16xf32>
    tpu.vector_store %arg11[%swap3A_18], %swap3A_21 {strides = array<i32>} : memref<128xf32, #tpu.memory_space<vmem>>, vector<16xf32>,
    %broadcast_in_dim3A_22 = arith.constant 1.000000e+00 : f32
    %broadcast_in_dim3A_23 = vector.broadcast %broadcast_in_dim3A_22 : f32 to vector<16xf32>
    %swap3A_24 = arith.constant 64 : index
    %swap3A_25 = tpu.vector_load %arg11[%swap3A_24] {strides = array<i32>} : memref<128xf32, #tpu.memory_space<vmem>>, vector<16xf32>,
    %swap3A_26 = vector.shape_cast %swap3A_25 : vector<16xf32> to vector<16xf32>
    %swap3A_27 = vector.shape_cast %broadcast_in_dim3A_23 : vector<16xf32> to vector<16xf32>
    tpu.vector_store %arg11[%swap3A_24], %swap3A_27 {strides = array<i32>} : memref<128xf32, #tpu.memory_space<vmem>>, vector<16xf32>,
    %broadcast_in_dim3A_28 = arith.constant 1.000000e+00 : f32
    %broadcast_in_dim3A_29 = vector.broadcast %broadcast_in_dim3A_28 : f32 to vector<16xf32>
    %swap3A_30 = arith.constant 80 : index
    %swap3A_31 = tpu.vector_load %arg11[%swap3A_30] {strides = array<i32>} : memref<128xf32, #tpu.memory_space<vmem>>, vector<16xf32>,
    %swap3A_32 = vector.shape_cast %swap3A_31 : vector<16xf32> to vector<16xf32>
    %swap3A_33 = vector.shape_cast %broadcast_in_dim3A_29 : vector<16xf32> to vector<16xf32>
    tpu.vector_store %arg11[%swap3A_30], %swap3A_33 {strides = array<i32>} : memref<128xf32, #tpu.memory_space<vmem>>, vector<16xf32>,
    %broadcast_in_dim3A_34 = arith.constant 1.000000e+00 : f32
    %broadcast_in_dim3A_35 = vector.broadcast %broadcast_in_dim3A_34 : f32 to vector<16xf32>
    %swap3A_36 = arith.constant 96 : index
    %swap3A_37 = tpu.vector_load %arg11[%swap3A_36] {strides = array<i32>} : memref<128xf32, #tpu.memory_space<vmem>>, vector<16xf32>,
    %swap3A_38 = vector.shape_cast %swap3A_37 : vector<16xf32> to vector<16xf32>
    %swap3A_39 = vector.shape_cast %broadcast_in_dim3A_35 : vector<16xf32> to vector<16xf32>
    tpu.vector_store %arg11[%swap3A_36], %swap3A_39 {strides = array<i32>} : memref<128xf32, #tpu.memory_space<vmem>>, vector<16xf32>,
    %broadcast_in_dim3A_40 = arith.constant 1.000000e+00 : f32
    %broadcast_in_dim3A_41 = vector.broadcast %broadcast_in_dim3A_40 : f32 to vector<16xf32>
    %swap3A_42 = arith.constant 112 : index
    %swap3A_43 = tpu.vector_load %arg11[%swap3A_42] {strides = array<i32>} : memref<128xf32, #tpu.memory_space<vmem>>, vector<16xf32>,
    %swap3A_44 = vector.shape_cast %swap3A_43 : vector<16xf32> to vector<16xf32>
    %swap3A_45 = vector.shape_cast %broadcast_in_dim3A_41 : vector<16xf32> to vector<16xf32>
    tpu.vector_store %arg11[%swap3A_42], %swap3A_45 {strides = array<i32>} : memref<128xf32, #tpu.memory_space<vmem>>, vector<16xf32>,
    %mul3A = arith.constant 6272 : i32
    %mul3A_46 = arith.muli %arg1, %mul3A : i32
    %mul3A_47 = arith.constant 6272 : i32
    %mul3A_48 = arith.muli %arg1, %mul3A_47 : i32
    "tpu.region"() ({
      %run_scoped3A = tpu.sem_alloc : memref<!tpu.dma_semaphore, #tpu.memory_space<semaphore_mem>>
      %dma_start3A = tpu.memref_slice %arg7[%mul3A_48] : memref<100352xf32, #tpu.memory_space<vmem_shared>> -> memref<6272xf32, #tpu.memory_space<vmem_shared>>
      %dma_start3A_70 = tpu.memref_slice %arg4[%mul3A_46] : memref<100352xf32, #tpu.memory_space<hbm>> -> memref<6272xf32, #tpu.memory_space<hbm>>
      tpu.enqueue_dma source(%dma_start3A_70 : memref<6272xf32, #tpu.memory_space<hbm>>) target(%dma_start3A : memref<6272xf32, #tpu.memory_space<vmem_shared>>) target_semaphore(%run_scoped3A : memref<!tpu.dma_semaphore, #tpu.memory_space<semaphore_mem>>)
      %dma_wait3A = tpu.memref_slice %arg7[%mul3A_48] : memref<100352xf32, #tpu.memory_space<vmem_shared>> -> memref<6272xf32, #tpu.memory_space<vmem_shared>>
      %dma_wait3A_71 = tpu.memref_slice %arg4[%mul3A_46] : memref<100352xf32, #tpu.memory_space<hbm>> -> memref<6272xf32, #tpu.memory_space<hbm>>
      tpu.wait_dma2 semaphore(%run_scoped3A : memref<!tpu.dma_semaphore, #tpu.memory_space<semaphore_mem>>) src(%dma_wait3A_71 : memref<6272xf32, #tpu.memory_space<hbm>>) dst(%dma_wait3A : memref<6272xf32, #tpu.memory_space<vmem_shared>>)
      tpu.yield
    }) : () -> ()
    %mul3A_49 = arith.constant 6272 : i32
    %mul3A_50 = arith.muli %arg1, %mul3A_49 : i32
    %mul3A_51 = arith.constant 6272 : i32
    %mul3A_52 = arith.muli %arg1, %mul3A_51 : i32
    "tpu.region"() ({
      %run_scoped3A = tpu.sem_alloc : memref<!tpu.dma_semaphore, #tpu.memory_space<semaphore_mem>>
      %dma_start3A = tpu.memref_slice %arg8[%mul3A_52] : memref<100352xf32, #tpu.memory_space<vmem_shared>> -> memref<6272xf32, #tpu.memory_space<vmem_shared>>
      %dma_start3A_70 = tpu.memref_slice %arg4[%mul3A_50] : memref<100352xf32, #tpu.memory_space<hbm>> -> memref<6272xf32, #tpu.memory_space<hbm>>
      tpu.enqueue_dma source(%dma_start3A_70 : memref<6272xf32, #tpu.memory_space<hbm>>) target(%dma_start3A : memref<6272xf32, #tpu.memory_space<vmem_shared>>) target_semaphore(%run_scoped3A : memref<!tpu.dma_semaphore, #tpu.memory_space<semaphore_mem>>)
      %dma_wait3A = tpu.memref_slice %arg8[%mul3A_52] : memref<100352xf32, #tpu.memory_space<vmem_shared>> -> memref<6272xf32, #tpu.memory_space<vmem_shared>>
      %dma_wait3A_71 = tpu.memref_slice %arg4[%mul3A_50] : memref<100352xf32, #tpu.memory_space<hbm>> -> memref<6272xf32, #tpu.memory_space<hbm>>
      tpu.wait_dma2 semaphore(%run_scoped3A : memref<!tpu.dma_semaphore, #tpu.memory_space<semaphore_mem>>) src(%dma_wait3A_71 : memref<6272xf32, #tpu.memory_space<hbm>>) dst(%dma_wait3A : memref<6272xf32, #tpu.memory_space<vmem_shared>>)
      tpu.yield
    }) : () -> ()
    %barrier3A = arith.constant 0 : index
    tpu.barrier barrier_id(%barrier3A)
    %mul3A_53 = arith.constant 16 : i32
    %mul3A_54 = arith.muli %arg0, %mul3A_53 : i32
    %add3A = arith.addi %mul3A_54, %arg1 : i32
    %mul3A_55 = arith.constant 784 : i32
    %mul3A_56 = arith.muli %add3A, %mul3A_55 : i32
    %scan3A = arith.constant 0 : i32
    %scan3A_57 = arith.constant 49 : i32
    %scan3A_58 = arith.addi %scan3A, %scan3A_57 : i32
    %scan3A_59 = arith.constant 1 : i32
    scf.for %scan3A_70 = %scan3A to %scan3A_58 step %scan3A_59  : i32 {
      %mul3A_71 = arith.constant 1 : i32
      %mul3A_72 = arith.muli %scan3A_70, %mul3A_71 : i32
      %add3A_73 = arith.constant 0 : i32
      %add3A_74 = arith.addi %add3A_73, %mul3A_72 : i32
      %mul3A_75 = arith.constant 16 : i32
      %mul3A_76 = arith.muli %add3A_74, %mul3A_75 : i32
      %add3A_77 = arith.addi %mul3A_56, %mul3A_76 : i32
      "tpu.region"() ({
        %run_scoped3A = tpu.sem_alloc : memref<!tpu.dma_semaphore, #tpu.memory_space<semaphore_mem>>
        %dma_start3A = arith.constant 0 : i32
        %dma_start3A_86 = tpu.memref_slice %arg2[%add3A_77, %dma_start3A] : memref<25088x128xi32, #tpu.memory_space<hbm>> -> memref<16x128xi32, #tpu.memory_space<hbm>>
        %dma_start3A_87 = arith.constant 0 : i32
        %dma_start3A_88 = tpu.memref_slice %arg2[%add3A_77, %dma_start3A_87] : memref<25088x128xi32, #tpu.memory_space<hbm>> -> memref<16x128xi32, #tpu.memory_space<hbm>>
        tpu.enqueue_dma source(%dma_start3A_88 : memref<16x128xi32, #tpu.memory_space<hbm>>) target(%arg9 : memref<16x128xi32, #tpu.memory_space<vmem>>) target_semaphore(%run_scoped3A : memref<!tpu.dma_semaphore, #tpu.memory_space<semaphore_mem>>)
        %dma_wait3A = arith.constant 0 : i32
        %dma_wait3A_89 = tpu.memref_slice %arg2[%add3A_77, %dma_wait3A] : memref<25088x128xi32, #tpu.memory_space<hbm>> -> memref<16x128xi32, #tpu.memory_space<hbm>>
        %dma_wait3A_90 = arith.constant 0 : i32
        %dma_wait3A_91 = tpu.memref_slice %arg2[%add3A_77, %dma_wait3A_90] : memref<25088x128xi32, #tpu.memory_space<hbm>> -> memref<16x128xi32, #tpu.memory_space<hbm>>
        tpu.wait_dma2 semaphore(%run_scoped3A : memref<!tpu.dma_semaphore, #tpu.memory_space<semaphore_mem>>) src(%dma_wait3A_91 : memref<16x128xi32, #tpu.memory_space<hbm>>) dst(%arg9 : memref<16x128xi32, #tpu.memory_space<vmem>>)
        tpu.yield
      }) : () -> ()
      %mul3A_78 = arith.constant 16 : i32
      %mul3A_79 = arith.muli %add3A_74, %mul3A_78 : i32
      %add3A_80 = arith.addi %mul3A_56, %mul3A_79 : i32
      "tpu.region"() ({
        %run_scoped3A = tpu.sem_alloc : memref<!tpu.dma_semaphore, #tpu.memory_space<semaphore_mem>>
        %dma_start3A = arith.constant 0 : i32
        %dma_start3A_86 = tpu.memref_slice %arg3[%add3A_80, %dma_start3A] : memref<25088x128xi32, #tpu.memory_space<hbm>> -> memref<16x128xi32, #tpu.memory_space<hbm>>
        %dma_start3A_87 = arith.constant 0 : i32
        %dma_start3A_88 = tpu.memref_slice %arg3[%add3A_80, %dma_start3A_87] : memref<25088x128xi32, #tpu.memory_space<hbm>> -> memref<16x128xi32, #tpu.memory_space<hbm>>
        tpu.enqueue_dma source(%dma_start3A_88 : memref<16x128xi32, #tpu.memory_space<hbm>>) target(%arg10 : memref<16x128xi32, #tpu.memory_space<vmem>>) target_semaphore(%run_scoped3A : memref<!tpu.dma_semaphore, #tpu.memory_space<semaphore_mem>>)
        %dma_wait3A = arith.constant 0 : i32
        %dma_wait3A_89 = tpu.memref_slice %arg3[%add3A_80, %dma_wait3A] : memref<25088x128xi32, #tpu.memory_space<hbm>> -> memref<16x128xi32, #tpu.memory_space<hbm>>
        %dma_wait3A_90 = arith.constant 0 : i32
        %dma_wait3A_91 = tpu.memref_slice %arg3[%add3A_80, %dma_wait3A_90] : memref<25088x128xi32, #tpu.memory_space<hbm>> -> memref<16x128xi32, #tpu.memory_space<hbm>>
        tpu.wait_dma2 semaphore(%run_scoped3A : memref<!tpu.dma_semaphore, #tpu.memory_space<semaphore_mem>>) src(%dma_wait3A_91 : memref<16x128xi32, #tpu.memory_space<hbm>>) dst(%arg10 : memref<16x128xi32, #tpu.memory_space<vmem>>)
        tpu.yield
      }) : () -> ()
      %scan3A_81 = arith.constant 0 : i32
      %scan3A_82 = arith.constant 8 : i32
      %scan3A_83 = arith.addi %scan3A_81, %scan3A_82 : i32
      %scan3A_84 = arith.constant 1 : i32
      scf.for %scan3A_86 = %scan3A_81 to %scan3A_83 step %scan3A_84  : i32 {
        %mul3A_87 = arith.constant 1 : i32
        %mul3A_88 = arith.muli %scan3A_86, %mul3A_87 : i32
        %add3A_89 = arith.constant 0 : i32
        %add3A_90 = arith.addi %add3A_89, %mul3A_88 : i32
        %mul3A_91 = arith.constant 2 : i32
        %mul3A_92 = arith.muli %add3A_90, %mul3A_91 : i32
        %dma_start3A = arith.constant 0 : i32
        %dma_start3A_93 = tpu.memref_slice %arg9[%mul3A_92, %dma_start3A] : memref<16x128xi32, #tpu.memory_space<vmem>> -> memref<1x128xi32, #tpu.memory_space<vmem>>
        %dma_start3A_94 = tpu.memref_squeeze %dma_start3A_93 : memref<1x128xi32, #tpu.memory_space<vmem>> -> memref<128xi32, #tpu.memory_space<vmem>>
        %dma_start3A_95 = arith.constant 0 : i32
        %dma_start3A_96 = tpu.memref_slice %arg7[%dma_start3A_95] : memref<100352xf32, #tpu.memory_space<vmem_shared>> -> memref<100352xf32, #tpu.memory_space<vmem_shared>>
        tpu.enqueue_indirect_dma source(%arg11 : memref<128xf32, #tpu.memory_space<vmem>>) target(%dma_start3A_96 : memref<100352xf32, #tpu.memory_space<vmem_shared>>) offsets(%dma_start3A_94 : memref<128xi32, #tpu.memory_space<vmem>>) semaphore(%arg12 : memref<!tpu.dma_semaphore, #tpu.memory_space<semaphore_mem>>) {add = true}
        %dma_start3A_97 = arith.constant 0 : i32
        %dma_start3A_98 = tpu.memref_slice %arg10[%mul3A_92, %dma_start3A_97] : memref<16x128xi32, #tpu.memory_space<vmem>> -> memref<1x128xi32, #tpu.memory_space<vmem>>
        %dma_start3A_99 = tpu.memref_squeeze %dma_start3A_98 : memref<1x128xi32, #tpu.memory_space<vmem>> -> memref<128xi32, #tpu.memory_space<vmem>>
        %dma_start3A_100 = arith.constant 0 : i32
        %dma_start3A_101 = tpu.memref_slice %arg8[%dma_start3A_100] : memref<100352xf32, #tpu.memory_space<vmem_shared>> -> memref<100352xf32, #tpu.memory_space<vmem_shared>>
        tpu.enqueue_indirect_dma source(%arg11 : memref<128xf32, #tpu.memory_space<vmem>>) target(%dma_start3A_101 : memref<100352xf32, #tpu.memory_space<vmem_shared>>) offsets(%dma_start3A_99 : memref<128xi32, #tpu.memory_space<vmem>>) semaphore(%arg12 : memref<!tpu.dma_semaphore, #tpu.memory_space<semaphore_mem>>) {add = true}
        %add3A_102 = arith.constant 1 : i32
        %add3A_103 = arith.addi %mul3A_92, %add3A_102 : i32
        %dma_start3A_104 = arith.constant 0 : i32
        %dma_start3A_105 = tpu.memref_slice %arg9[%add3A_103, %dma_start3A_104] : memref<16x128xi32, #tpu.memory_space<vmem>> -> memref<1x128xi32, #tpu.memory_space<vmem>>
        %dma_start3A_106 = tpu.memref_squeeze %dma_start3A_105 : memref<1x128xi32, #tpu.memory_space<vmem>> -> memref<128xi32, #tpu.memory_space<vmem>>
        %dma_start3A_107 = arith.constant 0 : i32
        %dma_start3A_108 = tpu.memref_slice %arg7[%dma_start3A_107] : memref<100352xf32, #tpu.memory_space<vmem_shared>> -> memref<100352xf32, #tpu.memory_space<vmem_shared>>
        tpu.enqueue_indirect_dma source(%arg11 : memref<128xf32, #tpu.memory_space<vmem>>) target(%dma_start3A_108 : memref<100352xf32, #tpu.memory_space<vmem_shared>>) offsets(%dma_start3A_106 : memref<128xi32, #tpu.memory_space<vmem>>) semaphore(%arg12 : memref<!tpu.dma_semaphore, #tpu.memory_space<semaphore_mem>>) {add = true}
        %add3A_109 = arith.constant 1 : i32
        %add3A_110 = arith.addi %mul3A_92, %add3A_109 : i32
        %dma_start3A_111 = arith.constant 0 : i32
        %dma_start3A_112 = tpu.memref_slice %arg10[%add3A_110, %dma_start3A_111] : memref<16x128xi32, #tpu.memory_space<vmem>> -> memref<1x128xi32, #tpu.memory_space<vmem>>
        %dma_start3A_113 = tpu.memref_squeeze %dma_start3A_112 : memref<1x128xi32, #tpu.memory_space<vmem>> -> memref<128xi32, #tpu.memory_space<vmem>>
        %dma_start3A_114 = arith.constant 0 : i32
        %dma_start3A_115 = tpu.memref_slice %arg8[%dma_start3A_114] : memref<100352xf32, #tpu.memory_space<vmem_shared>> -> memref<100352xf32, #tpu.memory_space<vmem_shared>>
        tpu.enqueue_indirect_dma source(%arg11 : memref<128xf32, #tpu.memory_space<vmem>>) target(%dma_start3A_115 : memref<100352xf32, #tpu.memory_space<vmem_shared>>) offsets(%dma_start3A_113 : memref<128xi32, #tpu.memory_space<vmem>>) semaphore(%arg12 : memref<!tpu.dma_semaphore, #tpu.memory_space<semaphore_mem>>) {add = true}
        %dma_wait3A = arith.constant 0 : i32
        %dma_wait3A_116 = tpu.memref_slice %arg9[%mul3A_92, %dma_wait3A] : memref<16x128xi32, #tpu.memory_space<vmem>> -> memref<1x128xi32, #tpu.memory_space<vmem>>
        %dma_wait3A_117 = tpu.memref_squeeze %dma_wait3A_116 : memref<1x128xi32, #tpu.memory_space<vmem>> -> memref<128xi32, #tpu.memory_space<vmem>>
        %dma_wait3A_118 = arith.constant 0 : i32
        %dma_wait3A_119 = tpu.memref_slice %arg7[%dma_wait3A_118] : memref<100352xf32, #tpu.memory_space<vmem_shared>> -> memref<100352xf32, #tpu.memory_space<vmem_shared>>
        tpu.wait_indirect_dma semaphore(%arg12 : memref<!tpu.dma_semaphore, #tpu.memory_space<semaphore_mem>>) src(%arg11 : memref<128xf32, #tpu.memory_space<vmem>>) dst(%dma_wait3A_119 : memref<100352xf32, #tpu.memory_space<vmem_shared>>)
        %dma_wait3A_120 = arith.constant 0 : i32
        %dma_wait3A_121 = tpu.memref_slice %arg10[%mul3A_92, %dma_wait3A_120] : memref<16x128xi32, #tpu.memory_space<vmem>> -> memref<1x128xi32, #tpu.memory_space<vmem>>
        %dma_wait3A_122 = tpu.memref_squeeze %dma_wait3A_121 : memref<1x128xi32, #tpu.memory_space<vmem>> -> memref<128xi32, #tpu.memory_space<vmem>>
        %dma_wait3A_123 = arith.constant 0 : i32
        %dma_wait3A_124 = tpu.memref_slice %arg8[%dma_wait3A_123] : memref<100352xf32, #tpu.memory_space<vmem_shared>> -> memref<100352xf32, #tpu.memory_space<vmem_shared>>
        tpu.wait_indirect_dma semaphore(%arg12 : memref<!tpu.dma_semaphore, #tpu.memory_space<semaphore_mem>>) src(%arg11 : memref<128xf32, #tpu.memory_space<vmem>>) dst(%dma_wait3A_124 : memref<100352xf32, #tpu.memory_space<vmem_shared>>)
        %dma_wait3A_125 = arith.constant 0 : i32
        %dma_wait3A_126 = tpu.memref_slice %arg9[%add3A_103, %dma_wait3A_125] : memref<16x128xi32, #tpu.memory_space<vmem>> -> memref<1x128xi32, #tpu.memory_space<vmem>>
        %dma_wait3A_127 = tpu.memref_squeeze %dma_wait3A_126 : memref<1x128xi32, #tpu.memory_space<vmem>> -> memref<128xi32, #tpu.memory_space<vmem>>
        %dma_wait3A_128 = arith.constant 0 : i32
        %dma_wait3A_129 = tpu.memref_slice %arg7[%dma_wait3A_128] : memref<100352xf32, #tpu.memory_space<vmem_shared>> -> memref<100352xf32, #tpu.memory_space<vmem_shared>>
        tpu.wait_indirect_dma semaphore(%arg12 : memref<!tpu.dma_semaphore, #tpu.memory_space<semaphore_mem>>) src(%arg11 : memref<128xf32, #tpu.memory_space<vmem>>) dst(%dma_wait3A_129 : memref<100352xf32, #tpu.memory_space<vmem_shared>>)
        %dma_wait3A_130 = arith.constant 0 : i32
        %dma_wait3A_131 = tpu.memref_slice %arg10[%add3A_110, %dma_wait3A_130] : memref<16x128xi32, #tpu.memory_space<vmem>> -> memref<1x128xi32, #tpu.memory_space<vmem>>
        %dma_wait3A_132 = tpu.memref_squeeze %dma_wait3A_131 : memref<1x128xi32, #tpu.memory_space<vmem>> -> memref<128xi32, #tpu.memory_space<vmem>>
        %dma_wait3A_133 = arith.constant 0 : i32
        %dma_wait3A_134 = tpu.memref_slice %arg8[%dma_wait3A_133] : memref<100352xf32, #tpu.memory_space<vmem_shared>> -> memref<100352xf32, #tpu.memory_space<vmem_shared>>
        tpu.wait_indirect_dma semaphore(%arg12 : memref<!tpu.dma_semaphore, #tpu.memory_space<semaphore_mem>>) src(%arg11 : memref<128xf32, #tpu.memory_space<vmem>>) dst(%dma_wait3A_134 : memref<100352xf32, #tpu.memory_space<vmem_shared>>)
      }
      %scan3A_85 = arith.constant 8 : i32
    }
    %scan3A_60 = arith.constant 49 : i32
    %barrier3A_61 = arith.constant 0 : index
    tpu.barrier barrier_id(%barrier3A_61)
    %mul3A_62 = arith.constant 6272 : i32
    %mul3A_63 = arith.muli %arg1, %mul3A_62 : i32
    %mul3A_64 = arith.constant 6272 : i32
    %mul3A_65 = arith.muli %arg1, %mul3A_64 : i32
    "tpu.region"() ({
      %run_scoped3A = tpu.sem_alloc : memref<!tpu.dma_semaphore, #tpu.memory_space<semaphore_mem>>
      %dma_start3A = tpu.memref_slice %arg5[%arg0, %mul3A_65] : memref<2x100352xf32, #tpu.memory_space<hbm>> -> memref<1x6272xf32, #tpu.memory_space<hbm>>
      %dma_start3A_70 = tpu.memref_squeeze %dma_start3A : memref<1x6272xf32, #tpu.memory_space<hbm>> -> memref<6272xf32, #tpu.memory_space<hbm>>
      %dma_start3A_71 = tpu.memref_slice %arg7[%mul3A_63] : memref<100352xf32, #tpu.memory_space<vmem_shared>> -> memref<6272xf32, #tpu.memory_space<vmem_shared>>
      tpu.enqueue_dma source(%dma_start3A_71 : memref<6272xf32, #tpu.memory_space<vmem_shared>>) target(%dma_start3A_70 : memref<6272xf32, #tpu.memory_space<hbm>>) target_semaphore(%run_scoped3A : memref<!tpu.dma_semaphore, #tpu.memory_space<semaphore_mem>>)
      %dma_wait3A = tpu.memref_slice %arg5[%arg0, %mul3A_65] : memref<2x100352xf32, #tpu.memory_space<hbm>> -> memref<1x6272xf32, #tpu.memory_space<hbm>>
      %dma_wait3A_72 = tpu.memref_squeeze %dma_wait3A : memref<1x6272xf32, #tpu.memory_space<hbm>> -> memref<6272xf32, #tpu.memory_space<hbm>>
      %dma_wait3A_73 = tpu.memref_slice %arg7[%mul3A_63] : memref<100352xf32, #tpu.memory_space<vmem_shared>> -> memref<6272xf32, #tpu.memory_space<vmem_shared>>
      tpu.wait_dma2 semaphore(%run_scoped3A : memref<!tpu.dma_semaphore, #tpu.memory_space<semaphore_mem>>) src(%dma_wait3A_73 : memref<6272xf32, #tpu.memory_space<vmem_shared>>) dst(%dma_wait3A_72 : memref<6272xf32, #tpu.memory_space<hbm>>)
      tpu.yield
    }) : () -> ()
    %mul3A_66 = arith.constant 6272 : i32
    %mul3A_67 = arith.muli %arg1, %mul3A_66 : i32
    %mul3A_68 = arith.constant 6272 : i32
    %mul3A_69 = arith.muli %arg1, %mul3A_68 : i32
    "tpu.region"() ({
      %run_scoped3A = tpu.sem_alloc : memref<!tpu.dma_semaphore, #tpu.memory_space<semaphore_mem>>
      %dma_start3A = tpu.memref_slice %arg6[%arg0, %mul3A_69] : memref<2x100352xf32, #tpu.memory_space<hbm>> -> memref<1x6272xf32, #tpu.memory_space<hbm>>
      %dma_start3A_70 = tpu.memref_squeeze %dma_start3A : memref<1x6272xf32, #tpu.memory_space<hbm>> -> memref<6272xf32, #tpu.memory_space<hbm>>
      %dma_start3A_71 = tpu.memref_slice %arg8[%mul3A_67] : memref<100352xf32, #tpu.memory_space<vmem_shared>> -> memref<6272xf32, #tpu.memory_space<vmem_shared>>
      tpu.enqueue_dma source(%dma_start3A_71 : memref<6272xf32, #tpu.memory_space<vmem_shared>>) target(%dma_start3A_70 : memref<6272xf32, #tpu.memory_space<hbm>>) target_semaphore(%run_scoped3A : memref<!tpu.dma_semaphore, #tpu.memory_space<semaphore_mem>>)
      %dma_wait3A = tpu.memref_slice %arg6[%arg0, %mul3A_69] : memref<2x100352xf32, #tpu.memory_space<hbm>> -> memref<1x6272xf32, #tpu.memory_space<hbm>>
      %dma_wait3A_72 = tpu.memref_squeeze %dma_wait3A : memref<1x6272xf32, #tpu.memory_space<hbm>> -> memref<6272xf32, #tpu.memory_space<hbm>>
      %dma_wait3A_73 = tpu.memref_slice %arg8[%mul3A_67] : memref<100352xf32, #tpu.memory_space<vmem_shared>> -> memref<6272xf32, #tpu.memory_space<vmem_shared>>
      tpu.wait_dma2 semaphore(%run_scoped3A : memref<!tpu.dma_semaphore, #tpu.memory_space<semaphore_mem>>) src(%dma_wait3A_73 : memref<6272xf32, #tpu.memory_space<vmem_shared>>) dst(%dma_wait3A_72 : memref<6272xf32, #tpu.memory_space<hbm>>)
      tpu.yield
    }) : () -> ()
    return
  }
}

#map = affine_map<(d0, d1) -> (0, 0)>
#map1 = affine_map<(d0, d1) -> (0)>
#map2 = affine_map<(d0, d1) -> (0, 0, 0)>
module attributes {stable_mosaic.version = 14 : i64} {
  func.func @_edge_pass(%arg0: i32, %arg1: i32, %arg2: memref<25088x128xi32, #tpu.memory_space<hbm>>, %arg3: memref<25088x128xi32, #tpu.memory_space<hbm>>, %arg4: memref<4x100352xf32, #tpu.memory_space<hbm>>, %arg5: memref<100352xf32, #tpu.memory_space<hbm>>, %arg6: memref<2x4x100352xf32, #tpu.memory_space<hbm>>, %arg7: memref<100352xf32, #tpu.memory_space<vmem_shared>>, %arg8: memref<100352xf32, #tpu.memory_space<vmem_shared>>, %arg9: memref<100352xf32, #tpu.memory_space<vmem_shared>>, %arg10: memref<100352xf32, #tpu.memory_space<vmem_shared>>, %arg11: memref<100352xf32, #tpu.memory_space<vmem_shared>>, %arg12: memref<100352xf32, #tpu.memory_space<vmem_shared>>, %arg13: memref<100352xf32, #tpu.memory_space<vmem_shared>>, %arg14: memref<100352xf32, #tpu.memory_space<vmem_shared>>, %arg15: memref<16x128xi32, #tpu.memory_space<vmem>>, %arg16: memref<16x128xi32, #tpu.memory_space<vmem>>, %arg17: memref<2x4x128xf32, #tpu.memory_space<vmem>>, %arg18: memref<!tpu.dma_semaphore, #tpu.memory_space<semaphore_mem>>, %arg19: memref<!tpu.dma_semaphore, #tpu.memory_space<semaphore_mem>>) attributes {dimension_semantics = [#tpu.dimension_semantics<core_parallel>, #tpu.dimension_semantics<subcore_parallel>], iteration_bounds = array<i64: 2, 16>, scalar_prefetch = 0 : i64, scratch_operands = 13 : i64, tpu.core_type = #tpu.core_type<sc_vector_subcore>, window_params = [{transform_indices = #map}, {transform_indices = #map}, {transform_indices = #map}, {transform_indices = #map1}, {transform_indices = #map2}]} {
    %mul3A = arith.constant 6272 : i32
    %mul3A_0 = arith.muli %arg1, %mul3A : i32
    %mul3A_1 = arith.constant 6272 : i32
    %mul3A_2 = arith.muli %arg1, %mul3A_1 : i32
    %run_scoped3A = arith.constant 0 : i32
    "tpu.region"() ({
      %run_scoped3A_63 = tpu.sem_alloc : memref<!tpu.dma_semaphore, #tpu.memory_space<semaphore_mem>>
      %dma_start3A = tpu.memref_slice %arg7[%mul3A_2] : memref<100352xf32, #tpu.memory_space<vmem_shared>> -> memref<6272xf32, #tpu.memory_space<vmem_shared>>
      %dma_start3A_64 = tpu.memref_slice %arg4[%run_scoped3A, %mul3A_0] : memref<4x100352xf32, #tpu.memory_space<hbm>> -> memref<1x6272xf32, #tpu.memory_space<hbm>>
      %dma_start3A_65 = tpu.memref_squeeze %dma_start3A_64 : memref<1x6272xf32, #tpu.memory_space<hbm>> -> memref<6272xf32, #tpu.memory_space<hbm>>
      tpu.enqueue_dma source(%dma_start3A_65 : memref<6272xf32, #tpu.memory_space<hbm>>) target(%dma_start3A : memref<6272xf32, #tpu.memory_space<vmem_shared>>) target_semaphore(%run_scoped3A_63 : memref<!tpu.dma_semaphore, #tpu.memory_space<semaphore_mem>>)
      %dma_wait3A = tpu.memref_slice %arg7[%mul3A_2] : memref<100352xf32, #tpu.memory_space<vmem_shared>> -> memref<6272xf32, #tpu.memory_space<vmem_shared>>
      %dma_wait3A_66 = tpu.memref_slice %arg4[%run_scoped3A, %mul3A_0] : memref<4x100352xf32, #tpu.memory_space<hbm>> -> memref<1x6272xf32, #tpu.memory_space<hbm>>
      %dma_wait3A_67 = tpu.memref_squeeze %dma_wait3A_66 : memref<1x6272xf32, #tpu.memory_space<hbm>> -> memref<6272xf32, #tpu.memory_space<hbm>>
      tpu.wait_dma2 semaphore(%run_scoped3A_63 : memref<!tpu.dma_semaphore, #tpu.memory_space<semaphore_mem>>) src(%dma_wait3A_67 : memref<6272xf32, #tpu.memory_space<hbm>>) dst(%dma_wait3A : memref<6272xf32, #tpu.memory_space<vmem_shared>>)
      tpu.yield
    }) : () -> ()
    %mul3A_3 = arith.constant 6272 : i32
    %mul3A_4 = arith.muli %arg1, %mul3A_3 : i32
    %mul3A_5 = arith.constant 6272 : i32
    %mul3A_6 = arith.muli %arg1, %mul3A_5 : i32
    "tpu.region"() ({
      %run_scoped3A_63 = tpu.sem_alloc : memref<!tpu.dma_semaphore, #tpu.memory_space<semaphore_mem>>
      %dma_start3A = tpu.memref_slice %arg11[%mul3A_6] : memref<100352xf32, #tpu.memory_space<vmem_shared>> -> memref<6272xf32, #tpu.memory_space<vmem_shared>>
      %dma_start3A_64 = tpu.memref_slice %arg5[%mul3A_4] : memref<100352xf32, #tpu.memory_space<hbm>> -> memref<6272xf32, #tpu.memory_space<hbm>>
      tpu.enqueue_dma source(%dma_start3A_64 : memref<6272xf32, #tpu.memory_space<hbm>>) target(%dma_start3A : memref<6272xf32, #tpu.memory_space<vmem_shared>>) target_semaphore(%run_scoped3A_63 : memref<!tpu.dma_semaphore, #tpu.memory_space<semaphore_mem>>)
      %dma_wait3A = tpu.memref_slice %arg11[%mul3A_6] : memref<100352xf32, #tpu.memory_space<vmem_shared>> -> memref<6272xf32, #tpu.memory_space<vmem_shared>>
      %dma_wait3A_65 = tpu.memref_slice %arg5[%mul3A_4] : memref<100352xf32, #tpu.memory_space<hbm>> -> memref<6272xf32, #tpu.memory_space<hbm>>
      tpu.wait_dma2 semaphore(%run_scoped3A_63 : memref<!tpu.dma_semaphore, #tpu.memory_space<semaphore_mem>>) src(%dma_wait3A_65 : memref<6272xf32, #tpu.memory_space<hbm>>) dst(%dma_wait3A : memref<6272xf32, #tpu.memory_space<vmem_shared>>)
      tpu.yield
    }) : () -> ()
    %mul3A_7 = arith.constant 6272 : i32
    %mul3A_8 = arith.muli %arg1, %mul3A_7 : i32
    %mul3A_9 = arith.constant 6272 : i32
    %mul3A_10 = arith.muli %arg1, %mul3A_9 : i32
    %run_scoped3A_11 = arith.constant 1 : i32
    "tpu.region"() ({
      %run_scoped3A_63 = tpu.sem_alloc : memref<!tpu.dma_semaphore, #tpu.memory_space<semaphore_mem>>
      %dma_start3A = tpu.memref_slice %arg8[%mul3A_10] : memref<100352xf32, #tpu.memory_space<vmem_shared>> -> memref<6272xf32, #tpu.memory_space<vmem_shared>>
      %dma_start3A_64 = tpu.memref_slice %arg4[%run_scoped3A_11, %mul3A_8] : memref<4x100352xf32, #tpu.memory_space<hbm>> -> memref<1x6272xf32, #tpu.memory_space<hbm>>
      %dma_start3A_65 = tpu.memref_squeeze %dma_start3A_64 : memref<1x6272xf32, #tpu.memory_space<hbm>> -> memref<6272xf32, #tpu.memory_space<hbm>>
      tpu.enqueue_dma source(%dma_start3A_65 : memref<6272xf32, #tpu.memory_space<hbm>>) target(%dma_start3A : memref<6272xf32, #tpu.memory_space<vmem_shared>>) target_semaphore(%run_scoped3A_63 : memref<!tpu.dma_semaphore, #tpu.memory_space<semaphore_mem>>)
      %dma_wait3A = tpu.memref_slice %arg8[%mul3A_10] : memref<100352xf32, #tpu.memory_space<vmem_shared>> -> memref<6272xf32, #tpu.memory_space<vmem_shared>>
      %dma_wait3A_66 = tpu.memref_slice %arg4[%run_scoped3A_11, %mul3A_8] : memref<4x100352xf32, #tpu.memory_space<hbm>> -> memref<1x6272xf32, #tpu.memory_space<hbm>>
      %dma_wait3A_67 = tpu.memref_squeeze %dma_wait3A_66 : memref<1x6272xf32, #tpu.memory_space<hbm>> -> memref<6272xf32, #tpu.memory_space<hbm>>
      tpu.wait_dma2 semaphore(%run_scoped3A_63 : memref<!tpu.dma_semaphore, #tpu.memory_space<semaphore_mem>>) src(%dma_wait3A_67 : memref<6272xf32, #tpu.memory_space<hbm>>) dst(%dma_wait3A : memref<6272xf32, #tpu.memory_space<vmem_shared>>)
      tpu.yield
    }) : () -> ()
    %mul3A_12 = arith.constant 6272 : i32
    %mul3A_13 = arith.muli %arg1, %mul3A_12 : i32
    %mul3A_14 = arith.constant 6272 : i32
    %mul3A_15 = arith.muli %arg1, %mul3A_14 : i32
    "tpu.region"() ({
      %run_scoped3A_63 = tpu.sem_alloc : memref<!tpu.dma_semaphore, #tpu.memory_space<semaphore_mem>>
      %dma_start3A = tpu.memref_slice %arg12[%mul3A_15] : memref<100352xf32, #tpu.memory_space<vmem_shared>> -> memref<6272xf32, #tpu.memory_space<vmem_shared>>
      %dma_start3A_64 = tpu.memref_slice %arg5[%mul3A_13] : memref<100352xf32, #tpu.memory_space<hbm>> -> memref<6272xf32, #tpu.memory_space<hbm>>
      tpu.enqueue_dma source(%dma_start3A_64 : memref<6272xf32, #tpu.memory_space<hbm>>) target(%dma_start3A : memref<6272xf32, #tpu.memory_space<vmem_shared>>) target_semaphore(%run_scoped3A_63 : memref<!tpu.dma_semaphore, #tpu.memory_space<semaphore_mem>>)
      %dma_wait3A = tpu.memref_slice %arg12[%mul3A_15] : memref<100352xf32, #tpu.memory_space<vmem_shared>> -> memref<6272xf32, #tpu.memory_space<vmem_shared>>
      %dma_wait3A_65 = tpu.memref_slice %arg5[%mul3A_13] : memref<100352xf32, #tpu.memory_space<hbm>> -> memref<6272xf32, #tpu.memory_space<hbm>>
      tpu.wait_dma2 semaphore(%run_scoped3A_63 : memref<!tpu.dma_semaphore, #tpu.memory_space<semaphore_mem>>) src(%dma_wait3A_65 : memref<6272xf32, #tpu.memory_space<hbm>>) dst(%dma_wait3A : memref<6272xf32, #tpu.memory_space<vmem_shared>>)
      tpu.yield
    }) : () -> ()
    %mul3A_16 = arith.constant 6272 : i32
    %mul3A_17 = arith.muli %arg1, %mul3A_16 : i32
    %mul3A_18 = arith.constant 6272 : i32
    %mul3A_19 = arith.muli %arg1, %mul3A_18 : i32
    %run_scoped3A_20 = arith.constant 2 : i32
    "tpu.region"() ({
      %run_scoped3A_63 = tpu.sem_alloc : memref<!tpu.dma_semaphore, #tpu.memory_space<semaphore_mem>>
      %dma_start3A = tpu.memref_slice %arg9[%mul3A_19] : memref<100352xf32, #tpu.memory_space<vmem_shared>> -> memref<6272xf32, #tpu.memory_space<vmem_shared>>
      %dma_start3A_64 = tpu.memref_slice %arg4[%run_scoped3A_20, %mul3A_17] : memref<4x100352xf32, #tpu.memory_space<hbm>> -> memref<1x6272xf32, #tpu.memory_space<hbm>>
      %dma_start3A_65 = tpu.memref_squeeze %dma_start3A_64 : memref<1x6272xf32, #tpu.memory_space<hbm>> -> memref<6272xf32, #tpu.memory_space<hbm>>
      tpu.enqueue_dma source(%dma_start3A_65 : memref<6272xf32, #tpu.memory_space<hbm>>) target(%dma_start3A : memref<6272xf32, #tpu.memory_space<vmem_shared>>) target_semaphore(%run_scoped3A_63 : memref<!tpu.dma_semaphore, #tpu.memory_space<semaphore_mem>>)
      %dma_wait3A = tpu.memref_slice %arg9[%mul3A_19] : memref<100352xf32, #tpu.memory_space<vmem_shared>> -> memref<6272xf32, #tpu.memory_space<vmem_shared>>
      %dma_wait3A_66 = tpu.memref_slice %arg4[%run_scoped3A_20, %mul3A_17] : memref<4x100352xf32, #tpu.memory_space<hbm>> -> memref<1x6272xf32, #tpu.memory_space<hbm>>
      %dma_wait3A_67 = tpu.memref_squeeze %dma_wait3A_66 : memref<1x6272xf32, #tpu.memory_space<hbm>> -> memref<6272xf32, #tpu.memory_space<hbm>>
      tpu.wait_dma2 semaphore(%run_scoped3A_63 : memref<!tpu.dma_semaphore, #tpu.memory_space<semaphore_mem>>) src(%dma_wait3A_67 : memref<6272xf32, #tpu.memory_space<hbm>>) dst(%dma_wait3A : memref<6272xf32, #tpu.memory_space<vmem_shared>>)
      tpu.yield
    }) : () -> ()
    %mul3A_21 = arith.constant 6272 : i32
    %mul3A_22 = arith.muli %arg1, %mul3A_21 : i32
    %mul3A_23 = arith.constant 6272 : i32
    %mul3A_24 = arith.muli %arg1, %mul3A_23 : i32
    "tpu.region"() ({
      %run_scoped3A_63 = tpu.sem_alloc : memref<!tpu.dma_semaphore, #tpu.memory_space<semaphore_mem>>
      %dma_start3A = tpu.memref_slice %arg13[%mul3A_24] : memref<100352xf32, #tpu.memory_space<vmem_shared>> -> memref<6272xf32, #tpu.memory_space<vmem_shared>>
      %dma_start3A_64 = tpu.memref_slice %arg5[%mul3A_22] : memref<100352xf32, #tpu.memory_space<hbm>> -> memref<6272xf32, #tpu.memory_space<hbm>>
      tpu.enqueue_dma source(%dma_start3A_64 : memref<6272xf32, #tpu.memory_space<hbm>>) target(%dma_start3A : memref<6272xf32, #tpu.memory_space<vmem_shared>>) target_semaphore(%run_scoped3A_63 : memref<!tpu.dma_semaphore, #tpu.memory_space<semaphore_mem>>)
      %dma_wait3A = tpu.memref_slice %arg13[%mul3A_24] : memref<100352xf32, #tpu.memory_space<vmem_shared>> -> memref<6272xf32, #tpu.memory_space<vmem_shared>>
      %dma_wait3A_65 = tpu.memref_slice %arg5[%mul3A_22] : memref<100352xf32, #tpu.memory_space<hbm>> -> memref<6272xf32, #tpu.memory_space<hbm>>
      tpu.wait_dma2 semaphore(%run_scoped3A_63 : memref<!tpu.dma_semaphore, #tpu.memory_space<semaphore_mem>>) src(%dma_wait3A_65 : memref<6272xf32, #tpu.memory_space<hbm>>) dst(%dma_wait3A : memref<6272xf32, #tpu.memory_space<vmem_shared>>)
      tpu.yield
    }) : () -> ()
    %mul3A_25 = arith.constant 6272 : i32
    %mul3A_26 = arith.muli %arg1, %mul3A_25 : i32
    %mul3A_27 = arith.constant 6272 : i32
    %mul3A_28 = arith.muli %arg1, %mul3A_27 : i32
    %run_scoped3A_29 = arith.constant 3 : i32
    "tpu.region"() ({
      %run_scoped3A_63 = tpu.sem_alloc : memref<!tpu.dma_semaphore, #tpu.memory_space<semaphore_mem>>
      %dma_start3A = tpu.memref_slice %arg10[%mul3A_28] : memref<100352xf32, #tpu.memory_space<vmem_shared>> -> memref<6272xf32, #tpu.memory_space<vmem_shared>>
      %dma_start3A_64 = tpu.memref_slice %arg4[%run_scoped3A_29, %mul3A_26] : memref<4x100352xf32, #tpu.memory_space<hbm>> -> memref<1x6272xf32, #tpu.memory_space<hbm>>
      %dma_start3A_65 = tpu.memref_squeeze %dma_start3A_64 : memref<1x6272xf32, #tpu.memory_space<hbm>> -> memref<6272xf32, #tpu.memory_space<hbm>>
      tpu.enqueue_dma source(%dma_start3A_65 : memref<6272xf32, #tpu.memory_space<hbm>>) target(%dma_start3A : memref<6272xf32, #tpu.memory_space<vmem_shared>>) target_semaphore(%run_scoped3A_63 : memref<!tpu.dma_semaphore, #tpu.memory_space<semaphore_mem>>)
      %dma_wait3A = tpu.memref_slice %arg10[%mul3A_28] : memref<100352xf32, #tpu.memory_space<vmem_shared>> -> memref<6272xf32, #tpu.memory_space<vmem_shared>>
      %dma_wait3A_66 = tpu.memref_slice %arg4[%run_scoped3A_29, %mul3A_26] : memref<4x100352xf32, #tpu.memory_space<hbm>> -> memref<1x6272xf32, #tpu.memory_space<hbm>>
      %dma_wait3A_67 = tpu.memref_squeeze %dma_wait3A_66 : memref<1x6272xf32, #tpu.memory_space<hbm>> -> memref<6272xf32, #tpu.memory_space<hbm>>
      tpu.wait_dma2 semaphore(%run_scoped3A_63 : memref<!tpu.dma_semaphore, #tpu.memory_space<semaphore_mem>>) src(%dma_wait3A_67 : memref<6272xf32, #tpu.memory_space<hbm>>) dst(%dma_wait3A : memref<6272xf32, #tpu.memory_space<vmem_shared>>)
      tpu.yield
    }) : () -> ()
    %mul3A_30 = arith.constant 6272 : i32
    %mul3A_31 = arith.muli %arg1, %mul3A_30 : i32
    %mul3A_32 = arith.constant 6272 : i32
    %mul3A_33 = arith.muli %arg1, %mul3A_32 : i32
    "tpu.region"() ({
      %run_scoped3A_63 = tpu.sem_alloc : memref<!tpu.dma_semaphore, #tpu.memory_space<semaphore_mem>>
      %dma_start3A = tpu.memref_slice %arg14[%mul3A_33] : memref<100352xf32, #tpu.memory_space<vmem_shared>> -> memref<6272xf32, #tpu.memory_space<vmem_shared>>
      %dma_start3A_64 = tpu.memref_slice %arg5[%mul3A_31] : memref<100352xf32, #tpu.memory_space<hbm>> -> memref<6272xf32, #tpu.memory_space<hbm>>
      tpu.enqueue_dma source(%dma_start3A_64 : memref<6272xf32, #tpu.memory_space<hbm>>) target(%dma_start3A : memref<6272xf32, #tpu.memory_space<vmem_shared>>) target_semaphore(%run_scoped3A_63 : memref<!tpu.dma_semaphore, #tpu.memory_space<semaphore_mem>>)
      %dma_wait3A = tpu.memref_slice %arg14[%mul3A_33] : memref<100352xf32, #tpu.memory_space<vmem_shared>> -> memref<6272xf32, #tpu.memory_space<vmem_shared>>
      %dma_wait3A_65 = tpu.memref_slice %arg5[%mul3A_31] : memref<100352xf32, #tpu.memory_space<hbm>> -> memref<6272xf32, #tpu.memory_space<hbm>>
      tpu.wait_dma2 semaphore(%run_scoped3A_63 : memref<!tpu.dma_semaphore, #tpu.memory_space<semaphore_mem>>) src(%dma_wait3A_65 : memref<6272xf32, #tpu.memory_space<hbm>>) dst(%dma_wait3A : memref<6272xf32, #tpu.memory_space<vmem_shared>>)
      tpu.yield
    }) : () -> ()
    %barrier3A = arith.constant 0 : index
    tpu.barrier barrier_id(%barrier3A)
    %mul3A_34 = arith.constant 16 : i32
    %mul3A_35 = arith.muli %arg0, %mul3A_34 : i32
    %add3A = arith.addi %mul3A_35, %arg1 : i32
    %mul3A_36 = arith.constant 784 : i32
    %mul3A_37 = arith.muli %add3A, %mul3A_36 : i32
    %scan3A = arith.constant 0 : i32
    %scan3A_38 = arith.constant 49 : i32
    %scan3A_39 = arith.addi %scan3A, %scan3A_38 : i32
    %scan3A_40 = arith.constant 1 : i32
    scf.for %scan3A_63 = %scan3A to %scan3A_39 step %scan3A_40  : i32 {
      %mul3A_64 = arith.constant 1 : i32
      %mul3A_65 = arith.muli %scan3A_63, %mul3A_64 : i32
      %add3A_66 = arith.constant 0 : i32
      %add3A_67 = arith.addi %add3A_66, %mul3A_65 : i32
      %mul3A_68 = arith.constant 16 : i32
      %mul3A_69 = arith.muli %add3A_67, %mul3A_68 : i32
      %add3A_70 = arith.addi %mul3A_37, %mul3A_69 : i32
      "tpu.region"() ({
        %run_scoped3A_122 = tpu.sem_alloc : memref<!tpu.dma_semaphore, #tpu.memory_space<semaphore_mem>>
        %dma_start3A_123 = arith.constant 0 : i32
        %dma_start3A_124 = tpu.memref_slice %arg2[%add3A_70, %dma_start3A_123] : memref<25088x128xi32, #tpu.memory_space<hbm>> -> memref<16x128xi32, #tpu.memory_space<hbm>>
        %dma_start3A_125 = arith.constant 0 : i32
        %dma_start3A_126 = tpu.memref_slice %arg2[%add3A_70, %dma_start3A_125] : memref<25088x128xi32, #tpu.memory_space<hbm>> -> memref<16x128xi32, #tpu.memory_space<hbm>>
        tpu.enqueue_dma source(%dma_start3A_126 : memref<16x128xi32, #tpu.memory_space<hbm>>) target(%arg15 : memref<16x128xi32, #tpu.memory_space<vmem>>) target_semaphore(%run_scoped3A_122 : memref<!tpu.dma_semaphore, #tpu.memory_space<semaphore_mem>>)
        %dma_wait3A = arith.constant 0 : i32
        %dma_wait3A_127 = tpu.memref_slice %arg2[%add3A_70, %dma_wait3A] : memref<25088x128xi32, #tpu.memory_space<hbm>> -> memref<16x128xi32, #tpu.memory_space<hbm>>
        %dma_wait3A_128 = arith.constant 0 : i32
        %dma_wait3A_129 = tpu.memref_slice %arg2[%add3A_70, %dma_wait3A_128] : memref<25088x128xi32, #tpu.memory_space<hbm>> -> memref<16x128xi32, #tpu.memory_space<hbm>>
        tpu.wait_dma2 semaphore(%run_scoped3A_122 : memref<!tpu.dma_semaphore, #tpu.memory_space<semaphore_mem>>) src(%dma_wait3A_129 : memref<16x128xi32, #tpu.memory_space<hbm>>) dst(%arg15 : memref<16x128xi32, #tpu.memory_space<vmem>>)
        tpu.yield
      }) : () -> ()
      %mul3A_71 = arith.constant 16 : i32
      %mul3A_72 = arith.muli %add3A_67, %mul3A_71 : i32
      %add3A_73 = arith.addi %mul3A_37, %mul3A_72 : i32
      "tpu.region"() ({
        %run_scoped3A_122 = tpu.sem_alloc : memref<!tpu.dma_semaphore, #tpu.memory_space<semaphore_mem>>
        %dma_start3A_123 = arith.constant 0 : i32
        %dma_start3A_124 = tpu.memref_slice %arg3[%add3A_73, %dma_start3A_123] : memref<25088x128xi32, #tpu.memory_space<hbm>> -> memref<16x128xi32, #tpu.memory_space<hbm>>
        %dma_start3A_125 = arith.constant 0 : i32
        %dma_start3A_126 = tpu.memref_slice %arg3[%add3A_73, %dma_start3A_125] : memref<25088x128xi32, #tpu.memory_space<hbm>> -> memref<16x128xi32, #tpu.memory_space<hbm>>
        tpu.enqueue_dma source(%dma_start3A_126 : memref<16x128xi32, #tpu.memory_space<hbm>>) target(%arg16 : memref<16x128xi32, #tpu.memory_space<vmem>>) target_semaphore(%run_scoped3A_122 : memref<!tpu.dma_semaphore, #tpu.memory_space<semaphore_mem>>)
        %dma_wait3A = arith.constant 0 : i32
        %dma_wait3A_127 = tpu.memref_slice %arg3[%add3A_73, %dma_wait3A] : memref<25088x128xi32, #tpu.memory_space<hbm>> -> memref<16x128xi32, #tpu.memory_space<hbm>>
        %dma_wait3A_128 = arith.constant 0 : i32
        %dma_wait3A_129 = tpu.memref_slice %arg3[%add3A_73, %dma_wait3A_128] : memref<25088x128xi32, #tpu.memory_space<hbm>> -> memref<16x128xi32, #tpu.memory_space<hbm>>
        tpu.wait_dma2 semaphore(%run_scoped3A_122 : memref<!tpu.dma_semaphore, #tpu.memory_space<semaphore_mem>>) src(%dma_wait3A_129 : memref<16x128xi32, #tpu.memory_space<hbm>>) dst(%arg16 : memref<16x128xi32, #tpu.memory_space<vmem>>)
        tpu.yield
      }) : () -> ()
      %dma_start3A = arith.constant 0 : i32
      %dma_start3A_74 = arith.constant 0 : i32
      %dma_start3A_75 = arith.constant 0 : i32
      %dma_start3A_76 = arith.constant 0 : i32
      %dma_start3A_77 = tpu.memref_slice %arg17[%dma_start3A_74, %dma_start3A_75, %dma_start3A_76] : memref<2x4x128xf32, #tpu.memory_space<vmem>> -> memref<1x1x128xf32, #tpu.memory_space<vmem>>
      %dma_start3A_78 = tpu.memref_squeeze %dma_start3A_77 : memref<1x1x128xf32, #tpu.memory_space<vmem>> -> memref<128xf32, #tpu.memory_space<vmem>>
      %dma_start3A_79 = arith.constant 0 : i32
      %dma_start3A_80 = tpu.memref_slice %arg15[%dma_start3A, %dma_start3A_79] : memref<16x128xi32, #tpu.memory_space<vmem>> -> memref<1x128xi32, #tpu.memory_space<vmem>>
      %dma_start3A_81 = tpu.memref_squeeze %dma_start3A_80 : memref<1x128xi32, #tpu.memory_space<vmem>> -> memref<128xi32, #tpu.memory_space<vmem>>
      %dma_start3A_82 = arith.constant 0 : i32
      %dma_start3A_83 = tpu.memref_slice %arg7[%dma_start3A_82] : memref<100352xf32, #tpu.memory_space<vmem_shared>> -> memref<100352xf32, #tpu.memory_space<vmem_shared>>
      tpu.enqueue_indirect_dma source(%dma_start3A_83 : memref<100352xf32, #tpu.memory_space<vmem_shared>>) target(%dma_start3A_78 : memref<128xf32, #tpu.memory_space<vmem>>) offsets(%dma_start3A_81 : memref<128xi32, #tpu.memory_space<vmem>>) semaphore(%arg18 : memref<!tpu.dma_semaphore, #tpu.memory_space<semaphore_mem>>)
      %dma_start3A_84 = arith.constant 0 : i32
      %dma_start3A_85 = arith.constant 0 : i32
      %dma_start3A_86 = arith.constant 1 : i32
      %dma_start3A_87 = arith.constant 0 : i32
      %dma_start3A_88 = tpu.memref_slice %arg17[%dma_start3A_85, %dma_start3A_86, %dma_start3A_87] : memref<2x4x128xf32, #tpu.memory_space<vmem>> -> memref<1x1x128xf32, #tpu.memory_space<vmem>>
      %dma_start3A_89 = tpu.memref_squeeze %dma_start3A_88 : memref<1x1x128xf32, #tpu.memory_space<vmem>> -> memref<128xf32, #tpu.memory_space<vmem>>
      %dma_start3A_90 = arith.constant 0 : i32
      %dma_start3A_91 = tpu.memref_slice %arg15[%dma_start3A_84, %dma_start3A_90] : memref<16x128xi32, #tpu.memory_space<vmem>> -> memref<1x128xi32, #tpu.memory_space<vmem>>
      %dma_start3A_92 = tpu.memref_squeeze %dma_start3A_91 : memref<1x128xi32, #tpu.memory_space<vmem>> -> memref<128xi32, #tpu.memory_space<vmem>>
      %dma_start3A_93 = arith.constant 0 : i32
      %dma_start3A_94 = tpu.memref_slice %arg8[%dma_start3A_93] : memref<100352xf32, #tpu.memory_space<vmem_shared>> -> memref<100352xf32, #tpu.memory_space<vmem_shared>>
      tpu.enqueue_indirect_dma source(%dma_start3A_94 : memref<100352xf32, #tpu.memory_space<vmem_shared>>) target(%dma_start3A_89 : memref<128xf32, #tpu.memory_space<vmem>>) offsets(%dma_start3A_92 : memref<128xi32, #tpu.memory_space<vmem>>) semaphore(%arg18 : memref<!tpu.dma_semaphore, #tpu.memory_space<semaphore_mem>>)
      %dma_start3A_95 = arith.constant 0 : i32
      %dma_start3A_96 = arith.constant 0 : i32
      %dma_start3A_97 = arith.constant 2 : i32
      %dma_start3A_98 = arith.constant 0 : i32
      %dma_start3A_99 = tpu.memref_slice %arg17[%dma_start3A_96, %dma_start3A_97, %dma_start3A_98] : memref<2x4x128xf32, #tpu.memory_space<vmem>> -> memref<1x1x128xf32, #tpu.memory_space<vmem>>
      %dma_start3A_100 = tpu.memref_squeeze %dma_start3A_99 : memref<1x1x128xf32, #tpu.memory_space<vmem>> -> memref<128xf32, #tpu.memory_space<vmem>>
      %dma_start3A_101 = arith.constant 0 : i32
      %dma_start3A_102 = tpu.memref_slice %arg15[%dma_start3A_95, %dma_start3A_101] : memref<16x128xi32, #tpu.memory_space<vmem>> -> memref<1x128xi32, #tpu.memory_space<vmem>>
      %dma_start3A_103 = tpu.memref_squeeze %dma_start3A_102 : memref<1x128xi32, #tpu.memory_space<vmem>> -> memref<128xi32, #tpu.memory_space<vmem>>
      %dma_start3A_104 = arith.constant 0 : i32
      %dma_start3A_105 = tpu.memref_slice %arg9[%dma_start3A_104] : memref<100352xf32, #tpu.memory_space<vmem_shared>> -> memref<100352xf32, #tpu.memory_space<vmem_shared>>
      tpu.enqueue_indirect_dma source(%dma_start3A_105 : memref<100352xf32, #tpu.memory_space<vmem_shared>>) target(%dma_start3A_100 : memref<128xf32, #tpu.memory_space<vmem>>) offsets(%dma_start3A_103 : memref<128xi32, #tpu.memory_space<vmem>>) semaphore(%arg18 : memref<!tpu.dma_semaphore, #tpu.memory_space<semaphore_mem>>)
      %dma_start3A_106 = arith.constant 0 : i32
      %dma_start3A_107 = arith.constant 0 : i32
      %dma_start3A_108 = arith.constant 3 : i32
      %dma_start3A_109 = arith.constant 0 : i32
      %dma_start3A_110 = tpu.memref_slice %arg17[%dma_start3A_107, %dma_start3A_108, %dma_start3A_109] : memref<2x4x128xf32, #tpu.memory_space<vmem>> -> memref<1x1x128xf32, #tpu.memory_space<vmem>>
      %dma_start3A_111 = tpu.memref_squeeze %dma_start3A_110 : memref<1x1x128xf32, #tpu.memory_space<vmem>> -> memref<128xf32, #tpu.memory_space<vmem>>
      %dma_start3A_112 = arith.constant 0 : i32
      %dma_start3A_113 = tpu.memref_slice %arg15[%dma_start3A_106, %dma_start3A_112] : memref<16x128xi32, #tpu.memory_space<vmem>> -> memref<1x128xi32, #tpu.memory_space<vmem>>
      %dma_start3A_114 = tpu.memref_squeeze %dma_start3A_113 : memref<1x128xi32, #tpu.memory_space<vmem>> -> memref<128xi32, #tpu.memory_space<vmem>>
      %dma_start3A_115 = arith.constant 0 : i32
      %dma_start3A_116 = tpu.memref_slice %arg10[%dma_start3A_115] : memref<100352xf32, #tpu.memory_space<vmem_shared>> -> memref<100352xf32, #tpu.memory_space<vmem_shared>>
      tpu.enqueue_indirect_dma source(%dma_start3A_116 : memref<100352xf32, #tpu.memory_space<vmem_shared>>) target(%dma_start3A_111 : memref<128xf32, #tpu.memory_space<vmem>>) offsets(%dma_start3A_114 : memref<128xi32, #tpu.memory_space<vmem>>) semaphore(%arg18 : memref<!tpu.dma_semaphore, #tpu.memory_space<semaphore_mem>>)
      %scan3A_117 = arith.constant 0 : i32
      %scan3A_118 = arith.constant 8 : i32
      %scan3A_119 = arith.addi %scan3A_117, %scan3A_118 : i32
      %scan3A_120 = arith.constant 1 : i32
      scf.for %scan3A_122 = %scan3A_117 to %scan3A_119 step %scan3A_120  : i32 {
        %mul3A_123 = arith.constant 1 : i32
        %mul3A_124 = arith.muli %scan3A_122, %mul3A_123 : i32
        %add3A_125 = arith.constant 0 : i32
        %add3A_126 = arith.addi %add3A_125, %mul3A_124 : i32
        %mul3A_127 = arith.constant 2 : i32
        %mul3A_128 = arith.muli %add3A_126, %mul3A_127 : i32
        %dma_wait3A = arith.constant 0 : i32
        %dma_wait3A_129 = arith.constant 0 : i32
        %dma_wait3A_130 = arith.constant 0 : i32
        %dma_wait3A_131 = arith.constant 0 : i32
        %dma_wait3A_132 = tpu.memref_slice %arg17[%dma_wait3A_129, %dma_wait3A_130, %dma_wait3A_131] : memref<2x4x128xf32, #tpu.memory_space<vmem>> -> memref<1x1x128xf32, #tpu.memory_space<vmem>>
        %dma_wait3A_133 = tpu.memref_squeeze %dma_wait3A_132 : memref<1x1x128xf32, #tpu.memory_space<vmem>> -> memref<128xf32, #tpu.memory_space<vmem>>
        %dma_wait3A_134 = arith.constant 0 : i32
        %dma_wait3A_135 = tpu.memref_slice %arg15[%dma_wait3A, %dma_wait3A_134] : memref<16x128xi32, #tpu.memory_space<vmem>> -> memref<1x128xi32, #tpu.memory_space<vmem>>
        %dma_wait3A_136 = tpu.memref_squeeze %dma_wait3A_135 : memref<1x128xi32, #tpu.memory_space<vmem>> -> memref<128xi32, #tpu.memory_space<vmem>>
        %dma_wait3A_137 = arith.constant 0 : i32
        %dma_wait3A_138 = tpu.memref_slice %arg7[%dma_wait3A_137] : memref<100352xf32, #tpu.memory_space<vmem_shared>> -> memref<100352xf32, #tpu.memory_space<vmem_shared>>
        tpu.wait_indirect_dma semaphore(%arg18 : memref<!tpu.dma_semaphore, #tpu.memory_space<semaphore_mem>>) src(%dma_wait3A_138 : memref<100352xf32, #tpu.memory_space<vmem_shared>>) dst(%dma_wait3A_133 : memref<128xf32, #tpu.memory_space<vmem>>)
        %dma_wait3A_139 = arith.constant 0 : i32
        %dma_wait3A_140 = arith.constant 0 : i32
        %dma_wait3A_141 = arith.constant 1 : i32
        %dma_wait3A_142 = arith.constant 0 : i32
        %dma_wait3A_143 = tpu.memref_slice %arg17[%dma_wait3A_140, %dma_wait3A_141, %dma_wait3A_142] : memref<2x4x128xf32, #tpu.memory_space<vmem>> -> memref<1x1x128xf32, #tpu.memory_space<vmem>>
        %dma_wait3A_144 = tpu.memref_squeeze %dma_wait3A_143 : memref<1x1x128xf32, #tpu.memory_space<vmem>> -> memref<128xf32, #tpu.memory_space<vmem>>
        %dma_wait3A_145 = arith.constant 0 : i32
        %dma_wait3A_146 = tpu.memref_slice %arg15[%dma_wait3A_139, %dma_wait3A_145] : memref<16x128xi32, #tpu.memory_space<vmem>> -> memref<1x128xi32, #tpu.memory_space<vmem>>
        %dma_wait3A_147 = tpu.memref_squeeze %dma_wait3A_146 : memref<1x128xi32, #tpu.memory_space<vmem>> -> memref<128xi32, #tpu.memory_space<vmem>>
        %dma_wait3A_148 = arith.constant 0 : i32
        %dma_wait3A_149 = tpu.memref_slice %arg8[%dma_wait3A_148] : memref<100352xf32, #tpu.memory_space<vmem_shared>> -> memref<100352xf32, #tpu.memory_space<vmem_shared>>
        tpu.wait_indirect_dma semaphore(%arg18 : memref<!tpu.dma_semaphore, #tpu.memory_space<semaphore_mem>>) src(%dma_wait3A_149 : memref<100352xf32, #tpu.memory_space<vmem_shared>>) dst(%dma_wait3A_144 : memref<128xf32, #tpu.memory_space<vmem>>)
        %dma_wait3A_150 = arith.constant 0 : i32
        %dma_wait3A_151 = arith.constant 0 : i32
        %dma_wait3A_152 = arith.constant 2 : i32
        %dma_wait3A_153 = arith.constant 0 : i32
        %dma_wait3A_154 = tpu.memref_slice %arg17[%dma_wait3A_151, %dma_wait3A_152, %dma_wait3A_153] : memref<2x4x128xf32, #tpu.memory_space<vmem>> -> memref<1x1x128xf32, #tpu.memory_space<vmem>>
        %dma_wait3A_155 = tpu.memref_squeeze %dma_wait3A_154 : memref<1x1x128xf32, #tpu.memory_space<vmem>> -> memref<128xf32, #tpu.memory_space<vmem>>
        %dma_wait3A_156 = arith.constant 0 : i32
        %dma_wait3A_157 = tpu.memref_slice %arg15[%dma_wait3A_150, %dma_wait3A_156] : memref<16x128xi32, #tpu.memory_space<vmem>> -> memref<1x128xi32, #tpu.memory_space<vmem>>
        %dma_wait3A_158 = tpu.memref_squeeze %dma_wait3A_157 : memref<1x128xi32, #tpu.memory_space<vmem>> -> memref<128xi32, #tpu.memory_space<vmem>>
        %dma_wait3A_159 = arith.constant 0 : i32
        %dma_wait3A_160 = tpu.memref_slice %arg9[%dma_wait3A_159] : memref<100352xf32, #tpu.memory_space<vmem_shared>> -> memref<100352xf32, #tpu.memory_space<vmem_shared>>
        tpu.wait_indirect_dma semaphore(%arg18 : memref<!tpu.dma_semaphore, #tpu.memory_space<semaphore_mem>>) src(%dma_wait3A_160 : memref<100352xf32, #tpu.memory_space<vmem_shared>>) dst(%dma_wait3A_155 : memref<128xf32, #tpu.memory_space<vmem>>)
        %dma_wait3A_161 = arith.constant 0 : i32
        %dma_wait3A_162 = arith.constant 0 : i32
        %dma_wait3A_163 = arith.constant 3 : i32
        %dma_wait3A_164 = arith.constant 0 : i32
        %dma_wait3A_165 = tpu.memref_slice %arg17[%dma_wait3A_162, %dma_wait3A_163, %dma_wait3A_164] : memref<2x4x128xf32, #tpu.memory_space<vmem>> -> memref<1x1x128xf32, #tpu.memory_space<vmem>>
        %dma_wait3A_166 = tpu.memref_squeeze %dma_wait3A_165 : memref<1x1x128xf32, #tpu.memory_space<vmem>> -> memref<128xf32, #tpu.memory_space<vmem>>
        %dma_wait3A_167 = arith.constant 0 : i32
        %dma_wait3A_168 = tpu.memref_slice %arg15[%dma_wait3A_161, %dma_wait3A_167] : memref<16x128xi32, #tpu.memory_space<vmem>> -> memref<1x128xi32, #tpu.memory_space<vmem>>
        %dma_wait3A_169 = tpu.memref_squeeze %dma_wait3A_168 : memref<1x128xi32, #tpu.memory_space<vmem>> -> memref<128xi32, #tpu.memory_space<vmem>>
        %dma_wait3A_170 = arith.constant 0 : i32
        %dma_wait3A_171 = tpu.memref_slice %arg10[%dma_wait3A_170] : memref<100352xf32, #tpu.memory_space<vmem_shared>> -> memref<100352xf32, #tpu.memory_space<vmem_shared>>
        tpu.wait_indirect_dma semaphore(%arg18 : memref<!tpu.dma_semaphore, #tpu.memory_space<semaphore_mem>>) src(%dma_wait3A_171 : memref<100352xf32, #tpu.memory_space<vmem_shared>>) dst(%dma_wait3A_166 : memref<128xf32, #tpu.memory_space<vmem>>)
        %dma_start3A_172 = arith.constant 0 : i32
        %dma_start3A_173 = arith.constant 0 : i32
        %dma_start3A_174 = arith.constant 0 : i32
        %dma_start3A_175 = tpu.memref_slice %arg17[%dma_start3A_172, %dma_start3A_173, %dma_start3A_174] : memref<2x4x128xf32, #tpu.memory_space<vmem>> -> memref<1x1x128xf32, #tpu.memory_space<vmem>>
        %dma_start3A_176 = tpu.memref_squeeze %dma_start3A_175 : memref<1x1x128xf32, #tpu.memory_space<vmem>> -> memref<128xf32, #tpu.memory_space<vmem>>
        %dma_start3A_177 = arith.constant 0 : i32
        %dma_start3A_178 = tpu.memref_slice %arg16[%mul3A_128, %dma_start3A_177] : memref<16x128xi32, #tpu.memory_space<vmem>> -> memref<1x128xi32, #tpu.memory_space<vmem>>
        %dma_start3A_179 = tpu.memref_squeeze %dma_start3A_178 : memref<1x128xi32, #tpu.memory_space<vmem>> -> memref<128xi32, #tpu.memory_space<vmem>>
        %dma_start3A_180 = arith.constant 0 : i32
        %dma_start3A_181 = tpu.memref_slice %arg11[%dma_start3A_180] : memref<100352xf32, #tpu.memory_space<vmem_shared>> -> memref<100352xf32, #tpu.memory_space<vmem_shared>>
        tpu.enqueue_indirect_dma source(%dma_start3A_176 : memref<128xf32, #tpu.memory_space<vmem>>) target(%dma_start3A_181 : memref<100352xf32, #tpu.memory_space<vmem_shared>>) offsets(%dma_start3A_179 : memref<128xi32, #tpu.memory_space<vmem>>) semaphore(%arg19 : memref<!tpu.dma_semaphore, #tpu.memory_space<semaphore_mem>>) {add = true}
        %dma_start3A_182 = arith.constant 0 : i32
        %dma_start3A_183 = arith.constant 1 : i32
        %dma_start3A_184 = arith.constant 0 : i32
        %dma_start3A_185 = tpu.memref_slice %arg17[%dma_start3A_182, %dma_start3A_183, %dma_start3A_184] : memref<2x4x128xf32, #tpu.memory_space<vmem>> -> memref<1x1x128xf32, #tpu.memory_space<vmem>>
        %dma_start3A_186 = tpu.memref_squeeze %dma_start3A_185 : memref<1x1x128xf32, #tpu.memory_space<vmem>> -> memref<128xf32, #tpu.memory_space<vmem>>
        %dma_start3A_187 = arith.constant 0 : i32
        %dma_start3A_188 = tpu.memref_slice %arg16[%mul3A_128, %dma_start3A_187] : memref<16x128xi32, #tpu.memory_space<vmem>> -> memref<1x128xi32, #tpu.memory_space<vmem>>
        %dma_start3A_189 = tpu.memref_squeeze %dma_start3A_188 : memref<1x128xi32, #tpu.memory_space<vmem>> -> memref<128xi32, #tpu.memory_space<vmem>>
        %dma_start3A_190 = arith.constant 0 : i32
        %dma_start3A_191 = tpu.memref_slice %arg12[%dma_start3A_190] : memref<100352xf32, #tpu.memory_space<vmem_shared>> -> memref<100352xf32, #tpu.memory_space<vmem_shared>>
        tpu.enqueue_indirect_dma source(%dma_start3A_186 : memref<128xf32, #tpu.memory_space<vmem>>) target(%dma_start3A_191 : memref<100352xf32, #tpu.memory_space<vmem_shared>>) offsets(%dma_start3A_189 : memref<128xi32, #tpu.memory_space<vmem>>) semaphore(%arg19 : memref<!tpu.dma_semaphore, #tpu.memory_space<semaphore_mem>>) {add = true}
        %dma_start3A_192 = arith.constant 0 : i32
        %dma_start3A_193 = arith.constant 2 : i32
        %dma_start3A_194 = arith.constant 0 : i32
        %dma_start3A_195 = tpu.memref_slice %arg17[%dma_start3A_192, %dma_start3A_193, %dma_start3A_194] : memref<2x4x128xf32, #tpu.memory_space<vmem>> -> memref<1x1x128xf32, #tpu.memory_space<vmem>>
        %dma_start3A_196 = tpu.memref_squeeze %dma_start3A_195 : memref<1x1x128xf32, #tpu.memory_space<vmem>> -> memref<128xf32, #tpu.memory_space<vmem>>
        %dma_start3A_197 = arith.constant 0 : i32
        %dma_start3A_198 = tpu.memref_slice %arg16[%mul3A_128, %dma_start3A_197] : memref<16x128xi32, #tpu.memory_space<vmem>> -> memref<1x128xi32, #tpu.memory_space<vmem>>
        %dma_start3A_199 = tpu.memref_squeeze %dma_start3A_198 : memref<1x128xi32, #tpu.memory_space<vmem>> -> memref<128xi32, #tpu.memory_space<vmem>>
        %dma_start3A_200 = arith.constant 0 : i32
        %dma_start3A_201 = tpu.memref_slice %arg13[%dma_start3A_200] : memref<100352xf32, #tpu.memory_space<vmem_shared>> -> memref<100352xf32, #tpu.memory_space<vmem_shared>>
        tpu.enqueue_indirect_dma source(%dma_start3A_196 : memref<128xf32, #tpu.memory_space<vmem>>) target(%dma_start3A_201 : memref<100352xf32, #tpu.memory_space<vmem_shared>>) offsets(%dma_start3A_199 : memref<128xi32, #tpu.memory_space<vmem>>) semaphore(%arg19 : memref<!tpu.dma_semaphore, #tpu.memory_space<semaphore_mem>>) {add = true}
        %dma_start3A_202 = arith.constant 0 : i32
        %dma_start3A_203 = arith.constant 3 : i32
        %dma_start3A_204 = arith.constant 0 : i32
        %dma_start3A_205 = tpu.memref_slice %arg17[%dma_start3A_202, %dma_start3A_203, %dma_start3A_204] : memref<2x4x128xf32, #tpu.memory_space<vmem>> -> memref<1x1x128xf32, #tpu.memory_space<vmem>>
        %dma_start3A_206 = tpu.memref_squeeze %dma_start3A_205 : memref<1x1x128xf32, #tpu.memory_space<vmem>> -> memref<128xf32, #tpu.memory_space<vmem>>
        %dma_start3A_207 = arith.constant 0 : i32
        %dma_start3A_208 = tpu.memref_slice %arg16[%mul3A_128, %dma_start3A_207] : memref<16x128xi32, #tpu.memory_space<vmem>> -> memref<1x128xi32, #tpu.memory_space<vmem>>
        %dma_start3A_209 = tpu.memref_squeeze %dma_start3A_208 : memref<1x128xi32, #tpu.memory_space<vmem>> -> memref<128xi32, #tpu.memory_space<vmem>>
        %dma_start3A_210 = arith.constant 0 : i32
        %dma_start3A_211 = tpu.memref_slice %arg14[%dma_start3A_210] : memref<100352xf32, #tpu.memory_space<vmem_shared>> -> memref<100352xf32, #tpu.memory_space<vmem_shared>>
        tpu.enqueue_indirect_dma source(%dma_start3A_206 : memref<128xf32, #tpu.memory_space<vmem>>) target(%dma_start3A_211 : memref<100352xf32, #tpu.memory_space<vmem_shared>>) offsets(%dma_start3A_209 : memref<128xi32, #tpu.memory_space<vmem>>) semaphore(%arg19 : memref<!tpu.dma_semaphore, #tpu.memory_space<semaphore_mem>>) {add = true}
        %add3A_212 = arith.constant 1 : i32
        %add3A_213 = arith.addi %mul3A_128, %add3A_212 : i32
        %dma_start3A_214 = arith.constant 1 : i32
        %dma_start3A_215 = arith.constant 0 : i32
        %dma_start3A_216 = arith.constant 0 : i32
        %dma_start3A_217 = tpu.memref_slice %arg17[%dma_start3A_214, %dma_start3A_215, %dma_start3A_216] : memref<2x4x128xf32, #tpu.memory_space<vmem>> -> memref<1x1x128xf32, #tpu.memory_space<vmem>>
        %dma_start3A_218 = tpu.memref_squeeze %dma_start3A_217 : memref<1x1x128xf32, #tpu.memory_space<vmem>> -> memref<128xf32, #tpu.memory_space<vmem>>
        %dma_start3A_219 = arith.constant 0 : i32
        %dma_start3A_220 = tpu.memref_slice %arg15[%add3A_213, %dma_start3A_219] : memref<16x128xi32, #tpu.memory_space<vmem>> -> memref<1x128xi32, #tpu.memory_space<vmem>>
        %dma_start3A_221 = tpu.memref_squeeze %dma_start3A_220 : memref<1x128xi32, #tpu.memory_space<vmem>> -> memref<128xi32, #tpu.memory_space<vmem>>
        %dma_start3A_222 = arith.constant 0 : i32
        %dma_start3A_223 = tpu.memref_slice %arg7[%dma_start3A_222] : memref<100352xf32, #tpu.memory_space<vmem_shared>> -> memref<100352xf32, #tpu.memory_space<vmem_shared>>
        tpu.enqueue_indirect_dma source(%dma_start3A_223 : memref<100352xf32, #tpu.memory_space<vmem_shared>>) target(%dma_start3A_218 : memref<128xf32, #tpu.memory_space<vmem>>) offsets(%dma_start3A_221 : memref<128xi32, #tpu.memory_space<vmem>>) semaphore(%arg18 : memref<!tpu.dma_semaphore, #tpu.memory_space<semaphore_mem>>)
        %dma_start3A_224 = arith.constant 1 : i32
        %dma_start3A_225 = arith.constant 1 : i32
        %dma_start3A_226 = arith.constant 0 : i32
        %dma_start3A_227 = tpu.memref_slice %arg17[%dma_start3A_224, %dma_start3A_225, %dma_start3A_226] : memref<2x4x128xf32, #tpu.memory_space<vmem>> -> memref<1x1x128xf32, #tpu.memory_space<vmem>>
        %dma_start3A_228 = tpu.memref_squeeze %dma_start3A_227 : memref<1x1x128xf32, #tpu.memory_space<vmem>> -> memref<128xf32, #tpu.memory_space<vmem>>
        %dma_start3A_229 = arith.constant 0 : i32
        %dma_start3A_230 = tpu.memref_slice %arg15[%add3A_213, %dma_start3A_229] : memref<16x128xi32, #tpu.memory_space<vmem>> -> memref<1x128xi32, #tpu.memory_space<vmem>>
        %dma_start3A_231 = tpu.memref_squeeze %dma_start3A_230 : memref<1x128xi32, #tpu.memory_space<vmem>> -> memref<128xi32, #tpu.memory_space<vmem>>
        %dma_start3A_232 = arith.constant 0 : i32
        %dma_start3A_233 = tpu.memref_slice %arg8[%dma_start3A_232] : memref<100352xf32, #tpu.memory_space<vmem_shared>> -> memref<100352xf32, #tpu.memory_space<vmem_shared>>
        tpu.enqueue_indirect_dma source(%dma_start3A_233 : memref<100352xf32, #tpu.memory_space<vmem_shared>>) target(%dma_start3A_228 : memref<128xf32, #tpu.memory_space<vmem>>) offsets(%dma_start3A_231 : memref<128xi32, #tpu.memory_space<vmem>>) semaphore(%arg18 : memref<!tpu.dma_semaphore, #tpu.memory_space<semaphore_mem>>)
        %dma_start3A_234 = arith.constant 1 : i32
        %dma_start3A_235 = arith.constant 2 : i32
        %dma_start3A_236 = arith.constant 0 : i32
        %dma_start3A_237 = tpu.memref_slice %arg17[%dma_start3A_234, %dma_start3A_235, %dma_start3A_236] : memref<2x4x128xf32, #tpu.memory_space<vmem>> -> memref<1x1x128xf32, #tpu.memory_space<vmem>>
        %dma_start3A_238 = tpu.memref_squeeze %dma_start3A_237 : memref<1x1x128xf32, #tpu.memory_space<vmem>> -> memref<128xf32, #tpu.memory_space<vmem>>
        %dma_start3A_239 = arith.constant 0 : i32
        %dma_start3A_240 = tpu.memref_slice %arg15[%add3A_213, %dma_start3A_239] : memref<16x128xi32, #tpu.memory_space<vmem>> -> memref<1x128xi32, #tpu.memory_space<vmem>>
        %dma_start3A_241 = tpu.memref_squeeze %dma_start3A_240 : memref<1x128xi32, #tpu.memory_space<vmem>> -> memref<128xi32, #tpu.memory_space<vmem>>
        %dma_start3A_242 = arith.constant 0 : i32
        %dma_start3A_243 = tpu.memref_slice %arg9[%dma_start3A_242] : memref<100352xf32, #tpu.memory_space<vmem_shared>> -> memref<100352xf32, #tpu.memory_space<vmem_shared>>
        tpu.enqueue_indirect_dma source(%dma_start3A_243 : memref<100352xf32, #tpu.memory_space<vmem_shared>>) target(%dma_start3A_238 : memref<128xf32, #tpu.memory_space<vmem>>) offsets(%dma_start3A_241 : memref<128xi32, #tpu.memory_space<vmem>>) semaphore(%arg18 : memref<!tpu.dma_semaphore, #tpu.memory_space<semaphore_mem>>)
        %dma_start3A_244 = arith.constant 1 : i32
        %dma_start3A_245 = arith.constant 3 : i32
        %dma_start3A_246 = arith.constant 0 : i32
        %dma_start3A_247 = tpu.memref_slice %arg17[%dma_start3A_244, %dma_start3A_245, %dma_start3A_246] : memref<2x4x128xf32, #tpu.memory_space<vmem>> -> memref<1x1x128xf32, #tpu.memory_space<vmem>>
        %dma_start3A_248 = tpu.memref_squeeze %dma_start3A_247 : memref<1x1x128xf32, #tpu.memory_space<vmem>> -> memref<128xf32, #tpu.memory_space<vmem>>
        %dma_start3A_249 = arith.constant 0 : i32
        %dma_start3A_250 = tpu.memref_slice %arg15[%add3A_213, %dma_start3A_249] : memref<16x128xi32, #tpu.memory_space<vmem>> -> memref<1x128xi32, #tpu.memory_space<vmem>>
        %dma_start3A_251 = tpu.memref_squeeze %dma_start3A_250 : memref<1x128xi32, #tpu.memory_space<vmem>> -> memref<128xi32, #tpu.memory_space<vmem>>
        %dma_start3A_252 = arith.constant 0 : i32
        %dma_start3A_253 = tpu.memref_slice %arg10[%dma_start3A_252] : memref<100352xf32, #tpu.memory_space<vmem_shared>> -> memref<100352xf32, #tpu.memory_space<vmem_shared>>
        tpu.enqueue_indirect_dma source(%dma_start3A_253 : memref<100352xf32, #tpu.memory_space<vmem_shared>>) target(%dma_start3A_248 : memref<128xf32, #tpu.memory_space<vmem>>) offsets(%dma_start3A_251 : memref<128xi32, #tpu.memory_space<vmem>>) semaphore(%arg18 : memref<!tpu.dma_semaphore, #tpu.memory_space<semaphore_mem>>)
        %dma_wait3A_254 = arith.constant 0 : i32
        %dma_wait3A_255 = arith.constant 0 : i32
        %dma_wait3A_256 = arith.constant 0 : i32
        %dma_wait3A_257 = arith.constant 0 : i32
        %dma_wait3A_258 = tpu.memref_slice %arg17[%dma_wait3A_254, %dma_wait3A_255, %dma_wait3A_257] : memref<2x4x128xf32, #tpu.memory_space<vmem>> -> memref<1x1x128xf32, #tpu.memory_space<vmem>>
        %dma_wait3A_259 = tpu.memref_squeeze %dma_wait3A_258 : memref<1x1x128xf32, #tpu.memory_space<vmem>> -> memref<128xf32, #tpu.memory_space<vmem>>
        %dma_wait3A_260 = arith.constant 0 : i32
        %dma_wait3A_261 = tpu.memref_slice %arg16[%dma_wait3A_256, %dma_wait3A_260] : memref<16x128xi32, #tpu.memory_space<vmem>> -> memref<1x128xi32, #tpu.memory_space<vmem>>
        %dma_wait3A_262 = tpu.memref_squeeze %dma_wait3A_261 : memref<1x128xi32, #tpu.memory_space<vmem>> -> memref<128xi32, #tpu.memory_space<vmem>>
        %dma_wait3A_263 = arith.constant 0 : i32
        %dma_wait3A_264 = tpu.memref_slice %arg11[%dma_wait3A_263] : memref<100352xf32, #tpu.memory_space<vmem_shared>> -> memref<100352xf32, #tpu.memory_space<vmem_shared>>
        tpu.wait_indirect_dma semaphore(%arg19 : memref<!tpu.dma_semaphore, #tpu.memory_space<semaphore_mem>>) src(%dma_wait3A_259 : memref<128xf32, #tpu.memory_space<vmem>>) dst(%dma_wait3A_264 : memref<100352xf32, #tpu.memory_space<vmem_shared>>)
        %dma_wait3A_265 = arith.constant 0 : i32
        %dma_wait3A_266 = arith.constant 1 : i32
        %dma_wait3A_267 = arith.constant 0 : i32
        %dma_wait3A_268 = arith.constant 0 : i32
        %dma_wait3A_269 = tpu.memref_slice %arg17[%dma_wait3A_265, %dma_wait3A_266, %dma_wait3A_268] : memref<2x4x128xf32, #tpu.memory_space<vmem>> -> memref<1x1x128xf32, #tpu.memory_space<vmem>>
        %dma_wait3A_270 = tpu.memref_squeeze %dma_wait3A_269 : memref<1x1x128xf32, #tpu.memory_space<vmem>> -> memref<128xf32, #tpu.memory_space<vmem>>
        %dma_wait3A_271 = arith.constant 0 : i32
        %dma_wait3A_272 = tpu.memref_slice %arg16[%dma_wait3A_267, %dma_wait3A_271] : memref<16x128xi32, #tpu.memory_space<vmem>> -> memref<1x128xi32, #tpu.memory_space<vmem>>
        %dma_wait3A_273 = tpu.memref_squeeze %dma_wait3A_272 : memref<1x128xi32, #tpu.memory_space<vmem>> -> memref<128xi32, #tpu.memory_space<vmem>>
        %dma_wait3A_274 = arith.constant 0 : i32
        %dma_wait3A_275 = tpu.memref_slice %arg12[%dma_wait3A_274] : memref<100352xf32, #tpu.memory_space<vmem_shared>> -> memref<100352xf32, #tpu.memory_space<vmem_shared>>
        tpu.wait_indirect_dma semaphore(%arg19 : memref<!tpu.dma_semaphore, #tpu.memory_space<semaphore_mem>>) src(%dma_wait3A_270 : memref<128xf32, #tpu.memory_space<vmem>>) dst(%dma_wait3A_275 : memref<100352xf32, #tpu.memory_space<vmem_shared>>)
        %dma_wait3A_276 = arith.constant 0 : i32
        %dma_wait3A_277 = arith.constant 2 : i32
        %dma_wait3A_278 = arith.constant 0 : i32
        %dma_wait3A_279 = arith.constant 0 : i32
        %dma_wait3A_280 = tpu.memref_slice %arg17[%dma_wait3A_276, %dma_wait3A_277, %dma_wait3A_279] : memref<2x4x128xf32, #tpu.memory_space<vmem>> -> memref<1x1x128xf32, #tpu.memory_space<vmem>>
        %dma_wait3A_281 = tpu.memref_squeeze %dma_wait3A_280 : memref<1x1x128xf32, #tpu.memory_space<vmem>> -> memref<128xf32, #tpu.memory_space<vmem>>
        %dma_wait3A_282 = arith.constant 0 : i32
        %dma_wait3A_283 = tpu.memref_slice %arg16[%dma_wait3A_278, %dma_wait3A_282] : memref<16x128xi32, #tpu.memory_space<vmem>> -> memref<1x128xi32, #tpu.memory_space<vmem>>
        %dma_wait3A_284 = tpu.memref_squeeze %dma_wait3A_283 : memref<1x128xi32, #tpu.memory_space<vmem>> -> memref<128xi32, #tpu.memory_space<vmem>>
        %dma_wait3A_285 = arith.constant 0 : i32
        %dma_wait3A_286 = tpu.memref_slice %arg13[%dma_wait3A_285] : memref<100352xf32, #tpu.memory_space<vmem_shared>> -> memref<100352xf32, #tpu.memory_space<vmem_shared>>
        tpu.wait_indirect_dma semaphore(%arg19 : memref<!tpu.dma_semaphore, #tpu.memory_space<semaphore_mem>>) src(%dma_wait3A_281 : memref<128xf32, #tpu.memory_space<vmem>>) dst(%dma_wait3A_286 : memref<100352xf32, #tpu.memory_space<vmem_shared>>)
        %dma_wait3A_287 = arith.constant 0 : i32
        %dma_wait3A_288 = arith.constant 3 : i32
        %dma_wait3A_289 = arith.constant 0 : i32
        %dma_wait3A_290 = arith.constant 0 : i32
        %dma_wait3A_291 = tpu.memref_slice %arg17[%dma_wait3A_287, %dma_wait3A_288, %dma_wait3A_290] : memref<2x4x128xf32, #tpu.memory_space<vmem>> -> memref<1x1x128xf32, #tpu.memory_space<vmem>>
        %dma_wait3A_292 = tpu.memref_squeeze %dma_wait3A_291 : memref<1x1x128xf32, #tpu.memory_space<vmem>> -> memref<128xf32, #tpu.memory_space<vmem>>
        %dma_wait3A_293 = arith.constant 0 : i32
        %dma_wait3A_294 = tpu.memref_slice %arg16[%dma_wait3A_289, %dma_wait3A_293] : memref<16x128xi32, #tpu.memory_space<vmem>> -> memref<1x128xi32, #tpu.memory_space<vmem>>
        %dma_wait3A_295 = tpu.memref_squeeze %dma_wait3A_294 : memref<1x128xi32, #tpu.memory_space<vmem>> -> memref<128xi32, #tpu.memory_space<vmem>>
        %dma_wait3A_296 = arith.constant 0 : i32
        %dma_wait3A_297 = tpu.memref_slice %arg14[%dma_wait3A_296] : memref<100352xf32, #tpu.memory_space<vmem_shared>> -> memref<100352xf32, #tpu.memory_space<vmem_shared>>
        tpu.wait_indirect_dma semaphore(%arg19 : memref<!tpu.dma_semaphore, #tpu.memory_space<semaphore_mem>>) src(%dma_wait3A_292 : memref<128xf32, #tpu.memory_space<vmem>>) dst(%dma_wait3A_297 : memref<100352xf32, #tpu.memory_space<vmem_shared>>)
        %dma_wait3A_298 = arith.constant 0 : i32
        %dma_wait3A_299 = arith.constant 1 : i32
        %dma_wait3A_300 = arith.constant 0 : i32
        %dma_wait3A_301 = arith.constant 0 : i32
        %dma_wait3A_302 = tpu.memref_slice %arg17[%dma_wait3A_299, %dma_wait3A_300, %dma_wait3A_301] : memref<2x4x128xf32, #tpu.memory_space<vmem>> -> memref<1x1x128xf32, #tpu.memory_space<vmem>>
        %dma_wait3A_303 = tpu.memref_squeeze %dma_wait3A_302 : memref<1x1x128xf32, #tpu.memory_space<vmem>> -> memref<128xf32, #tpu.memory_space<vmem>>
        %dma_wait3A_304 = arith.constant 0 : i32
        %dma_wait3A_305 = tpu.memref_slice %arg15[%dma_wait3A_298, %dma_wait3A_304] : memref<16x128xi32, #tpu.memory_space<vmem>> -> memref<1x128xi32, #tpu.memory_space<vmem>>
        %dma_wait3A_306 = tpu.memref_squeeze %dma_wait3A_305 : memref<1x128xi32, #tpu.memory_space<vmem>> -> memref<128xi32, #tpu.memory_space<vmem>>
        %dma_wait3A_307 = arith.constant 0 : i32
        %dma_wait3A_308 = tpu.memref_slice %arg7[%dma_wait3A_307] : memref<100352xf32, #tpu.memory_space<vmem_shared>> -> memref<100352xf32, #tpu.memory_space<vmem_shared>>
        tpu.wait_indirect_dma semaphore(%arg18 : memref<!tpu.dma_semaphore, #tpu.memory_space<semaphore_mem>>) src(%dma_wait3A_308 : memref<100352xf32, #tpu.memory_space<vmem_shared>>) dst(%dma_wait3A_303 : memref<128xf32, #tpu.memory_space<vmem>>)
        %dma_wait3A_309 = arith.constant 0 : i32
        %dma_wait3A_310 = arith.constant 1 : i32
        %dma_wait3A_311 = arith.constant 1 : i32
        %dma_wait3A_312 = arith.constant 0 : i32
        %dma_wait3A_313 = tpu.memref_slice %arg17[%dma_wait3A_310, %dma_wait3A_311, %dma_wait3A_312] : memref<2x4x128xf32, #tpu.memory_space<vmem>> -> memref<1x1x128xf32, #tpu.memory_space<vmem>>
        %dma_wait3A_314 = tpu.memref_squeeze %dma_wait3A_313 : memref<1x1x128xf32, #tpu.memory_space<vmem>> -> memref<128xf32, #tpu.memory_space<vmem>>
        %dma_wait3A_315 = arith.constant 0 : i32
        %dma_wait3A_316 = tpu.memref_slice %arg15[%dma_wait3A_309, %dma_wait3A_315] : memref<16x128xi32, #tpu.memory_space<vmem>> -> memref<1x128xi32, #tpu.memory_space<vmem>>
        %dma_wait3A_317 = tpu.memref_squeeze %dma_wait3A_316 : memref<1x128xi32, #tpu.memory_space<vmem>> -> memref<128xi32, #tpu.memory_space<vmem>>
        %dma_wait3A_318 = arith.constant 0 : i32
        %dma_wait3A_319 = tpu.memref_slice %arg8[%dma_wait3A_318] : memref<100352xf32, #tpu.memory_space<vmem_shared>> -> memref<100352xf32, #tpu.memory_space<vmem_shared>>
        tpu.wait_indirect_dma semaphore(%arg18 : memref<!tpu.dma_semaphore, #tpu.memory_space<semaphore_mem>>) src(%dma_wait3A_319 : memref<100352xf32, #tpu.memory_space<vmem_shared>>) dst(%dma_wait3A_314 : memref<128xf32, #tpu.memory_space<vmem>>)
        %dma_wait3A_320 = arith.constant 0 : i32
        %dma_wait3A_321 = arith.constant 1 : i32
        %dma_wait3A_322 = arith.constant 2 : i32
        %dma_wait3A_323 = arith.constant 0 : i32
        %dma_wait3A_324 = tpu.memref_slice %arg17[%dma_wait3A_321, %dma_wait3A_322, %dma_wait3A_323] : memref<2x4x128xf32, #tpu.memory_space<vmem>> -> memref<1x1x128xf32, #tpu.memory_space<vmem>>
        %dma_wait3A_325 = tpu.memref_squeeze %dma_wait3A_324 : memref<1x1x128xf32, #tpu.memory_space<vmem>> -> memref<128xf32, #tpu.memory_space<vmem>>
        %dma_wait3A_326 = arith.constant 0 : i32
        %dma_wait3A_327 = tpu.memref_slice %arg15[%dma_wait3A_320, %dma_wait3A_326] : memref<16x128xi32, #tpu.memory_space<vmem>> -> memref<1x128xi32, #tpu.memory_space<vmem>>
        %dma_wait3A_328 = tpu.memref_squeeze %dma_wait3A_327 : memref<1x128xi32, #tpu.memory_space<vmem>> -> memref<128xi32, #tpu.memory_space<vmem>>
        %dma_wait3A_329 = arith.constant 0 : i32
        %dma_wait3A_330 = tpu.memref_slice %arg9[%dma_wait3A_329] : memref<100352xf32, #tpu.memory_space<vmem_shared>> -> memref<100352xf32, #tpu.memory_space<vmem_shared>>
        tpu.wait_indirect_dma semaphore(%arg18 : memref<!tpu.dma_semaphore, #tpu.memory_space<semaphore_mem>>) src(%dma_wait3A_330 : memref<100352xf32, #tpu.memory_space<vmem_shared>>) dst(%dma_wait3A_325 : memref<128xf32, #tpu.memory_space<vmem>>)
        %dma_wait3A_331 = arith.constant 0 : i32
        %dma_wait3A_332 = arith.constant 1 : i32
        %dma_wait3A_333 = arith.constant 3 : i32
        %dma_wait3A_334 = arith.constant 0 : i32
        %dma_wait3A_335 = tpu.memref_slice %arg17[%dma_wait3A_332, %dma_wait3A_333, %dma_wait3A_334] : memref<2x4x128xf32, #tpu.memory_space<vmem>> -> memref<1x1x128xf32, #tpu.memory_space<vmem>>
        %dma_wait3A_336 = tpu.memref_squeeze %dma_wait3A_335 : memref<1x1x128xf32, #tpu.memory_space<vmem>> -> memref<128xf32, #tpu.memory_space<vmem>>
        %dma_wait3A_337 = arith.constant 0 : i32
        %dma_wait3A_338 = tpu.memref_slice %arg15[%dma_wait3A_331, %dma_wait3A_337] : memref<16x128xi32, #tpu.memory_space<vmem>> -> memref<1x128xi32, #tpu.memory_space<vmem>>
        %dma_wait3A_339 = tpu.memref_squeeze %dma_wait3A_338 : memref<1x128xi32, #tpu.memory_space<vmem>> -> memref<128xi32, #tpu.memory_space<vmem>>
        %dma_wait3A_340 = arith.constant 0 : i32
        %dma_wait3A_341 = tpu.memref_slice %arg10[%dma_wait3A_340] : memref<100352xf32, #tpu.memory_space<vmem_shared>> -> memref<100352xf32, #tpu.memory_space<vmem_shared>>
        tpu.wait_indirect_dma semaphore(%arg18 : memref<!tpu.dma_semaphore, #tpu.memory_space<semaphore_mem>>) src(%dma_wait3A_341 : memref<100352xf32, #tpu.memory_space<vmem_shared>>) dst(%dma_wait3A_336 : memref<128xf32, #tpu.memory_space<vmem>>)
        %add3A_342 = arith.constant 1 : i32
        %add3A_343 = arith.addi %mul3A_128, %add3A_342 : i32
        %dma_start3A_344 = arith.constant 1 : i32
        %dma_start3A_345 = arith.constant 0 : i32
        %dma_start3A_346 = arith.constant 0 : i32
        %dma_start3A_347 = tpu.memref_slice %arg17[%dma_start3A_344, %dma_start3A_345, %dma_start3A_346] : memref<2x4x128xf32, #tpu.memory_space<vmem>> -> memref<1x1x128xf32, #tpu.memory_space<vmem>>
        %dma_start3A_348 = tpu.memref_squeeze %dma_start3A_347 : memref<1x1x128xf32, #tpu.memory_space<vmem>> -> memref<128xf32, #tpu.memory_space<vmem>>
        %dma_start3A_349 = arith.constant 0 : i32
        %dma_start3A_350 = tpu.memref_slice %arg16[%add3A_343, %dma_start3A_349] : memref<16x128xi32, #tpu.memory_space<vmem>> -> memref<1x128xi32, #tpu.memory_space<vmem>>
        %dma_start3A_351 = tpu.memref_squeeze %dma_start3A_350 : memref<1x128xi32, #tpu.memory_space<vmem>> -> memref<128xi32, #tpu.memory_space<vmem>>
        %dma_start3A_352 = arith.constant 0 : i32
        %dma_start3A_353 = tpu.memref_slice %arg11[%dma_start3A_352] : memref<100352xf32, #tpu.memory_space<vmem_shared>> -> memref<100352xf32, #tpu.memory_space<vmem_shared>>
        tpu.enqueue_indirect_dma source(%dma_start3A_348 : memref<128xf32, #tpu.memory_space<vmem>>) target(%dma_start3A_353 : memref<100352xf32, #tpu.memory_space<vmem_shared>>) offsets(%dma_start3A_351 : memref<128xi32, #tpu.memory_space<vmem>>) semaphore(%arg19 : memref<!tpu.dma_semaphore, #tpu.memory_space<semaphore_mem>>) {add = true}
        %dma_start3A_354 = arith.constant 1 : i32
        %dma_start3A_355 = arith.constant 1 : i32
        %dma_start3A_356 = arith.constant 0 : i32
        %dma_start3A_357 = tpu.memref_slice %arg17[%dma_start3A_354, %dma_start3A_355, %dma_start3A_356] : memref<2x4x128xf32, #tpu.memory_space<vmem>> -> memref<1x1x128xf32, #tpu.memory_space<vmem>>
        %dma_start3A_358 = tpu.memref_squeeze %dma_start3A_357 : memref<1x1x128xf32, #tpu.memory_space<vmem>> -> memref<128xf32, #tpu.memory_space<vmem>>
        %dma_start3A_359 = arith.constant 0 : i32
        %dma_start3A_360 = tpu.memref_slice %arg16[%add3A_343, %dma_start3A_359] : memref<16x128xi32, #tpu.memory_space<vmem>> -> memref<1x128xi32, #tpu.memory_space<vmem>>
        %dma_start3A_361 = tpu.memref_squeeze %dma_start3A_360 : memref<1x128xi32, #tpu.memory_space<vmem>> -> memref<128xi32, #tpu.memory_space<vmem>>
        %dma_start3A_362 = arith.constant 0 : i32
        %dma_start3A_363 = tpu.memref_slice %arg12[%dma_start3A_362] : memref<100352xf32, #tpu.memory_space<vmem_shared>> -> memref<100352xf32, #tpu.memory_space<vmem_shared>>
        tpu.enqueue_indirect_dma source(%dma_start3A_358 : memref<128xf32, #tpu.memory_space<vmem>>) target(%dma_start3A_363 : memref<100352xf32, #tpu.memory_space<vmem_shared>>) offsets(%dma_start3A_361 : memref<128xi32, #tpu.memory_space<vmem>>) semaphore(%arg19 : memref<!tpu.dma_semaphore, #tpu.memory_space<semaphore_mem>>) {add = true}
        %dma_start3A_364 = arith.constant 1 : i32
        %dma_start3A_365 = arith.constant 2 : i32
        %dma_start3A_366 = arith.constant 0 : i32
        %dma_start3A_367 = tpu.memref_slice %arg17[%dma_start3A_364, %dma_start3A_365, %dma_start3A_366] : memref<2x4x128xf32, #tpu.memory_space<vmem>> -> memref<1x1x128xf32, #tpu.memory_space<vmem>>
        %dma_start3A_368 = tpu.memref_squeeze %dma_start3A_367 : memref<1x1x128xf32, #tpu.memory_space<vmem>> -> memref<128xf32, #tpu.memory_space<vmem>>
        %dma_start3A_369 = arith.constant 0 : i32
        %dma_start3A_370 = tpu.memref_slice %arg16[%add3A_343, %dma_start3A_369] : memref<16x128xi32, #tpu.memory_space<vmem>> -> memref<1x128xi32, #tpu.memory_space<vmem>>
        %dma_start3A_371 = tpu.memref_squeeze %dma_start3A_370 : memref<1x128xi32, #tpu.memory_space<vmem>> -> memref<128xi32, #tpu.memory_space<vmem>>
        %dma_start3A_372 = arith.constant 0 : i32
        %dma_start3A_373 = tpu.memref_slice %arg13[%dma_start3A_372] : memref<100352xf32, #tpu.memory_space<vmem_shared>> -> memref<100352xf32, #tpu.memory_space<vmem_shared>>
        tpu.enqueue_indirect_dma source(%dma_start3A_368 : memref<128xf32, #tpu.memory_space<vmem>>) target(%dma_start3A_373 : memref<100352xf32, #tpu.memory_space<vmem_shared>>) offsets(%dma_start3A_371 : memref<128xi32, #tpu.memory_space<vmem>>) semaphore(%arg19 : memref<!tpu.dma_semaphore, #tpu.memory_space<semaphore_mem>>) {add = true}
        %dma_start3A_374 = arith.constant 1 : i32
        %dma_start3A_375 = arith.constant 3 : i32
        %dma_start3A_376 = arith.constant 0 : i32
        %dma_start3A_377 = tpu.memref_slice %arg17[%dma_start3A_374, %dma_start3A_375, %dma_start3A_376] : memref<2x4x128xf32, #tpu.memory_space<vmem>> -> memref<1x1x128xf32, #tpu.memory_space<vmem>>
        %dma_start3A_378 = tpu.memref_squeeze %dma_start3A_377 : memref<1x1x128xf32, #tpu.memory_space<vmem>> -> memref<128xf32, #tpu.memory_space<vmem>>
        %dma_start3A_379 = arith.constant 0 : i32
        %dma_start3A_380 = tpu.memref_slice %arg16[%add3A_343, %dma_start3A_379] : memref<16x128xi32, #tpu.memory_space<vmem>> -> memref<1x128xi32, #tpu.memory_space<vmem>>
        %dma_start3A_381 = tpu.memref_squeeze %dma_start3A_380 : memref<1x128xi32, #tpu.memory_space<vmem>> -> memref<128xi32, #tpu.memory_space<vmem>>
        %dma_start3A_382 = arith.constant 0 : i32
        %dma_start3A_383 = tpu.memref_slice %arg14[%dma_start3A_382] : memref<100352xf32, #tpu.memory_space<vmem_shared>> -> memref<100352xf32, #tpu.memory_space<vmem_shared>>
        tpu.enqueue_indirect_dma source(%dma_start3A_378 : memref<128xf32, #tpu.memory_space<vmem>>) target(%dma_start3A_383 : memref<100352xf32, #tpu.memory_space<vmem_shared>>) offsets(%dma_start3A_381 : memref<128xi32, #tpu.memory_space<vmem>>) semaphore(%arg19 : memref<!tpu.dma_semaphore, #tpu.memory_space<semaphore_mem>>) {add = true}
        %lt3A = arith.constant 7 : i32
        %lt3A_384 = arith.cmpi slt, %add3A_126, %lt3A : i32
        %convert_element_type3A = arith.extui %lt3A_384 : i1 to i32
        %cond3A = arith.constant 0 : i32
        %cond3A_385 = arith.cmpi ne, %convert_element_type3A, %cond3A : i32
        scf.if %cond3A_385 {
          %add3A_430 = arith.constant 2 : i32
          %add3A_431 = arith.addi %mul3A_128, %add3A_430 : i32
          %dma_start3A_432 = arith.constant 0 : i32
          %dma_start3A_433 = arith.constant 0 : i32
          %dma_start3A_434 = arith.constant 0 : i32
          %dma_start3A_435 = tpu.memref_slice %arg17[%dma_start3A_432, %dma_start3A_433, %dma_start3A_434] : memref<2x4x128xf32, #tpu.memory_space<vmem>> -> memref<1x1x128xf32, #tpu.memory_space<vmem>>
          %dma_start3A_436 = tpu.memref_squeeze %dma_start3A_435 : memref<1x1x128xf32, #tpu.memory_space<vmem>> -> memref<128xf32, #tpu.memory_space<vmem>>
          %dma_start3A_437 = arith.constant 0 : i32
          %dma_start3A_438 = tpu.memref_slice %arg15[%add3A_431, %dma_start3A_437] : memref<16x128xi32, #tpu.memory_space<vmem>> -> memref<1x128xi32, #tpu.memory_space<vmem>>
          %dma_start3A_439 = tpu.memref_squeeze %dma_start3A_438 : memref<1x128xi32, #tpu.memory_space<vmem>> -> memref<128xi32, #tpu.memory_space<vmem>>
          %dma_start3A_440 = arith.constant 0 : i32
          %dma_start3A_441 = tpu.memref_slice %arg7[%dma_start3A_440] : memref<100352xf32, #tpu.memory_space<vmem_shared>> -> memref<100352xf32, #tpu.memory_space<vmem_shared>>
          tpu.enqueue_indirect_dma source(%dma_start3A_441 : memref<100352xf32, #tpu.memory_space<vmem_shared>>) target(%dma_start3A_436 : memref<128xf32, #tpu.memory_space<vmem>>) offsets(%dma_start3A_439 : memref<128xi32, #tpu.memory_space<vmem>>) semaphore(%arg18 : memref<!tpu.dma_semaphore, #tpu.memory_space<semaphore_mem>>)
          %dma_start3A_442 = arith.constant 0 : i32
          %dma_start3A_443 = arith.constant 1 : i32
          %dma_start3A_444 = arith.constant 0 : i32
          %dma_start3A_445 = tpu.memref_slice %arg17[%dma_start3A_442, %dma_start3A_443, %dma_start3A_444] : memref<2x4x128xf32, #tpu.memory_space<vmem>> -> memref<1x1x128xf32, #tpu.memory_space<vmem>>
          %dma_start3A_446 = tpu.memref_squeeze %dma_start3A_445 : memref<1x1x128xf32, #tpu.memory_space<vmem>> -> memref<128xf32, #tpu.memory_space<vmem>>
          %dma_start3A_447 = arith.constant 0 : i32
          %dma_start3A_448 = tpu.memref_slice %arg15[%add3A_431, %dma_start3A_447] : memref<16x128xi32, #tpu.memory_space<vmem>> -> memref<1x128xi32, #tpu.memory_space<vmem>>
          %dma_start3A_449 = tpu.memref_squeeze %dma_start3A_448 : memref<1x128xi32, #tpu.memory_space<vmem>> -> memref<128xi32, #tpu.memory_space<vmem>>
          %dma_start3A_450 = arith.constant 0 : i32
          %dma_start3A_451 = tpu.memref_slice %arg8[%dma_start3A_450] : memref<100352xf32, #tpu.memory_space<vmem_shared>> -> memref<100352xf32, #tpu.memory_space<vmem_shared>>
          tpu.enqueue_indirect_dma source(%dma_start3A_451 : memref<100352xf32, #tpu.memory_space<vmem_shared>>) target(%dma_start3A_446 : memref<128xf32, #tpu.memory_space<vmem>>) offsets(%dma_start3A_449 : memref<128xi32, #tpu.memory_space<vmem>>) semaphore(%arg18 : memref<!tpu.dma_semaphore, #tpu.memory_space<semaphore_mem>>)
          %dma_start3A_452 = arith.constant 0 : i32
          %dma_start3A_453 = arith.constant 2 : i32
          %dma_start3A_454 = arith.constant 0 : i32
          %dma_start3A_455 = tpu.memref_slice %arg17[%dma_start3A_452, %dma_start3A_453, %dma_start3A_454] : memref<2x4x128xf32, #tpu.memory_space<vmem>> -> memref<1x1x128xf32, #tpu.memory_space<vmem>>
          %dma_start3A_456 = tpu.memref_squeeze %dma_start3A_455 : memref<1x1x128xf32, #tpu.memory_space<vmem>> -> memref<128xf32, #tpu.memory_space<vmem>>
          %dma_start3A_457 = arith.constant 0 : i32
          %dma_start3A_458 = tpu.memref_slice %arg15[%add3A_431, %dma_start3A_457] : memref<16x128xi32, #tpu.memory_space<vmem>> -> memref<1x128xi32, #tpu.memory_space<vmem>>
          %dma_start3A_459 = tpu.memref_squeeze %dma_start3A_458 : memref<1x128xi32, #tpu.memory_space<vmem>> -> memref<128xi32, #tpu.memory_space<vmem>>
          %dma_start3A_460 = arith.constant 0 : i32
          %dma_start3A_461 = tpu.memref_slice %arg9[%dma_start3A_460] : memref<100352xf32, #tpu.memory_space<vmem_shared>> -> memref<100352xf32, #tpu.memory_space<vmem_shared>>
          tpu.enqueue_indirect_dma source(%dma_start3A_461 : memref<100352xf32, #tpu.memory_space<vmem_shared>>) target(%dma_start3A_456 : memref<128xf32, #tpu.memory_space<vmem>>) offsets(%dma_start3A_459 : memref<128xi32, #tpu.memory_space<vmem>>) semaphore(%arg18 : memref<!tpu.dma_semaphore, #tpu.memory_space<semaphore_mem>>)
          %dma_start3A_462 = arith.constant 0 : i32
          %dma_start3A_463 = arith.constant 3 : i32
          %dma_start3A_464 = arith.constant 0 : i32
          %dma_start3A_465 = tpu.memref_slice %arg17[%dma_start3A_462, %dma_start3A_463, %dma_start3A_464] : memref<2x4x128xf32, #tpu.memory_space<vmem>> -> memref<1x1x128xf32, #tpu.memory_space<vmem>>
          %dma_start3A_466 = tpu.memref_squeeze %dma_start3A_465 : memref<1x1x128xf32, #tpu.memory_space<vmem>> -> memref<128xf32, #tpu.memory_space<vmem>>
          %dma_start3A_467 = arith.constant 0 : i32
          %dma_start3A_468 = tpu.memref_slice %arg15[%add3A_431, %dma_start3A_467] : memref<16x128xi32, #tpu.memory_space<vmem>> -> memref<1x128xi32, #tpu.memory_space<vmem>>
          %dma_start3A_469 = tpu.memref_squeeze %dma_start3A_468 : memref<1x128xi32, #tpu.memory_space<vmem>> -> memref<128xi32, #tpu.memory_space<vmem>>
          %dma_start3A_470 = arith.constant 0 : i32
          %dma_start3A_471 = tpu.memref_slice %arg10[%dma_start3A_470] : memref<100352xf32, #tpu.memory_space<vmem_shared>> -> memref<100352xf32, #tpu.memory_space<vmem_shared>>
          tpu.enqueue_indirect_dma source(%dma_start3A_471 : memref<100352xf32, #tpu.memory_space<vmem_shared>>) target(%dma_start3A_466 : memref<128xf32, #tpu.memory_space<vmem>>) offsets(%dma_start3A_469 : memref<128xi32, #tpu.memory_space<vmem>>) semaphore(%arg18 : memref<!tpu.dma_semaphore, #tpu.memory_space<semaphore_mem>>)
        } else {
        }
        %dma_wait3A_386 = arith.constant 1 : i32
        %dma_wait3A_387 = arith.constant 0 : i32
        %dma_wait3A_388 = arith.constant 0 : i32
        %dma_wait3A_389 = arith.constant 0 : i32
        %dma_wait3A_390 = tpu.memref_slice %arg17[%dma_wait3A_386, %dma_wait3A_387, %dma_wait3A_389] : memref<2x4x128xf32, #tpu.memory_space<vmem>> -> memref<1x1x128xf32, #tpu.memory_space<vmem>>
        %dma_wait3A_391 = tpu.memref_squeeze %dma_wait3A_390 : memref<1x1x128xf32, #tpu.memory_space<vmem>> -> memref<128xf32, #tpu.memory_space<vmem>>
        %dma_wait3A_392 = arith.constant 0 : i32
        %dma_wait3A_393 = tpu.memref_slice %arg16[%dma_wait3A_388, %dma_wait3A_392] : memref<16x128xi32, #tpu.memory_space<vmem>> -> memref<1x128xi32, #tpu.memory_space<vmem>>
        %dma_wait3A_394 = tpu.memref_squeeze %dma_wait3A_393 : memref<1x128xi32, #tpu.memory_space<vmem>> -> memref<128xi32, #tpu.memory_space<vmem>>
        %dma_wait3A_395 = arith.constant 0 : i32
        %dma_wait3A_396 = tpu.memref_slice %arg11[%dma_wait3A_395] : memref<100352xf32, #tpu.memory_space<vmem_shared>> -> memref<100352xf32, #tpu.memory_space<vmem_shared>>
        tpu.wait_indirect_dma semaphore(%arg19 : memref<!tpu.dma_semaphore, #tpu.memory_space<semaphore_mem>>) src(%dma_wait3A_391 : memref<128xf32, #tpu.memory_space<vmem>>) dst(%dma_wait3A_396 : memref<100352xf32, #tpu.memory_space<vmem_shared>>)
        %dma_wait3A_397 = arith.constant 1 : i32
        %dma_wait3A_398 = arith.constant 1 : i32
        %dma_wait3A_399 = arith.constant 0 : i32
        %dma_wait3A_400 = arith.constant 0 : i32
        %dma_wait3A_401 = tpu.memref_slice %arg17[%dma_wait3A_397, %dma_wait3A_398, %dma_wait3A_400] : memref<2x4x128xf32, #tpu.memory_space<vmem>> -> memref<1x1x128xf32, #tpu.memory_space<vmem>>
        %dma_wait3A_402 = tpu.memref_squeeze %dma_wait3A_401 : memref<1x1x128xf32, #tpu.memory_space<vmem>> -> memref<128xf32, #tpu.memory_space<vmem>>
        %dma_wait3A_403 = arith.constant 0 : i32
        %dma_wait3A_404 = tpu.memref_slice %arg16[%dma_wait3A_399, %dma_wait3A_403] : memref<16x128xi32, #tpu.memory_space<vmem>> -> memref<1x128xi32, #tpu.memory_space<vmem>>
        %dma_wait3A_405 = tpu.memref_squeeze %dma_wait3A_404 : memref<1x128xi32, #tpu.memory_space<vmem>> -> memref<128xi32, #tpu.memory_space<vmem>>
        %dma_wait3A_406 = arith.constant 0 : i32
        %dma_wait3A_407 = tpu.memref_slice %arg12[%dma_wait3A_406] : memref<100352xf32, #tpu.memory_space<vmem_shared>> -> memref<100352xf32, #tpu.memory_space<vmem_shared>>
        tpu.wait_indirect_dma semaphore(%arg19 : memref<!tpu.dma_semaphore, #tpu.memory_space<semaphore_mem>>) src(%dma_wait3A_402 : memref<128xf32, #tpu.memory_space<vmem>>) dst(%dma_wait3A_407 : memref<100352xf32, #tpu.memory_space<vmem_shared>>)
        %dma_wait3A_408 = arith.constant 1 : i32
        %dma_wait3A_409 = arith.constant 2 : i32
        %dma_wait3A_410 = arith.constant 0 : i32
        %dma_wait3A_411 = arith.constant 0 : i32
        %dma_wait3A_412 = tpu.memref_slice %arg17[%dma_wait3A_408, %dma_wait3A_409, %dma_wait3A_411] : memref<2x4x128xf32, #tpu.memory_space<vmem>> -> memref<1x1x128xf32, #tpu.memory_space<vmem>>
        %dma_wait3A_413 = tpu.memref_squeeze %dma_wait3A_412 : memref<1x1x128xf32, #tpu.memory_space<vmem>> -> memref<128xf32, #tpu.memory_space<vmem>>
        %dma_wait3A_414 = arith.constant 0 : i32
        %dma_wait3A_415 = tpu.memref_slice %arg16[%dma_wait3A_410, %dma_wait3A_414] : memref<16x128xi32, #tpu.memory_space<vmem>> -> memref<1x128xi32, #tpu.memory_space<vmem>>
        %dma_wait3A_416 = tpu.memref_squeeze %dma_wait3A_415 : memref<1x128xi32, #tpu.memory_space<vmem>> -> memref<128xi32, #tpu.memory_space<vmem>>
        %dma_wait3A_417 = arith.constant 0 : i32
        %dma_wait3A_418 = tpu.memref_slice %arg13[%dma_wait3A_417] : memref<100352xf32, #tpu.memory_space<vmem_shared>> -> memref<100352xf32, #tpu.memory_space<vmem_shared>>
        tpu.wait_indirect_dma semaphore(%arg19 : memref<!tpu.dma_semaphore, #tpu.memory_space<semaphore_mem>>) src(%dma_wait3A_413 : memref<128xf32, #tpu.memory_space<vmem>>) dst(%dma_wait3A_418 : memref<100352xf32, #tpu.memory_space<vmem_shared>>)
        %dma_wait3A_419 = arith.constant 1 : i32
        %dma_wait3A_420 = arith.constant 3 : i32
        %dma_wait3A_421 = arith.constant 0 : i32
        %dma_wait3A_422 = arith.constant 0 : i32
        %dma_wait3A_423 = tpu.memref_slice %arg17[%dma_wait3A_419, %dma_wait3A_420, %dma_wait3A_422] : memref<2x4x128xf32, #tpu.memory_space<vmem>> -> memref<1x1x128xf32, #tpu.memory_space<vmem>>
        %dma_wait3A_424 = tpu.memref_squeeze %dma_wait3A_423 : memref<1x1x128xf32, #tpu.memory_space<vmem>> -> memref<128xf32, #tpu.memory_space<vmem>>
        %dma_wait3A_425 = arith.constant 0 : i32
        %dma_wait3A_426 = tpu.memref_slice %arg16[%dma_wait3A_421, %dma_wait3A_425] : memref<16x128xi32, #tpu.memory_space<vmem>> -> memref<1x128xi32, #tpu.memory_space<vmem>>
        %dma_wait3A_427 = tpu.memref_squeeze %dma_wait3A_426 : memref<1x128xi32, #tpu.memory_space<vmem>> -> memref<128xi32, #tpu.memory_space<vmem>>
        %dma_wait3A_428 = arith.constant 0 : i32
        %dma_wait3A_429 = tpu.memref_slice %arg14[%dma_wait3A_428] : memref<100352xf32, #tpu.memory_space<vmem_shared>> -> memref<100352xf32, #tpu.memory_space<vmem_shared>>
        tpu.wait_indirect_dma semaphore(%arg19 : memref<!tpu.dma_semaphore, #tpu.memory_space<semaphore_mem>>) src(%dma_wait3A_424 : memref<128xf32, #tpu.memory_space<vmem>>) dst(%dma_wait3A_429 : memref<100352xf32, #tpu.memory_space<vmem_shared>>)
      }
      %scan3A_121 = arith.constant 8 : i32
    }
    %scan3A_41 = arith.constant 49 : i32
    %barrier3A_42 = arith.constant 0 : index
    tpu.barrier barrier_id(%barrier3A_42)
    %mul3A_43 = arith.constant 6272 : i32
    %mul3A_44 = arith.muli %arg1, %mul3A_43 : i32
    %mul3A_45 = arith.constant 6272 : i32
    %mul3A_46 = arith.muli %arg1, %mul3A_45 : i32
    %run_scoped3A_47 = arith.constant 0 : i32
    "tpu.region"() ({
      %run_scoped3A_63 = tpu.sem_alloc : memref<!tpu.dma_semaphore, #tpu.memory_space<semaphore_mem>>
      %dma_start3A = tpu.memref_slice %arg6[%arg0, %run_scoped3A_47, %mul3A_46] : memref<2x4x100352xf32, #tpu.memory_space<hbm>> -> memref<1x1x6272xf32, #tpu.memory_space<hbm>>
      %dma_start3A_64 = tpu.memref_squeeze %dma_start3A : memref<1x1x6272xf32, #tpu.memory_space<hbm>> -> memref<6272xf32, #tpu.memory_space<hbm>>
      %dma_start3A_65 = tpu.memref_slice %arg11[%mul3A_44] : memref<100352xf32, #tpu.memory_space<vmem_shared>> -> memref<6272xf32, #tpu.memory_space<vmem_shared>>
      tpu.enqueue_dma source(%dma_start3A_65 : memref<6272xf32, #tpu.memory_space<vmem_shared>>) target(%dma_start3A_64 : memref<6272xf32, #tpu.memory_space<hbm>>) target_semaphore(%run_scoped3A_63 : memref<!tpu.dma_semaphore, #tpu.memory_space<semaphore_mem>>)
      %dma_wait3A = tpu.memref_slice %arg6[%arg0, %run_scoped3A_47, %mul3A_46] : memref<2x4x100352xf32, #tpu.memory_space<hbm>> -> memref<1x1x6272xf32, #tpu.memory_space<hbm>>
      %dma_wait3A_66 = tpu.memref_squeeze %dma_wait3A : memref<1x1x6272xf32, #tpu.memory_space<hbm>> -> memref<6272xf32, #tpu.memory_space<hbm>>
      %dma_wait3A_67 = tpu.memref_slice %arg11[%mul3A_44] : memref<100352xf32, #tpu.memory_space<vmem_shared>> -> memref<6272xf32, #tpu.memory_space<vmem_shared>>
      tpu.wait_dma2 semaphore(%run_scoped3A_63 : memref<!tpu.dma_semaphore, #tpu.memory_space<semaphore_mem>>) src(%dma_wait3A_67 : memref<6272xf32, #tpu.memory_space<vmem_shared>>) dst(%dma_wait3A_66 : memref<6272xf32, #tpu.memory_space<hbm>>)
      tpu.yield
    }) : () -> ()
    %mul3A_48 = arith.constant 6272 : i32
    %mul3A_49 = arith.muli %arg1, %mul3A_48 : i32
    %mul3A_50 = arith.constant 6272 : i32
    %mul3A_51 = arith.muli %arg1, %mul3A_50 : i32
    %run_scoped3A_52 = arith.constant 1 : i32
    "tpu.region"() ({
      %run_scoped3A_63 = tpu.sem_alloc : memref<!tpu.dma_semaphore, #tpu.memory_space<semaphore_mem>>
      %dma_start3A = tpu.memref_slice %arg6[%arg0, %run_scoped3A_52, %mul3A_51] : memref<2x4x100352xf32, #tpu.memory_space<hbm>> -> memref<1x1x6272xf32, #tpu.memory_space<hbm>>
      %dma_start3A_64 = tpu.memref_squeeze %dma_start3A : memref<1x1x6272xf32, #tpu.memory_space<hbm>> -> memref<6272xf32, #tpu.memory_space<hbm>>
      %dma_start3A_65 = tpu.memref_slice %arg12[%mul3A_49] : memref<100352xf32, #tpu.memory_space<vmem_shared>> -> memref<6272xf32, #tpu.memory_space<vmem_shared>>
      tpu.enqueue_dma source(%dma_start3A_65 : memref<6272xf32, #tpu.memory_space<vmem_shared>>) target(%dma_start3A_64 : memref<6272xf32, #tpu.memory_space<hbm>>) target_semaphore(%run_scoped3A_63 : memref<!tpu.dma_semaphore, #tpu.memory_space<semaphore_mem>>)
      %dma_wait3A = tpu.memref_slice %arg6[%arg0, %run_scoped3A_52, %mul3A_51] : memref<2x4x100352xf32, #tpu.memory_space<hbm>> -> memref<1x1x6272xf32, #tpu.memory_space<hbm>>
      %dma_wait3A_66 = tpu.memref_squeeze %dma_wait3A : memref<1x1x6272xf32, #tpu.memory_space<hbm>> -> memref<6272xf32, #tpu.memory_space<hbm>>
      %dma_wait3A_67 = tpu.memref_slice %arg12[%mul3A_49] : memref<100352xf32, #tpu.memory_space<vmem_shared>> -> memref<6272xf32, #tpu.memory_space<vmem_shared>>
      tpu.wait_dma2 semaphore(%run_scoped3A_63 : memref<!tpu.dma_semaphore, #tpu.memory_space<semaphore_mem>>) src(%dma_wait3A_67 : memref<6272xf32, #tpu.memory_space<vmem_shared>>) dst(%dma_wait3A_66 : memref<6272xf32, #tpu.memory_space<hbm>>)
      tpu.yield
    }) : () -> ()
    %mul3A_53 = arith.constant 6272 : i32
    %mul3A_54 = arith.muli %arg1, %mul3A_53 : i32
    %mul3A_55 = arith.constant 6272 : i32
    %mul3A_56 = arith.muli %arg1, %mul3A_55 : i32
    %run_scoped3A_57 = arith.constant 2 : i32
    "tpu.region"() ({
      %run_scoped3A_63 = tpu.sem_alloc : memref<!tpu.dma_semaphore, #tpu.memory_space<semaphore_mem>>
      %dma_start3A = tpu.memref_slice %arg6[%arg0, %run_scoped3A_57, %mul3A_56] : memref<2x4x100352xf32, #tpu.memory_space<hbm>> -> memref<1x1x6272xf32, #tpu.memory_space<hbm>>
      %dma_start3A_64 = tpu.memref_squeeze %dma_start3A : memref<1x1x6272xf32, #tpu.memory_space<hbm>> -> memref<6272xf32, #tpu.memory_space<hbm>>
      %dma_start3A_65 = tpu.memref_slice %arg13[%mul3A_54] : memref<100352xf32, #tpu.memory_space<vmem_shared>> -> memref<6272xf32, #tpu.memory_space<vmem_shared>>
      tpu.enqueue_dma source(%dma_start3A_65 : memref<6272xf32, #tpu.memory_space<vmem_shared>>) target(%dma_start3A_64 : memref<6272xf32, #tpu.memory_space<hbm>>) target_semaphore(%run_scoped3A_63 : memref<!tpu.dma_semaphore, #tpu.memory_space<semaphore_mem>>)
      %dma_wait3A = tpu.memref_slice %arg6[%arg0, %run_scoped3A_57, %mul3A_56] : memref<2x4x100352xf32, #tpu.memory_space<hbm>> -> memref<1x1x6272xf32, #tpu.memory_space<hbm>>
      %dma_wait3A_66 = tpu.memref_squeeze %dma_wait3A : memref<1x1x6272xf32, #tpu.memory_space<hbm>> -> memref<6272xf32, #tpu.memory_space<hbm>>
      %dma_wait3A_67 = tpu.memref_slice %arg13[%mul3A_54] : memref<100352xf32, #tpu.memory_space<vmem_shared>> -> memref<6272xf32, #tpu.memory_space<vmem_shared>>
      tpu.wait_dma2 semaphore(%run_scoped3A_63 : memref<!tpu.dma_semaphore, #tpu.memory_space<semaphore_mem>>) src(%dma_wait3A_67 : memref<6272xf32, #tpu.memory_space<vmem_shared>>) dst(%dma_wait3A_66 : memref<6272xf32, #tpu.memory_space<hbm>>)
      tpu.yield
    }) : () -> ()
    %mul3A_58 = arith.constant 6272 : i32
    %mul3A_59 = arith.muli %arg1, %mul3A_58 : i32
    %mul3A_60 = arith.constant 6272 : i32
    %mul3A_61 = arith.muli %arg1, %mul3A_60 : i32
    %run_scoped3A_62 = arith.constant 3 : i32
    "tpu.region"() ({
      %run_scoped3A_63 = tpu.sem_alloc : memref<!tpu.dma_semaphore, #tpu.memory_space<semaphore_mem>>
      %dma_start3A = tpu.memref_slice %arg6[%arg0, %run_scoped3A_62, %mul3A_61] : memref<2x4x100352xf32, #tpu.memory_space<hbm>> -> memref<1x1x6272xf32, #tpu.memory_space<hbm>>
      %dma_start3A_64 = tpu.memref_squeeze %dma_start3A : memref<1x1x6272xf32, #tpu.memory_space<hbm>> -> memref<6272xf32, #tpu.memory_space<hbm>>
      %dma_start3A_65 = tpu.memref_slice %arg14[%mul3A_59] : memref<100352xf32, #tpu.memory_space<vmem_shared>> -> memref<6272xf32, #tpu.memory_space<vmem_shared>>
      tpu.enqueue_dma source(%dma_start3A_65 : memref<6272xf32, #tpu.memory_space<vmem_shared>>) target(%dma_start3A_64 : memref<6272xf32, #tpu.memory_space<hbm>>) target_semaphore(%run_scoped3A_63 : memref<!tpu.dma_semaphore, #tpu.memory_space<semaphore_mem>>)
      %dma_wait3A = tpu.memref_slice %arg6[%arg0, %run_scoped3A_62, %mul3A_61] : memref<2x4x100352xf32, #tpu.memory_space<hbm>> -> memref<1x1x6272xf32, #tpu.memory_space<hbm>>
      %dma_wait3A_66 = tpu.memref_squeeze %dma_wait3A : memref<1x1x6272xf32, #tpu.memory_space<hbm>> -> memref<6272xf32, #tpu.memory_space<hbm>>
      %dma_wait3A_67 = tpu.memref_slice %arg14[%mul3A_59] : memref<100352xf32, #tpu.memory_space<vmem_shared>> -> memref<6272xf32, #tpu.memory_space<vmem_shared>>
      tpu.wait_dma2 semaphore(%run_scoped3A_63 : memref<!tpu.dma_semaphore, #tpu.memory_space<semaphore_mem>>) src(%dma_wait3A_67 : memref<6272xf32, #tpu.memory_space<vmem_shared>>) dst(%dma_wait3A_66 : memref<6272xf32, #tpu.memory_space<hbm>>)
      tpu.yield
    }) : () -> ()
    return
  }
}

module attributes {stable_mosaic.version = 14 : i64} {
  func.func @_coef_body(%arg0: i32, %arg1: memref<4x12x2048xf32, #tpu.memory_space<vmem>>, %arg2: memref<2x2048xf32, #tpu.memory_space<vmem>>, %arg3: memref<2x2048xf32, #tpu.memory_space<vmem>>, %arg4: memref<4x2048xf32, #tpu.memory_space<vmem>>, %arg5: memref<1x2048xf32, #tpu.memory_space<vmem>>) attributes {dimension_semantics = [#tpu.dimension_semantics<arbitrary>], iteration_bounds = array<i64: 49>, scalar_prefetch = 0 : i64, scratch_operands = 0 : i64, tpu.core_type = #tpu.core_type<tc>, window_params = [{transform_indices = @transform_0, window_bounds = array<i64: 4, 12, 2048>}, {transform_indices = @transform_1, window_bounds = array<i64: 2, 2048>}, {transform_indices = @transform_2, window_bounds = array<i64: 2, 2048>}, {transform_indices = @transform_3, window_bounds = array<i64: 4, 2048>}, {transform_indices = @transform_4, window_bounds = array<i64: 1, 2048>}]} {
    %get3A = arith.constant 0 : index
    %get3A_0 = arith.constant 0 : index
    %get3A_1 = arith.constant 0 : index
    %get3A_2 = vector.load %arg1[%get3A, %get3A_0, %get3A_1] : memref<4x12x2048xf32, #tpu.memory_space<vmem>>, vector<4x12x2048xf32>
    %reduce_sum3A = arith.constant dense<0.000000e+00> : vector<4x2048xf32>
    %reduce_sum3A_3 = vector.multi_reduction <add>, %get3A_2, %reduce_sum3A [1] : vector<4x12x2048xf32> to vector<4x2048xf32>
    %mul3A = arith.constant 0.0833333358 : f32
    %mul3A_4 = vector.broadcast %mul3A : f32 to vector<4x2048xf32>
    %mul3A_5 = arith.mulf %reduce_sum3A_3, %mul3A_4 : vector<4x2048xf32>
    %get3A_6 = arith.constant 0 : index
    %get3A_7 = arith.constant 0 : index
    %get3A_8 = vector.load %arg2[%get3A_6, %get3A_7] : memref<2x2048xf32, #tpu.memory_space<vmem>>, vector<1x2048xf32>
    %get3A_9 = vector.shape_cast %get3A_8 : vector<1x2048xf32> to vector<2048xf32>
    %get3A_10 = arith.constant 1 : index
    %get3A_11 = arith.constant 0 : index
    %get3A_12 = vector.load %arg2[%get3A_10, %get3A_11] : memref<2x2048xf32, #tpu.memory_space<vmem>>, vector<1x2048xf32>
    %get3A_13 = vector.shape_cast %get3A_12 : vector<1x2048xf32> to vector<2048xf32>
    %add3A = arith.addf %get3A_9, %get3A_13 : vector<2048xf32>
    %get3A_14 = arith.constant 0 : index
    %get3A_15 = arith.constant 0 : index
    %get3A_16 = vector.load %arg3[%get3A_14, %get3A_15] : memref<2x2048xf32, #tpu.memory_space<vmem>>, vector<1x2048xf32>
    %get3A_17 = vector.shape_cast %get3A_16 : vector<1x2048xf32> to vector<2048xf32>
    %get3A_18 = arith.constant 1 : index
    %get3A_19 = arith.constant 0 : index
    %get3A_20 = vector.load %arg3[%get3A_18, %get3A_19] : memref<2x2048xf32, #tpu.memory_space<vmem>>, vector<1x2048xf32>
    %get3A_21 = vector.shape_cast %get3A_20 : vector<1x2048xf32> to vector<2048xf32>
    %add3A_22 = arith.addf %get3A_17, %get3A_21 : vector<2048xf32>
    %add3A_23 = arith.constant 1.000000e+00 : f32
    %add3A_24 = vector.broadcast %add3A_23 : f32 to vector<2048xf32>
    %add3A_25 = arith.addf %add3A_22, %add3A_24 : vector<2048xf32>
    %rsqrt3A = math.rsqrt %add3A_25 : vector<2048xf32>
    %add3A_26 = arith.constant 1.000000e-03 : f32
    %add3A_27 = vector.broadcast %add3A_26 : f32 to vector<2048xf32>
    %add3A_28 = arith.addf %add3A, %add3A_27 : vector<2048xf32>
    %div3A = arith.constant 1.000000e+00 : f32
    %div3A_29 = vector.broadcast %div3A : f32 to vector<2048xf32>
    %div3A_30 = arith.divf %div3A_29, %add3A_28 : vector<2048xf32>
    %mul3A_31 = arith.mulf %rsqrt3A, %div3A_30 : vector<2048xf32>
    %iota3A = tpu.iota {dimensions = array<i32: 1>} : vector<1x2048xi32>
    %iota3A_32 = vector.shape_cast %iota3A : vector<1x2048xi32> to vector<2048xi32>
    %mul3A_33 = arith.constant 2048 : i32
    %mul3A_34 = arith.muli %arg0, %mul3A_33 : i32
    %add3A_35 = vector.broadcast %mul3A_34 : i32 to vector<2048xi32>
    %add3A_36 = arith.addi %iota3A_32, %add3A_35 : vector<2048xi32>
    %lt3A = arith.constant 100000 : i32
    %lt3A_37 = vector.broadcast %lt3A : i32 to vector<2048xi32>
    %lt3A_38 = arith.cmpi slt, %add3A_36, %lt3A_37 : vector<2048xi32>
    %broadcast_in_dim3A = vector.shape_cast %lt3A_38 : vector<2048xi1> to vector<1x2048xi1>
    %broadcast_in_dim3A_39 = vector.shape_cast %mul3A_31 : vector<2048xf32> to vector<1x2048xf32>
    %mul3A_40 = vector.broadcast %broadcast_in_dim3A_39 : vector<1x2048xf32> to vector<4x2048xf32>
    %mul3A_41 = arith.mulf %mul3A_5, %mul3A_40 : vector<4x2048xf32>
    %jit3A = arith.constant 0.000000e+00 : f32
    %broadcast_in_dim3A_42 = vector.shape_cast %broadcast_in_dim3A : vector<1x2048xi1> to vector<1x2048xi1>
    %broadcast_in_dim3A_43 = vector.broadcast %broadcast_in_dim3A_42 : vector<1x2048xi1> to vector<4x2048xi1>
    %broadcast_in_dim3A_44 = vector.broadcast %jit3A : f32 to vector<4x2048xf32>
    %select_n3A = arith.select %broadcast_in_dim3A_43, %mul3A_41, %broadcast_in_dim3A_44 : vector<4x2048xi1>, vector<4x2048xf32>
    %swap3A = arith.constant 0 : index
    %swap3A_45 = arith.constant 0 : index
    %swap3A_46 = vector.load %arg4[%swap3A, %swap3A_45] : memref<4x2048xf32, #tpu.memory_space<vmem>>, vector<4x2048xf32>
    tpu.vector_store %arg4[%swap3A, %swap3A_45], %select_n3A {strides = array<i32>} : memref<4x2048xf32, #tpu.memory_space<vmem>>, vector<4x2048xf32>,
    %jit3A_47 = arith.constant 0.000000e+00 : f32
    %broadcast_in_dim3A_48 = vector.broadcast %jit3A_47 : f32 to vector<2048xf32>
    %select_n3A_49 = arith.select %lt3A_38, %rsqrt3A, %broadcast_in_dim3A_48 : vector<2048xi1>, vector<2048xf32>
    %reshape3A = vector.shape_cast %select_n3A_49 : vector<2048xf32> to vector<1x2048xf32>
    %swap3A_50 = arith.constant 0 : index
    %swap3A_51 = arith.constant 0 : index
    %swap3A_52 = vector.load %arg5[%swap3A_50, %swap3A_51] : memref<1x2048xf32, #tpu.memory_space<vmem>>, vector<1x2048xf32>
    tpu.vector_store %arg5[%swap3A_50, %swap3A_51], %reshape3A {strides = array<i32>} : memref<1x2048xf32, #tpu.memory_space<vmem>>, vector<1x2048xf32>,
    return
  }
  func.func @transform_0(%arg0: i32) -> (i32, i32, i32) {
    %c0_i32 = arith.constant 0 : i32
    %c0_i32_0 = arith.constant 0 : i32
    %c0_i32_1 = arith.constant 0 : i32
    return %c0_i32, %c0_i32_0, %arg0 : i32, i32, i32
  }
  func.func @transform_1(%arg0: i32) -> (i32, i32) {
    %c0_i32 = arith.constant 0 : i32
    %c0_i32_0 = arith.constant 0 : i32
    return %c0_i32, %arg0 : i32, i32
  }
  func.func @transform_2(%arg0: i32) -> (i32, i32) {
    %c0_i32 = arith.constant 0 : i32
    %c0_i32_0 = arith.constant 0 : i32
    return %c0_i32, %arg0 : i32, i32
  }
  func.func @transform_3(%arg0: i32) -> (i32, i32) {
    %c0_i32 = arith.constant 0 : i32
    %c0_i32_0 = arith.constant 0 : i32
    return %c0_i32, %arg0 : i32, i32
  }
  func.func @transform_4(%arg0: i32) -> (i32, i32) {
    %c0_i32 = arith.constant 0 : i32
    %c0_i32_0 = arith.constant 0 : i32
    return %c0_i32, %arg0 : i32, i32
  }
}

module attributes {stable_mosaic.version = 14 : i64} {
  func.func @_final_body(%arg0: i32, %arg1: memref<2x4x2048xf32, #tpu.memory_space<vmem>>, %arg2: memref<4x2048xf32, #tpu.memory_space<vmem>>, %arg3: memref<1x2048xf32, #tpu.memory_space<vmem>>, %arg4: memref<1x128xf32, #tpu.memory_space<vmem>>, %arg5: memref<128x12xf32, #tpu.memory_space<vmem>>, %arg6: memref<1x128xf32, #tpu.memory_space<vmem>>, %arg7: memref<1x12xf32, #tpu.memory_space<vmem>>, %arg8: memref<4x2048x12xf32, #tpu.memory_space<vmem>>) attributes {dimension_semantics = [#tpu.dimension_semantics<arbitrary>], iteration_bounds = array<i64: 49>, scalar_prefetch = 0 : i64, scratch_operands = 0 : i64, tpu.core_type = #tpu.core_type<tc>, window_params = [{transform_indices = @transform_0, window_bounds = array<i64: 2, 4, 2048>}, {transform_indices = @transform_1, window_bounds = array<i64: 4, 2048>}, {transform_indices = @transform_2, window_bounds = array<i64: 1, 2048>}, {pipeline_mode = #tpu.pipeline_mode<synchronous>, transform_indices = @transform_3, window_bounds = array<i64: 1, 128>}, {pipeline_mode = #tpu.pipeline_mode<synchronous>, transform_indices = @transform_4, window_bounds = array<i64: 128, 12>}, {pipeline_mode = #tpu.pipeline_mode<synchronous>, transform_indices = @transform_5, window_bounds = array<i64: 1, 128>}, {pipeline_mode = #tpu.pipeline_mode<synchronous>, transform_indices = @transform_6, window_bounds = array<i64: 1, 12>}, {transform_indices = @transform_7, window_bounds = array<i64: 4, 2048, 12>}]} {
    %get3A = arith.constant 0 : index
    %get3A_0 = arith.constant 0 : index
    %get3A_1 = arith.constant 0 : index
    %get3A_2 = vector.load %arg1[%get3A, %get3A_0, %get3A_1] : memref<2x4x2048xf32, #tpu.memory_space<vmem>>, vector<1x4x2048xf32>
    %get3A_3 = vector.shape_cast %get3A_2 : vector<1x4x2048xf32> to vector<4x2048xf32>
    %get3A_4 = arith.constant 1 : index
    %get3A_5 = arith.constant 0 : index
    %get3A_6 = arith.constant 0 : index
    %get3A_7 = vector.load %arg1[%get3A_4, %get3A_5, %get3A_6] : memref<2x4x2048xf32, #tpu.memory_space<vmem>>, vector<1x4x2048xf32>
    %get3A_8 = vector.shape_cast %get3A_7 : vector<1x4x2048xf32> to vector<4x2048xf32>
    %add3A = arith.addf %get3A_3, %get3A_8 : vector<4x2048xf32>
    %get3A_9 = arith.constant 0 : index
    %get3A_10 = arith.constant 0 : index
    %get3A_11 = vector.load %arg2[%get3A_9, %get3A_10] : memref<4x2048xf32, #tpu.memory_space<vmem>>, vector<4x2048xf32>
    %add3A_12 = arith.addf %add3A, %get3A_11 : vector<4x2048xf32>
    %get3A_13 = arith.constant 0 : index
    %get3A_14 = arith.constant 0 : index
    %get3A_15 = vector.load %arg3[%get3A_13, %get3A_14] : memref<1x2048xf32, #tpu.memory_space<vmem>>, vector<1x2048xf32>
    %mul3A = vector.broadcast %get3A_15 : vector<1x2048xf32> to vector<4x2048xf32>
    %mul3A_16 = arith.mulf %add3A_12, %mul3A : vector<4x2048xf32>
    %get3A_17 = arith.constant 0 : index
    %get3A_18 = arith.constant 0 : index
    %get3A_19 = vector.load %arg4[%get3A_17, %get3A_18] : memref<1x128xf32, #tpu.memory_space<vmem>>, vector<1x128xf32>
    %get3A_20 = arith.constant 0 : index
    %get3A_21 = arith.constant 0 : index
    %get3A_22 = vector.load %arg5[%get3A_20, %get3A_21] : memref<128x12xf32, #tpu.memory_space<vmem>>, vector<128x12xf32>
    %dot_general3A = arith.constant dense<0.000000e+00> : vector<1x12xf32>
    %dot_general3A_23 = tpu.matmul %get3A_19, %get3A_22, %dot_general3A {dimension_numbers = #tpu.dot_dimension_numbers<[1], [0], [0], [1], [0, 0, 1, 1], [], []>, transpose_lhs_hint = false} : vector<1x128xf32>, vector<128x12xf32>, vector<1x12xf32> -> vector<1x12xf32>
    %get3A_24 = arith.constant 0 : index
    %get3A_25 = arith.constant 0 : index
    %get3A_26 = vector.load %arg6[%get3A_24, %get3A_25] : memref<1x128xf32, #tpu.memory_space<vmem>>, vector<1x128xf32>
    %get3A_27 = arith.constant 0 : index
    %get3A_28 = arith.constant 0 : index
    %get3A_29 = vector.load %arg5[%get3A_27, %get3A_28] : memref<128x12xf32, #tpu.memory_space<vmem>>, vector<128x12xf32>
    %dot_general3A_30 = arith.constant dense<0.000000e+00> : vector<1x12xf32>
    %dot_general3A_31 = tpu.matmul %get3A_26, %get3A_29, %dot_general3A_30 {dimension_numbers = #tpu.dot_dimension_numbers<[1], [0], [0], [1], [0, 0, 1, 1], [], []>, transpose_lhs_hint = false} : vector<1x128xf32>, vector<128x12xf32>, vector<1x12xf32> -> vector<1x12xf32>
    %get3A_32 = arith.constant 0 : index
    %get3A_33 = arith.constant 0 : index
    %get3A_34 = vector.load %arg7[%get3A_32, %get3A_33] : memref<1x12xf32, #tpu.memory_space<vmem>>, vector<1x12xf32>
    %add3A_35 = arith.addf %dot_general3A_31, %get3A_34 : vector<1x12xf32>
    %slice3A = vector.extract_strided_slice %mul3A_16 {offsets = [0, 0], sizes = [1, 2048], strides = [1, 1]} : vector<4x2048xf32> to vector<1x2048xf32>
    %dot_general3A_36 = arith.constant dense<0.000000e+00> : vector<2048x12xf32>
    %dot_general3A_37 = tpu.matmul %slice3A, %dot_general3A_23, %dot_general3A_36 {dimension_numbers = #tpu.dot_dimension_numbers<[0], [0], [1], [1], [0, 1, 1, 1], [], []>, transpose_lhs_hint = false} : vector<1x2048xf32>, vector<1x12xf32>, vector<2048x12xf32> -> vector<2048x12xf32>
    %add3A_38 = vector.broadcast %add3A_35 : vector<1x12xf32> to vector<2048x12xf32>
    %add3A_39 = arith.addf %dot_general3A_37, %add3A_38 : vector<2048x12xf32>
    %swap3A = arith.constant 0 : index
    %swap3A_40 = arith.constant 0 : index
    %swap3A_41 = arith.constant 0 : index
    %swap3A_42 = vector.load %arg8[%swap3A, %swap3A_40, %swap3A_41] : memref<4x2048x12xf32, #tpu.memory_space<vmem>>, vector<1x2048x12xf32>
    %swap3A_43 = vector.shape_cast %swap3A_42 : vector<1x2048x12xf32> to vector<2048x12xf32>
    %swap3A_44 = vector.shape_cast %add3A_39 : vector<2048x12xf32> to vector<1x2048x12xf32>
    tpu.vector_store %arg8[%swap3A, %swap3A_40, %swap3A_41], %swap3A_44 {strides = array<i32>} : memref<4x2048x12xf32, #tpu.memory_space<vmem>>, vector<1x2048x12xf32>,
    %slice3A_45 = vector.extract_strided_slice %mul3A_16 {offsets = [1, 0], sizes = [1, 2048], strides = [1, 1]} : vector<4x2048xf32> to vector<1x2048xf32>
    %dot_general3A_46 = arith.constant dense<0.000000e+00> : vector<2048x12xf32>
    %dot_general3A_47 = tpu.matmul %slice3A_45, %dot_general3A_23, %dot_general3A_46 {dimension_numbers = #tpu.dot_dimension_numbers<[0], [0], [1], [1], [0, 1, 1, 1], [], []>, transpose_lhs_hint = false} : vector<1x2048xf32>, vector<1x12xf32>, vector<2048x12xf32> -> vector<2048x12xf32>
    %add3A_48 = vector.broadcast %add3A_35 : vector<1x12xf32> to vector<2048x12xf32>
    %add3A_49 = arith.addf %dot_general3A_47, %add3A_48 : vector<2048x12xf32>
    %swap3A_50 = arith.constant 1 : index
    %swap3A_51 = arith.constant 0 : index
    %swap3A_52 = arith.constant 0 : index
    %swap3A_53 = vector.load %arg8[%swap3A_50, %swap3A_51, %swap3A_52] : memref<4x2048x12xf32, #tpu.memory_space<vmem>>, vector<1x2048x12xf32>
    %swap3A_54 = vector.shape_cast %swap3A_53 : vector<1x2048x12xf32> to vector<2048x12xf32>
    %swap3A_55 = vector.shape_cast %add3A_49 : vector<2048x12xf32> to vector<1x2048x12xf32>
    tpu.vector_store %arg8[%swap3A_50, %swap3A_51, %swap3A_52], %swap3A_55 {strides = array<i32>} : memref<4x2048x12xf32, #tpu.memory_space<vmem>>, vector<1x2048x12xf32>,
    %slice3A_56 = vector.extract_strided_slice %mul3A_16 {offsets = [2, 0], sizes = [1, 2048], strides = [1, 1]} : vector<4x2048xf32> to vector<1x2048xf32>
    %dot_general3A_57 = arith.constant dense<0.000000e+00> : vector<2048x12xf32>
    %dot_general3A_58 = tpu.matmul %slice3A_56, %dot_general3A_23, %dot_general3A_57 {dimension_numbers = #tpu.dot_dimension_numbers<[0], [0], [1], [1], [0, 1, 1, 1], [], []>, transpose_lhs_hint = false} : vector<1x2048xf32>, vector<1x12xf32>, vector<2048x12xf32> -> vector<2048x12xf32>
    %add3A_59 = vector.broadcast %add3A_35 : vector<1x12xf32> to vector<2048x12xf32>
    %add3A_60 = arith.addf %dot_general3A_58, %add3A_59 : vector<2048x12xf32>
    %swap3A_61 = arith.constant 2 : index
    %swap3A_62 = arith.constant 0 : index
    %swap3A_63 = arith.constant 0 : index
    %swap3A_64 = vector.load %arg8[%swap3A_61, %swap3A_62, %swap3A_63] : memref<4x2048x12xf32, #tpu.memory_space<vmem>>, vector<1x2048x12xf32>
    %swap3A_65 = vector.shape_cast %swap3A_64 : vector<1x2048x12xf32> to vector<2048x12xf32>
    %swap3A_66 = vector.shape_cast %add3A_60 : vector<2048x12xf32> to vector<1x2048x12xf32>
    tpu.vector_store %arg8[%swap3A_61, %swap3A_62, %swap3A_63], %swap3A_66 {strides = array<i32>} : memref<4x2048x12xf32, #tpu.memory_space<vmem>>, vector<1x2048x12xf32>,
    %slice3A_67 = vector.extract_strided_slice %mul3A_16 {offsets = [3, 0], sizes = [1, 2048], strides = [1, 1]} : vector<4x2048xf32> to vector<1x2048xf32>
    %dot_general3A_68 = arith.constant dense<0.000000e+00> : vector<2048x12xf32>
    %dot_general3A_69 = tpu.matmul %slice3A_67, %dot_general3A_23, %dot_general3A_68 {dimension_numbers = #tpu.dot_dimension_numbers<[0], [0], [1], [1], [0, 1, 1, 1], [], []>, transpose_lhs_hint = false} : vector<1x2048xf32>, vector<1x12xf32>, vector<2048x12xf32> -> vector<2048x12xf32>
    %add3A_70 = vector.broadcast %add3A_35 : vector<1x12xf32> to vector<2048x12xf32>
    %add3A_71 = arith.addf %dot_general3A_69, %add3A_70 : vector<2048x12xf32>
    %swap3A_72 = arith.constant 3 : index
    %swap3A_73 = arith.constant 0 : index
    %swap3A_74 = arith.constant 0 : index
    %swap3A_75 = vector.load %arg8[%swap3A_72, %swap3A_73, %swap3A_74] : memref<4x2048x12xf32, #tpu.memory_space<vmem>>, vector<1x2048x12xf32>
    %swap3A_76 = vector.shape_cast %swap3A_75 : vector<1x2048x12xf32> to vector<2048x12xf32>
    %swap3A_77 = vector.shape_cast %add3A_71 : vector<2048x12xf32> to vector<1x2048x12xf32>
    tpu.vector_store %arg8[%swap3A_72, %swap3A_73, %swap3A_74], %swap3A_77 {strides = array<i32>} : memref<4x2048x12xf32, #tpu.memory_space<vmem>>, vector<1x2048x12xf32>,
    return
  }
  func.func @transform_0(%arg0: i32) -> (i32, i32, i32) {
    %c0_i32 = arith.constant 0 : i32
    %c0_i32_0 = arith.constant 0 : i32
    %c0_i32_1 = arith.constant 0 : i32
    return %c0_i32, %c0_i32_0, %arg0 : i32, i32, i32
  }
  func.func @transform_1(%arg0: i32) -> (i32, i32) {
    %c0_i32 = arith.constant 0 : i32
    %c0_i32_0 = arith.constant 0 : i32
    return %c0_i32, %arg0 : i32, i32
  }
  func.func @transform_2(%arg0: i32) -> (i32, i32) {
    %c0_i32 = arith.constant 0 : i32
    %c0_i32_0 = arith.constant 0 : i32
    return %c0_i32, %arg0 : i32, i32
  }
  func.func @transform_3(%arg0: i32) -> (i32, i32) {
    %c0_i32 = arith.constant 0 : i32
    %c0_i32_0 = arith.constant 0 : i32
    %c0_i32_1 = arith.constant 0 : i32
    return %c0_i32, %c0_i32_0 : i32, i32
  }
  func.func @transform_4(%arg0: i32) -> (i32, i32) {
    %c0_i32 = arith.constant 0 : i32
    %c0_i32_0 = arith.constant 0 : i32
    %c0_i32_1 = arith.constant 0 : i32
    return %c0_i32, %c0_i32_0 : i32, i32
  }
  func.func @transform_5(%arg0: i32) -> (i32, i32) {
    %c0_i32 = arith.constant 0 : i32
    %c0_i32_0 = arith.constant 0 : i32
    %c0_i32_1 = arith.constant 0 : i32
    return %c0_i32, %c0_i32_0 : i32, i32
  }
  func.func @transform_6(%arg0: i32) -> (i32, i32) {
    %c0_i32 = arith.constant 0 : i32
    %c0_i32_0 = arith.constant 0 : i32
    %c0_i32_1 = arith.constant 0 : i32
    return %c0_i32, %c0_i32_0 : i32, i32
  }
  func.func @transform_7(%arg0: i32) -> (i32, i32, i32) {
    %c0_i32 = arith.constant 0 : i32
    %c0_i32_0 = arith.constant 0 : i32
    %c0_i32_1 = arith.constant 0 : i32
    return %c0_i32, %arg0, %c0_i32_0 : i32, i32, i32
  }
}

</mosaic_0001>

<sc_bundles>
// kernel: kernel.6.cloned.1.call-start
scs
__scs_entry_jumppad:
0x0: {  	(pc) =	sbr.rel $0x88, $3  }
0x1: {  	(tag) =	ssettag $0x0;
	lr =	simm.s32 $0x1  }
0x2: {  	[smem:$0x3F9B] =	sst lr;
	_ =	strace $0xD0000000  }
0x3: {  	_ = 	snop  }
0x4: {  	_ = 	snop  }
0x5: {  	_ = 	snop  }
0x6: {  	_ = 	snop  }
0x7: {  	_ = 	snop  }
__scs_overlays_trampoline_lowered:
0x8: {  	[smem:$0x3FAA] =	sst s0  }
0x9: {  	[smem:$0x3FAB] =	sst s1  }
0xa: {  	[smem:$0x3FAC] =	sst s2  }
0xb: {  	[smem:$0x3FAD] =	sst s3  }
0xc: {  	[smem:$0x3FAE] =	sst s4  }
0xd: {  	[smem:$0x3FAF] =	sst s5  }
0xe: {  	[smem:$0x3FB0] =	sst s6  }
0xf: {  	[smem:$0x3FB1] =	sst s7  }
0x10: {  	[smem:$0x3FB2] =	sst s8  }
0x11: {  	[smem:$0x3FB3] =	sst s9;
	s0 =	simm.s32 @!p0 $0x0  }
0x12: {  	s1 =	sld [smem:$0x3F99];
	s0 =	simm.s32 @p0 $0x1  }
0x13: {  	[smem:$0x3FB4] =	sst s0;
	s0 =	simm.s32 @!p1 $0x0  }
0x14: {  	s2 =	sld [smem:$0x3F98];
	s0 =	simm.s32 @p1 $0x1  }
0x15: {  	[smem:$0x3FB5] =	sst s0;
	s0 =	simm.s32 @!p2 $0x0  }
0x16: {  	s3 =	sld [smem:$0x3FDB];
	s0 =	simm.s32 @p2 $0x1  }
0x17: {  	s4 =	simm.s32 $0x1BF5;
	[smem:$0x3FB7] =	sst s0  }
0x18: {  	s0 =	sld [smem:$0x3F9A];
	_ =	swait.ge [sflag:s4], $0x0  }
0x19: {  	s7 =	sld [smem:$0x3F9B]  }
0x1a: {  	s8 =	sadd.s32 $0xFFFFE003, lr  }
0x1b: {  	s9 =	sadd.s32 $0xFFFFFEF7, lr;
	s5 =	simm.s32 $0xFFFFFFFF;
	p2 =	slt.u32 s8, $0xFFFFF086  }
0x1c: {  	p1 =	slt.u32 s9, $0xF7A;
	s5 =	simm.s32 @!p2 $0x0  }
0x1d: {  	s5 =	simm.s32 @p1 $0x1;
	p0 =	seq.s32 s7, s2  }
0x1e: {  	s7 =	smul.u32 @!p0 $0xF7A, s2;
	p2 =	seq.s32 @!p0 s5, $0x0  }
0x1f: {  	s9 =	smul.u32 $0xF7A, s1;
	s8 =	simm.s32 @!p0 $0x1BF5;
	p2 =	por !p2, p0  }
0x20: {  	[sflag:s8] =	ssyncset.s32 @!p0 $0xFFFFF086;
	s6 =	sadd.s32 @!p0 s3, s7;
	s7 =	simm.s32 @!p0 $0x108  }
0x21: {  	s3 =	sadd.s32 s3, s9;
	s6 =	sadd.s32 @!p0 $0x88, s6;
	s7 =	simm.s32 @p2 $0x1082  }
0x22: {  	[simem:s7], [sflag:s8] =	dma.local @!p0 [hbm:s6], $0xF7A  }
0x23: {  	s9 =	sor.u32 $0xD0000000, s2;
	s6 =	simm.s32 $0x108;
	_ =	swait.ge @!p0 [sflag:s8], $0x0  }
0x24: {  	s3 =	sadd.s32 $0x88, s3;
	s6 =	simm.s32 @!p1 $0x1082;
	[sflag:s4] =	ssyncset.s32 $0xFFFFF086  }
0x25: {  	[simem:s6], [sflag:s4] =	dma.local [hbm:s3], $0xF7A  }
0x26: {  	[smem:$0x3F9B] =	sst s1;
	(tag) =	ssettag s2;
	_ =	strace s9  }
0x27: {  	s1 =	sld [smem:$0x3FAB]  }
0x28: {  	s2 =	sld [smem:$0x3FAC]  }
0x29: {  	s4 =	sld [smem:$0x3FAE]  }
0x2a: {  	p0 =	seq.s32 s5, $0x0;
	s5 =	sld [smem:$0x3FAF]  }
0x2b: {  	s6 =	sld [smem:$0x3FB0]  }
0x2c: {  	s7 =	sld [smem:$0x3FB1]  }
0x2d: {  	s3 =	simm.s32 $0x108;
	s8 =	sld [smem:$0x3FB2]  }
0x2e: {  	s3 =	simm.s32 @!p0 $0x1082;
	s9 =	sld [smem:$0x3FB3]  }
0x2f: {  	lr =	sadd.s32 s0, s3;
	s0 =	sld [smem:$0x3FAA]  }
0x30: {  	s3 =	sld [smem:$0x3FAD]  }
0x31: {  	[smem:$0x3FB6] =	sst s10  }
0x32: {  	s10 =	sld [smem:$0x3FB4];
	_ =	sdelay $0x3  }
0x33: {  	p0 =	seq.s32 s10, $0x1;
	s10 =	sld [smem:$0x3FB6];
	_ =	sdelay $0x3  }
0x34: {  	[smem:$0x3FB6] =	sst s10  }
0x35: {  	s10 =	sld [smem:$0x3FB5];
	_ =	sdelay $0x3  }
0x36: {  	p1 =	seq.s32 s10, $0x1;
	s10 =	sld [smem:$0x3FB6];
	_ =	sdelay $0x3  }
0x37: {  	[smem:$0x3FB6] =	sst s10  }
0x38: {  	s10 =	sld [smem:$0x3FB7]  }
0x39: {  	_ = 	snop;
	(pc) =	sbr.ind lr, $3  }
0x3a: {  	_ = 	snop  }
0x3b: {  	_ = 	snop  }
0x3c: {  	p2 =	seq.s32 s10, $0x1;
	s10 =	sld [smem:$0x3FB6]  }
0x3d: {  	_ =	shalt  }
0x3e: {  	_ =	shalt  }
0x3f: {  	_ =	shalt  }
0x40: {  	_ =	shalt  }
0x41: {  	_ =	shalt  }
0x42: {  	_ =	shalt  }
0x43: {  	_ =	shalt  }
0x44: {  	_ =	shalt  }
0x45: {  	_ =	shalt  }
0x46: {  	_ =	shalt  }
0x47: {  	_ =	shalt  }
0x48: {  	_ =	shalt  }
0x49: {  	_ =	shalt  }
0x4a: {  	_ =	shalt  }
0x4b: {  	_ =	shalt  }
0x4c: {  	_ =	shalt  }
0x4d: {  	_ =	shalt  }
0x4e: {  	_ =	shalt  }
0x4f: {  	_ =	shalt  }
0x50: {  	_ =	shalt  }
0x51: {  	_ =	shalt  }
0x52: {  	_ =	shalt  }
0x53: {  	_ =	shalt  }
0x54: {  	_ =	shalt  }
0x55: {  	_ =	shalt  }
0x56: {  	_ =	shalt  }
0x57: {  	_ =	shalt  }
0x58: {  	_ =	shalt  }
0x59: {  	_ =	shalt  }
0x5a: {  	_ =	shalt  }
0x5b: {  	_ =	shalt  }
0x5c: {  	_ =	shalt  }
0x5d: {  	_ =	shalt  }
0x5e: {  	_ =	shalt  }
0x5f: {  	_ =	shalt  }
0x60: {  	_ =	shalt  }
0x61: {  	_ =	shalt  }
0x62: {  	_ =	shalt  }
0x63: {  	_ =	shalt  }
0x64: {  	_ =	shalt  }
0x65: {  	_ =	shalt  }
0x66: {  	_ =	shalt  }
0x67: {  	_ =	shalt  }
0x68: {  	_ =	shalt  }
0x69: {  	_ =	shalt  }
0x6a: {  	_ =	shalt  }
0x6b: {  	_ =	shalt  }
0x6c: {  	_ =	shalt  }
0x6d: {  	_ =	shalt  }
0x6e: {  	_ =	shalt  }
0x6f: {  	_ =	shalt  }
0x70: {  	_ =	shalt  }
0x71: {  	_ =	shalt  }
0x72: {  	_ =	shalt  }
0x73: {  	_ =	shalt  }
0x74: {  	_ =	shalt  }
0x75: {  	_ =	shalt  }
0x76: {  	_ =	shalt  }
0x77: {  	_ =	shalt  }
0x78: {  	_ =	shalt  }
0x79: {  	_ =	shalt  }
0x7a: {  	_ =	shalt  }
0x7b: {  	_ =	shalt  }
0x7c: {  	_ =	shalt  }
0x7d: {  	_ =	shalt  }
0x7e: {  	_ =	shalt  }
0x7f: {  	_ =	shalt  }
0x80: {  	_ =	shalt  }
0x81: {  	_ =	shalt  }
0x82: {  	_ =	shalt  }
0x83: {  	_ =	shalt  }
0x84: {  	_ =	shalt  }
0x85: {  	_ =	shalt  }
0x86: {  	_ =	shalt  }
0x87: {  	_ =	shalt  }
.Lfunc_end0:
.L_simem_size_0:
called_computation_lowered:
.L_overlay_start_0:
0x88: {  	s2 =	sld [smem:$0x3FD9]  }
0x89: {  	s3 =	sld [smem:$0x3FFE];
	_ =	sdelay $0x1  }
0x8a: {  	s1 =	srdreg.scid  }
0x8b: {  	s0 =	sand.u32 $0x1, s1  }
0x8c: {  	s17 =	sshll.u32 s0, $0xA;
	s2 =	sadd.s32 s3, s2  }
0x8d: {  	s2 =	sadd.s32 s2, s17  }
0x8e: {  	[smem:$0x3FC2] =	sst s2  }
0x8f: {  	_ = 	snop  }
0x90: {  	s2 =	sld [smem:$0x3FD0];
	(tm) =	ssettm $0x1  }
0x91: {  	s18 =	sld [smem:$0x3FFB];
	_ =	sdelay $0x3  }
0x92: {  	_ =	strace s18  }
0x93: {  	s3 =	sld [smem:$0x3FFC];
	_ =	sdelay $0x3  }
0x94: {  	_ =	strace s3  }
0x95: {  	s3 =	sld [smem:$0x3FFD];
	_ =	sdelay $0x3  }
0x96: {  	_ =	strace s3  }
0x97: {  	_ =	strace $0x8FFFFFFF  }
0x98: {  	s19 =	sld [smem:$0x3FDB];
	_ =	sdelay $0x1  }
0x99: {  	s4 =	simm.s32 $_scs_section_size  }
0x9a: {  	s5 =	simm.s32 $_size__tile_overlayer_lowered;
	s6 =	simm.s32 $_tile_overlayer_lowered  }
0x9b: {  	s22 =	simm.s32 $0x1BFF;
	s21 =	sshll.u32 s6, $0x1;
	s3 =	sadd.s32 s4, s19  }
0x9c: {  	s7 =	simm.s32 $0x0;
	s20 =	sshll.u32 s5, $0x1;
	s5 =	sadd.s32 s21, s3  }
0x9d: {  	[timem:s7], [sflag:s22] =	dma.local [hbm:s5], s20  }
0x9e: {  	_ =	swait.ge [sflag:s22], s20  }
0x9f: {  	s4 =	ssub.s32 $0x0, s20;
	[sflag:s22] =	ssyncset.done $0x0  }
0xa0: {  	[sflag:s22] =	ssyncadd.s32 s4;
	_ =	sdelay $0x1  }
0xa1: {  	s23 =	simm.s32 $0x1B8B  }
0xa2: {  	_ =	swait.ge [sflag:s23], $0x1  }
0xa3: {  	[sflag:s23] =	ssyncset.done $0x0  }
0xa4: {  	s25 =	simm.s32 $0x1B8E;
	s24 =	sld [smem:$0x3FFE];
	[sflag:s23] =	ssyncadd.s32 $0xFFFFFFFF  }
0xa5: {  	s26 =	simm.s32 $execute0_lowered;
	[smem:$0x3FD2] =	sst s25  }
0xa6: {  	s5 =	sshll.u32 s26, $0x1;
	_ =	strace $0x80000046;
	[dreg:$0x1] =	wrdreg $0xFFFFFFFF  }
0xa7: {  	s28 =	simm.s32 $_size_execute0_lowered;
	s3 =	sadd.s32 s3, s5;
	[dreg:$0x0] =	wrdreg $0x0  }
0xa8: {  	s5 =	sshll.u32 s28, $0x1;
	[dreg:$0x2] =	wrdreg s3  }
0xa9: {  	[dreg:$0x3] =	wrdreg s5  }
0xaa: {  	[dreg:$0x4] =	wrdreg $0xC0  }
0xab: {  	_ =	task [dreg:s7], $0x5FFFF  }
0xac: {  	[dreg:$0x1] =	wrdreg $0xFFFFFFFF  }
0xad: {  	[dreg:$0x0] =	wrdreg $0x60  }
0xae: {  	[dreg:$0x2] =	wrdreg s24  }
0xaf: {  	[dreg:$0x3] =	wrdreg s2  }
0xb0: {  	[dreg:$0x4] =	wrdreg $0x0  }
0xb1: {  	[dreg:$0x5] =	wrdreg $0x18800  }
0xb2: {  	[dreg:$0x6] =	wrdreg $0x9  }
0xb3: {  	_ =	task.clear_ibuf [dreg:s7], $0x7FFFF;
	_ =	strace $0x90000046  }
0xb4: {  	s29 =	simm.s32 $0x9;
	_ =	strace $0x80000048  }
0xb5: {  	_ =	swait.ge [sflag:s29], $0x1  }
0xb6: {  	[sflag:s29] =	ssyncadd.s32 $0xFFFFFFFF  }
0xb7: {  	_ =	strace $0x90000048  }
0xb8: {  	_ =	sfence  }
0xb9: {  	s30 =	sld [smem:$0x0];
	_ =	sdelay $0x2  }
0xba: {  	s31 =	sshll.u32 s1, $0xD;
	s1 =	sshrl.u32 s1, $0x2  }
0xbb: {  	s3 =	sand.u32 $0x4000, s31;
	s1 =	sadd.s32 s1, s30  }
0xbc: {  	s0 =	sor.u32 s3, s0;
	s1 =	sshll.u32 s1, $0x11  }
0xbd: {  	s0 =	sor.u32 s1, s0  }
0xbe: {  	s0 =	sadd.s32 $0x8F2B, s0  }
0xbf: {  	[sflag:s0] =	ssyncadd.remote.s32 $0x1  }
0xc0: {  	_ =	sfence.sel $0xFFFF  }
0xc1: {  	[dreg:$0x0] =	wrdreg $0xFFFFFFFF;
	(pc) =	sbr.abs _section_cstart, $3  }
0xc2: {  	[dreg:$0x1] =	wrdreg $0xFFFFFFFF  }
0xc3: {  	_ =	task.clear_ibuf [dreg:s7], $0x2FFFF;
	_ =	strace $0x9FFFFFFF  }
0xc4: {  	(tm) =	ssettm $0x7FFFFFFF  }
0xc5: {  	_ =	shalt  }
tec
execute0_lowered:
.L_overlay_start_1:
0x0: {  	(tag) =	ssettag $0x1  }
0x1: {  	s0 =	rddreg [dreg:$0x0]  }
0x2: {  	s1 =	rddreg [dreg:$0x1]  }
0x3: {  	s3 =	srdreg.scid;
	s2 =	rddreg [dreg:$0x2]  }
0x4: {  	s11 =	stileid.u32;
	s4 =	simm.s32 $0x0;
	s12 =	simm.s32 $0x3180  }
0x5: {  	s13 =	simm.s32 $0x3980;
	s5 =	sand.u32 $0x1, s3;
	s3 =	rddreg [dreg:$0x3]  }
0x6: {  	s15 =	simm.s32 $0x3200;
	s17 =	simm.s32 $0x3A00;
	[smem:$0x7FF] =	sst s4  }
0x7: {  	s18 =	simm.s32 $0x3280;
	_ =	strace $0x80000047;
	[dreg:$0x7] =	wrdreg s12  }
0x8: {  	s20 =	simm.s32 $0x3A80;
	s21 =	simm.s32 $0x3300;
	[dreg:$0x8] =	wrdreg s13  }
0x9: {  	s22 =	simm.s32 $0x3B00;
	s28 =	simm.s32 $0x3E80;
	[dreg:$0x9] =	wrdreg s15  }
0xa: {  	s29 =	simm.s32 $0x3700;
	s7 =	smul.u32 $0x18800, s11;
	[dreg:$0xa] =	wrdreg s17  }
0xb: {  	s30 =	simm.s32 $0x3F00;
	s23 =	smul.u32 $0x3100, s11;
	[dreg:$0xb] =	wrdreg s18  }
0xc: {  	s31 =	simm.s32 $0x3780;
	s8 =	smul.u32 $0x1880, s11;
	[dreg:$0xc] =	wrdreg s20  }
0xd: {  	s11 =	sshll.u32 s11, $0x6;
	s6 =	smul.u32 $0x188000, s5;
	[dreg:$0xd] =	wrdreg s21  }
0xe: {  	s9 =	sshll.u32 s5, $0x7;
	s5 =	ssub.s32 $0x2, s5;
	[dreg:$0xe] =	wrdreg s22  }
0xf: {  	s13 =	simm.s32 $0x3100;
	s15 =	simm.s32 $0x80;
	s17 =	simm.s32 $0x1  }
0x10: {  	s18 =	simm.s32 $0x3480;
	s20 =	simm.s32 $0x3500;
	s21 =	simm.s32 $0x3D00  }
0x11: {  	s22 =	simm.s32 $0x3580;
	s24 =	sshrl.u32 s8, $0x3;
	s25 =	sshrl.u32 s5, $0x1  }
0x12: {  	s26 =	sadd.s32 s8, s2;
	s14 =	sadd.s32 s8, s3;
	s8 =	simm.s32 $0x3880  }
0x13: {  	s6 =	sadd.s32 s7, s6;
	s7 =	sor.u32 s9, s23;
	s9 =	sadd.s32 s24, s0  }
0x14: {  	s5 =	ssub.s32 s5, s25;
	s12 =	sshrl.u32 s26, $0x3;
	s23 =	simm.s32 $0x3380  }
0x15: {  	s24 =	simm.s32 $0x3B80;
	s25 =	simm.s32 $0x3400;
	[dreg:$0xf] =	wrdreg s23  }
0x16: {  	s26 =	simm.s32 $0x3C00;
	s6 =	sshrl.u32 s6, $0x3;
	[dreg:$0x10] =	wrdreg s24  }
0x17: {  	s7 =	sshrl.u32 s7, $0x3;
	s9 =	sadd.s32 $0x64400, s9;
	[dreg:$0x11] =	wrdreg s25  }
0x18: {  	s19 =	smax.u32 s5, $0x1;
	[dreg:$0x12] =	wrdreg s26;
	s23 =	simm.s32 $0x3D80  }
0x19: {  	s24 =	simm.s32 $0x3600;
	s25 =	simm.s32 $0x3E00;
	[dreg:$0x18] =	wrdreg s12  }
0x1a: {  	s26 =	simm.s32 $0x3680;
	s5 =	simm.s32 $0x0;
	[dreg:$0x13] =	wrdreg s9  }
0x1b: {  	s10 =	sadd.s32 s6, s0;
	s0 =	sadd.s32 s7, s0;
	[dreg:$0x17] =	wrdreg s19  }
0x1c: {  	s1 =	sadd.s32 s6, s1;
	s6 =	sshrl.u32 s14, $0x3;
	[dreg:$0x1a] =	wrdreg s5  }
0x1d: {  	s14 =	simm.s32 $0x3900;
	s19 =	simm.s32 $0x3C80;
	[dreg:$0x5] =	wrdreg s1  }
0x1e: {  	s7 =	simm.s32 $0x4000;
	s10 =	sadd.s32 $0x2400, s10;
	[dreg:$0x19] =	wrdreg s6  }
0x1f: {  	s9 =	simm.s32 $0x4080;
	s16 =	sadd.s32 $0x67600, s0;
	[dreg:$0x6] =	wrdreg s10  }
0x20: {  	s0 =	sadd.s32 $0x6D800, s0;
	s1 =	simm.s32 $0x3F80;
	[dreg:$0x15] =	wrdreg s16  }
0x21: {  	s10 =	sor.u32 $0x1C02, s11;
	[dreg:$0x16] =	wrdreg s0;
	s11 =	simm.s32 $0x2  }
0x22: {  	v0 =	vimm.f32 $1.000000000e+00;
	s16 =	simm.s32 $0x4100;
	s0 =	simm.s32 $0x3800;
	[dreg:$0x14] =	wrdreg s10  }
.LBB2_1:
0x23: {  	[tilespmem:$0x4100] =	vst v0  }
0x24: {  	[tilespmem:$0x4110] =	vst v0  }
0x25: {  	[tilespmem:$0x4120] =	vst v0  }
0x26: {  	[tilespmem:$0x4130] =	vst v0  }
0x27: {  	[tilespmem:$0x4140] =	vst v0  }
0x28: {  	[tilespmem:$0x4150] =	vst v0  }
0x29: {  	[tilespmem:$0x4160] =	vst v0  }
0x2a: {  	[tilespmem:$0x4170] =	vst v0;
	s5 =	rddreg [dreg:$0x13]  }
0x2b: {  	[spmem:s12], [sflag:s10] =	dma.local [hbm:s5], $0x310  }
0x2c: {  	_ =	swait.ge [sflag:s11], $0x310  }
0x2d: {  	[sflag:s11] =	ssyncset.done $0x0  }
0x2e: {  	[sflag:s11] =	ssyncadd.s32 $0xFFFFFCF0  }
0x2f: {  	[spmem:s6], [sflag:s10] =	dma.local [hbm:s5], $0x310  }
0x30: {  	_ =	swait.ge [sflag:s11], $0x310  }
0x31: {  	[sflag:s11] =	ssyncset.done $0x0  }
0x32: {  	[sflag:s11] =	ssyncadd.s32 $0xFFFFFCF0  }
0x33: {  	[bflag:$0x0] =	sbarrier.arrive $0xFFFF  }
0x34: {  	s5 =	rddreg [dreg:$0x6]  }
0x35: {  	s6 =	sadd.s32 $0x0, s5  }
0x36: {  	[tilespmem:s13], [sflag:$0x2] =	stream.linear.gather [hbm4b:s6+s4], $0x800, $0x38;
	[tilespmem:$0x4180] =	vst v63  }
0x37: {  	_ =	swait.ge [sflag:s11], $0x800  }
0x38: {  	s10 =	rddreg [dreg:$0x5];
	[sflag:s11] =	ssyncset.done $0x0  }
0x39: {  	[sflag:s11] =	ssyncadd.s32 $0xFFFFF800;
	s6 =	sadd.s32 $0x0, s10  }
0x3a: {  	[tilespmem:s14], [sflag:$0x2] =	stream.linear.gather [hbm4b:s6+s4], $0x800, $0x38;
	[tilespmem:$0x4180] =	vst v63  }
0x3b: {  	_ =	swait.ge [sflag:s11], $0x800  }
0x3c: {  	[sflag:s11] =	ssyncset.done $0x0  }
0x3d: {  	[sflag:s11] =	ssyncadd.s32 $0xFFFFF800  }
0x3e: {  	[spmem:s2] =	stream.indirect.scatter.add.f32 [tilespmem:s16], [sflag:$0x1], $0x1, s13, s15, $0xb8;
	[tilespmem:$0x4180] =	vst v63  }
0x3f: {  	_ = 	snop  }
0x40: {  	[spmem:s3] =	stream.indirect.scatter.add.f32 [tilespmem:s16], [sflag:$0x1], $0x1, s14, s15, $0xb8;
	[tilespmem:$0x4180] =	vst v63  }
0x41: {  	s12 =	rddreg [dreg:$0x7]  }
0x42: {  	[spmem:s2] =	stream.indirect.scatter.add.f32 [tilespmem:s16], [sflag:$0x1], $0x1, s12, s15, $0xb8;
	[tilespmem:$0x4180] =	vst v63  }
0x43: {  	s5 =	rddreg [dreg:$0x8]  }
0x44: {  	[spmem:s3] =	stream.indirect.scatter.add.f32 [tilespmem:s16], [sflag:$0x1], $0x1, s5, s15, $0xb8;
	[tilespmem:$0x4180] =	vst v63  }
0x45: {  	_ =	swait.ge [sflag:s17], $0x80  }
0x46: {  	[sflag:s17] =	ssyncset.done $0x0  }
0x47: {  	[sflag:s17] =	ssyncadd.s32 $0xFFFFFF80  }
0x48: {  	_ =	swait.ge [sflag:s17], $0x80  }
0x49: {  	[sflag:s17] =	ssyncset.done $0x0  }
0x4a: {  	[sflag:s17] =	ssyncadd.s32 $0xFFFFFF80  }
0x4b: {  	_ =	swait.ge [sflag:s17], $0x80  }
0x4c: {  	[sflag:s17] =	ssyncset.done $0x0  }
0x4d: {  	[sflag:s17] =	ssyncadd.s32 $0xFFFFFF80  }
0x4e: {  	_ =	swait.ge [sflag:s17], $0x80  }
0x4f: {  	[sflag:s17] =	ssyncset.done $0x0  }
0x50: {  	s12 =	rddreg [dreg:$0x9];
	[sflag:s17] =	ssyncadd.s32 $0xFFFFFF80  }
0x51: {  	[spmem:s2] =	stream.indirect.scatter.add.f32 [tilespmem:s16], [sflag:$0x1], $0x1, s12, s15, $0xb8;
	[tilespmem:$0x4180] =	vst v63  }
0x52: {  	s5 =	rddreg [dreg:$0xa]  }
0x53: {  	[spmem:s3] =	stream.indirect.scatter.add.f32 [tilespmem:s16], [sflag:$0x1], $0x1, s5, s15, $0xb8;
	[tilespmem:$0x4180] =	vst v63  }
0x54: {  	s12 =	rddreg [dreg:$0xb]  }
0x55: {  	[spmem:s2] =	stream.indirect.scatter.add.f32 [tilespmem:s16], [sflag:$0x1], $0x1, s12, s15, $0xb8;
	[tilespmem:$0x4180] =	vst v63  }
0x56: {  	s5 =	rddreg [dreg:$0xc]  }
0x57: {  	[spmem:s3] =	stream.indirect.scatter.add.f32 [tilespmem:s16], [sflag:$0x1], $0x1, s5, s15, $0xb8;
	[tilespmem:$0x4180] =	vst v63  }
0x58: {  	_ =	swait.ge [sflag:s17], $0x80  }
0x59: {  	[sflag:s17] =	ssyncset.done $0x0  }
0x5a: {  	[sflag:s17] =	ssyncadd.s32 $0xFFFFFF80  }
0x5b: {  	_ =	swait.ge [sflag:s17], $0x80  }
0x5c: {  	[sflag:s17] =	ssyncset.done $0x0  }
0x5d: {  	[sflag:s17] =	ssyncadd.s32 $0xFFFFFF80  }
0x5e: {  	_ =	swait.ge [sflag:s17], $0x80  }
0x5f: {  	[sflag:s17] =	ssyncset.done $0x0  }
0x60: {  	[sflag:s17] =	ssyncadd.s32 $0xFFFFFF80  }
0x61: {  	_ =	swait.ge [sflag:s17], $0x80  }
0x62: {  	[sflag:s17] =	ssyncset.done $0x0  }
0x63: {  	s12 =	rddreg [dreg:$0xd];
	[sflag:s17] =	ssyncadd.s32 $0xFFFFFF80  }
0x64: {  	[spmem:s2] =	stream.indirect.scatter.add.f32 [tilespmem:s16], [sflag:$0x1], $0x1, s12, s15, $0xb8;
	[tilespmem:$0x4180] =	vst v63  }
0x65: {  	s5 =	rddreg [dreg:$0xe]  }
0x66: {  	[spmem:s3] =	stream.indirect.scatter.add.f32 [tilespmem:s16], [sflag:$0x1], $0x1, s5, s15, $0xb8;
	[tilespmem:$0x4180] =	vst v63  }
0x67: {  	s12 =	rddreg [dreg:$0xf]  }
0x68: {  	[spmem:s2] =	stream.indirect.scatter.add.f32 [tilespmem:s16], [sflag:$0x1], $0x1, s12, s15, $0xb8;
	[tilespmem:$0x4180] =	vst v63  }
0x69: {  	s5 =	rddreg [dreg:$0x10]  }
0x6a: {  	[spmem:s3] =	stream.indirect.scatter.add.f32 [tilespmem:s16], [sflag:$0x1], $0x1, s5, s15, $0xb8;
	[tilespmem:$0x4180] =	vst v63  }
0x6b: {  	_ =	swait.ge [sflag:s17], $0x80  }
0x6c: {  	[sflag:s17] =	ssyncset.done $0x0  }
0x6d: {  	[sflag:s17] =	ssyncadd.s32 $0xFFFFFF80  }
0x6e: {  	_ =	swait.ge [sflag:s17], $0x80  }
0x6f: {  	[sflag:s17] =	ssyncset.done $0x0  }
0x70: {  	[sflag:s17] =	ssyncadd.s32 $0xFFFFFF80  }
0x71: {  	_ =	swait.ge [sflag:s17], $0x80  }
0x72: {  	[sflag:s17] =	ssyncset.done $0x0  }
0x73: {  	[sflag:s17] =	ssyncadd.s32 $0xFFFFFF80  }
0x74: {  	_ =	swait.ge [sflag:s17], $0x80  }
0x75: {  	[sflag:s17] =	ssyncset.done $0x0  }
0x76: {  	s10 =	rddreg [dreg:$0x11];
	[sflag:s17] =	ssyncadd.s32 $0xFFFFFF80  }
0x77: {  	[spmem:s2] =	stream.indirect.scatter.add.f32 [tilespmem:s16], [sflag:$0x1], $0x1, s10, s15, $0xb8;
	[tilespmem:$0x4180] =	vst v63  }
0x78: {  	s12 =	rddreg [dreg:$0x12]  }
0x79: {  	[spmem:s3] =	stream.indirect.scatter.add.f32 [tilespmem:s16], [sflag:$0x1], $0x1, s12, s15, $0xb8;
	[tilespmem:$0x4180] =	vst v63  }
0x7a: {  	_ = 	snop  }
0x7b: {  	[spmem:s2] =	stream.indirect.scatter.add.f32 [tilespmem:s16], [sflag:$0x1], $0x1, s18, s15, $0xb8;
	[tilespmem:$0x4180] =	vst v63  }
0x7c: {  	_ = 	snop  }
0x7d: {  	[spmem:s3] =	stream.indirect.scatter.add.f32 [tilespmem:s16], [sflag:$0x1], $0x1, s19, s15, $0xb8;
	[tilespmem:$0x4180] =	vst v63  }
0x7e: {  	_ =	swait.ge [sflag:s17], $0x80  }
0x7f: {  	[sflag:s17] =	ssyncset.done $0x0  }
0x80: {  	[sflag:s17] =	ssyncadd.s32 $0xFFFFFF80  }
0x81: {  	_ =	swait.ge [sflag:s17], $0x80  }
0x82: {  	[sflag:s17] =	ssyncset.done $0x0  }
0x83: {  	[sflag:s17] =	ssyncadd.s32 $0xFFFFFF80  }
0x84: {  	_ =	swait.ge [sflag:s17], $0x80  }
0x85: {  	[sflag:s17] =	ssyncset.done $0x0  }
0x86: {  	[sflag:s17] =	ssyncadd.s32 $0xFFFFFF80  }
0x87: {  	_ =	swait.ge [sflag:s17], $0x80  }
0x88: {  	[sflag:s17] =	ssyncset.done $0x0  }
0x89: {  	[sflag:s17] =	ssyncadd.s32 $0xFFFFFF80  }
0x8a: {  	[spmem:s2] =	stream.indirect.scatter.add.f32 [tilespmem:s16], [sflag:$0x1], $0x1, s20, s15, $0xb8;
	[tilespmem:$0x4180] =	vst v63  }
0x8b: {  	_ = 	snop  }
0x8c: {  	[spmem:s3] =	stream.indirect.scatter.add.f32 [tilespmem:s16], [sflag:$0x1], $0x1, s21, s15, $0xb8;
	[tilespmem:$0x4180] =	vst v63  }
0x8d: {  	_ = 	snop  }
0x8e: {  	[spmem:s2] =	stream.indirect.scatter.add.f32 [tilespmem:s16], [sflag:$0x1], $0x1, s22, s15, $0xb8;
	[tilespmem:$0x4180] =	vst v63  }
0x8f: {  	_ = 	snop  }
0x90: {  	[spmem:s3] =	stream.indirect.scatter.add.f32 [tilespmem:s16], [sflag:$0x1], $0x1, s23, s15, $0xb8;
	[tilespmem:$0x4180] =	vst v63  }
0x91: {  	_ =	swait.ge [sflag:s17], $0x80  }
0x92: {  	[sflag:s17] =	ssyncset.done $0x0  }
0x93: {  	[sflag:s17] =	ssyncadd.s32 $0xFFFFFF80  }
0x94: {  	_ =	swait.ge [sflag:s17], $0x80  }
0x95: {  	[sflag:s17] =	ssyncset.done $0x0  }
0x96: {  	[sflag:s17] =	ssyncadd.s32 $0xFFFFFF80  }
0x97: {  	_ =	swait.ge [sflag:s17], $0x80  }
0x98: {  	[sflag:s17] =	ssyncset.done $0x0  }
0x99: {  	[sflag:s17] =	ssyncadd.s32 $0xFFFFFF80  }
0x9a: {  	_ =	swait.ge [sflag:s17], $0x80  }
0x9b: {  	[sflag:s17] =	ssyncset.done $0x0  }
0x9c: {  	[sflag:s17] =	ssyncadd.s32 $0xFFFFFF80  }
0x9d: {  	[spmem:s2] =	stream.indirect.scatter.add.f32 [tilespmem:s16], [sflag:$0x1], $0x1, s24, s15, $0xb8;
	[tilespmem:$0x4180] =	vst v63  }
0x9e: {  	_ = 	snop  }
0x9f: {  	[spmem:s3] =	stream.indirect.scatter.add.f32 [tilespmem:s16], [sflag:$0x1], $0x1, s25, s15, $0xb8;
	[tilespmem:$0x4180] =	vst v63  }
0xa0: {  	_ = 	snop  }
0xa1: {  	[spmem:s2] =	stream.indirect.scatter.add.f32 [tilespmem:s16], [sflag:$0x1], $0x1, s26, s15, $0xb8;
	[tilespmem:$0x4180] =	vst v63  }
0xa2: {  	_ = 	snop  }
0xa3: {  	[spmem:s3] =	stream.indirect.scatter.add.f32 [tilespmem:s16], [sflag:$0x1], $0x1, s28, s15, $0xb8;
	[tilespmem:$0x4180] =	vst v63  }
0xa4: {  	_ =	swait.ge [sflag:s17], $0x80  }
0xa5: {  	[sflag:s17] =	ssyncset.done $0x0  }
0xa6: {  	[sflag:s17] =	ssyncadd.s32 $0xFFFFFF80  }
0xa7: {  	_ =	swait.ge [sflag:s17], $0x80  }
0xa8: {  	[sflag:s17] =	ssyncset.done $0x0  }
0xa9: {  	[sflag:s17] =	ssyncadd.s32 $0xFFFFFF80  }
0xaa: {  	_ =	swait.ge [sflag:s17], $0x80  }
0xab: {  	[sflag:s17] =	ssyncset.done $0x0  }
0xac: {  	[sflag:s17] =	ssyncadd.s32 $0xFFFFFF80  }
0xad: {  	_ =	swait.ge [sflag:s17], $0x80  }
0xae: {  	[sflag:s17] =	ssyncset.done $0x0  }
0xaf: {  	[sflag:s17] =	ssyncadd.s32 $0xFFFFFF80  }
0xb0: {  	[spmem:s2] =	stream.indirect.scatter.add.f32 [tilespmem:s16], [sflag:$0x1], $0x1, s29, s15, $0xb8;
	[tilespmem:$0x4180] =	vst v63  }
0xb1: {  	_ = 	snop  }
0xb2: {  	[spmem:s3] =	stream.indirect.scatter.add.f32 [tilespmem:s16], [sflag:$0x1], $0x1, s30, s15, $0xb8;
	[tilespmem:$0x4180] =	vst v63  }
0xb3: {  	_ = 	snop  }
0xb4: {  	[spmem:s2] =	stream.indirect.scatter.add.f32 [tilespmem:s16], [sflag:$0x1], $0x1, s31, s15, $0xb8;
	[tilespmem:$0x4180] =	vst v63  }
0xb5: {  	_ = 	snop  }
0xb6: {  	[spmem:s3] =	stream.indirect.scatter.add.f32 [tilespmem:s16], [sflag:$0x1], $0x1, s1, s15, $0xb8;
	[tilespmem:$0x4180] =	vst v63  }
0xb7: {  	_ =	swait.ge [sflag:s17], $0x80  }
0xb8: {  	[sflag:s17] =	ssyncset.done $0x0  }
0xb9: {  	[sflag:s17] =	ssyncadd.s32 $0xFFFFFF80  }
0xba: {  	_ =	swait.ge [sflag:s17], $0x80  }
0xbb: {  	[sflag:s17] =	ssyncset.done $0x0  }
0xbc: {  	[sflag:s17] =	ssyncadd.s32 $0xFFFFFF80  }
0xbd: {  	_ =	swait.ge [sflag:s17], $0x80  }
0xbe: {  	[sflag:s17] =	ssyncset.done $0x0  }
0xbf: {  	[sflag:s17] =	ssyncadd.s32 $0xFFFFFF80  }
0xc0: {  	_ =	swait.ge [sflag:s17], $0x80  }
0xc1: {  	[sflag:s17] =	ssyncset.done $0x0  }
0xc2: {  	[sflag:s17] =	ssyncadd.s32 $0xFFFFFF80  }
0xc3: {  	[spmem:s2] =	stream.indirect.scatter.add.f32 [tilespmem:s16], [sflag:$0x1], $0x1, s0, s15, $0xb8;
	[tilespmem:$0x4180] =	vst v63  }
0xc4: {  	_ = 	snop  }
0xc5: {  	[spmem:s3] =	stream.indirect.scatter.add.f32 [tilespmem:s16], [sflag:$0x1], $0x1, s7, s15, $0xb8;
	[tilespmem:$0x4180] =	vst v63  }
0xc6: {  	_ = 	snop  }
0xc7: {  	[spmem:s2] =	stream.indirect.scatter.add.f32 [tilespmem:s16], [sflag:$0x1], $0x1, s8, s15, $0xb8;
	[tilespmem:$0x4180] =	vst v63  }
0xc8: {  	_ = 	snop  }
0xc9: {  	[spmem:s3] =	stream.indirect.scatter.add.f32 [tilespmem:s16], [sflag:$0x1], $0x1, s9, s15, $0xb8;
	[tilespmem:$0x4180] =	vst v63  }
0xca: {  	_ =	swait.ge [sflag:s17], $0x80  }
0xcb: {  	[sflag:s17] =	ssyncset.done $0x0  }
0xcc: {  	[sflag:s17] =	ssyncadd.s32 $0xFFFFFF80  }
0xcd: {  	_ =	swait.ge [sflag:s17], $0x80  }
0xce: {  	[sflag:s17] =	ssyncset.done $0x0  }
0xcf: {  	[sflag:s17] =	ssyncadd.s32 $0xFFFFFF80  }
0xd0: {  	_ =	swait.ge [sflag:s17], $0x80  }
0xd1: {  	[sflag:s17] =	ssyncset.done $0x0  }
0xd2: {  	[sflag:s17] =	ssyncadd.s32 $0xFFFFFF80  }
0xd3: {  	s10 =	simm.s32 $0x100;
	_ =	swait.ge [sflag:s17], $0x80  }
0xd4: {  	s12 =	simm.s32 $0x200;
	s6 =	rddreg [dreg:$0x6];
	[sflag:s17] =	ssyncset.done $0x0  }
.LBB2_2:
0xd5: {  	[sflag:s17] =	ssyncadd.s32 $0xFFFFFF80;
	s6 =	sadd.s32 s10, s6  }
0xd6: {  	[tilespmem:s13], [sflag:$0x2] =	stream.linear.gather [hbm4b:s6+s4], $0x800, $0x38;
	[tilespmem:$0x4180] =	vst v63  }
0xd7: {  	_ =	swait.ge [sflag:s11], $0x800  }
0xd8: {  	s6 =	rddreg [dreg:$0x5];
	[sflag:s11] =	ssyncset.done $0x0  }
0xd9: {  	[sflag:s11] =	ssyncadd.s32 $0xFFFFF800;
	s6 =	sadd.s32 s10, s6  }
0xda: {  	[tilespmem:s14], [sflag:$0x2] =	stream.linear.gather [hbm4b:s6+s4], $0x800, $0x38;
	[tilespmem:$0x4180] =	vst v63  }
0xdb: {  	_ =	swait.ge [sflag:s11], $0x800  }
0xdc: {  	[sflag:s11] =	ssyncset.done $0x0  }
0xdd: {  	[sflag:s11] =	ssyncadd.s32 $0xFFFFF800  }
0xde: {  	[spmem:s2] =	stream.indirect.scatter.add.f32 [tilespmem:s16], [sflag:$0x1], $0x1, s13, s15, $0xb8;
	[tilespmem:$0x4180] =	vst v63  }
0xdf: {  	s5 =	smov.u32 s12  }
0xe0: {  	[spmem:s3] =	stream.indirect.scatter.add.f32 [tilespmem:s16], [sflag:$0x1], $0x1, s14, s15, $0xb8;
	[tilespmem:$0x4180] =	vst v63  }
0xe1: {  	s10 =	smov.u32 s5;
	s5 =	rddreg [dreg:$0x7]  }
0xe2: {  	[spmem:s2] =	stream.indirect.scatter.add.f32 [tilespmem:s16], [sflag:$0x1], $0x1, s5, s15, $0xb8;
	[tilespmem:$0x4180] =	vst v63  }
0xe3: {  	s6 =	rddreg [dreg:$0x8]  }
0xe4: {  	[spmem:s3] =	stream.indirect.scatter.add.f32 [tilespmem:s16], [sflag:$0x1], $0x1, s6, s15, $0xb8;
	[tilespmem:$0x4180] =	vst v63  }
0xe5: {  	_ =	swait.ge [sflag:s17], $0x80  }
0xe6: {  	[sflag:s17] =	ssyncset.done $0x0  }
0xe7: {  	[sflag:s17] =	ssyncadd.s32 $0xFFFFFF80  }
0xe8: {  	_ =	swait.ge [sflag:s17], $0x80  }
0xe9: {  	[sflag:s17] =	ssyncset.done $0x0  }
0xea: {  	[sflag:s17] =	ssyncadd.s32 $0xFFFFFF80  }
0xeb: {  	_ =	swait.ge [sflag:s17], $0x80  }
0xec: {  	[sflag:s17] =	ssyncset.done $0x0  }
0xed: {  	[sflag:s17] =	ssyncadd.s32 $0xFFFFFF80  }
0xee: {  	_ =	swait.ge [sflag:s17], $0x80  }
0xef: {  	[sflag:s17] =	ssyncset.done $0x0  }
0xf0: {  	s5 =	rddreg [dreg:$0x9];
	[sflag:s17] =	ssyncadd.s32 $0xFFFFFF80  }
0xf1: {  	[spmem:s2] =	stream.indirect.scatter.add.f32 [tilespmem:s16], [sflag:$0x1], $0x1, s5, s15, $0xb8;
	[tilespmem:$0x4180] =	vst v63  }
0xf2: {  	s6 =	rddreg [dreg:$0xa]  }
0xf3: {  	[spmem:s3] =	stream.indirect.scatter.add.f32 [tilespmem:s16], [sflag:$0x1], $0x1, s6, s15, $0xb8;
	[tilespmem:$0x4180] =	vst v63  }
0xf4: {  	s5 =	rddreg [dreg:$0xb]  }
0xf5: {  	[spmem:s2] =	stream.indirect.scatter.add.f32 [tilespmem:s16], [sflag:$0x1], $0x1, s5, s15, $0xb8;
	[tilespmem:$0x4180] =	vst v63  }
0xf6: {  	s6 =	rddreg [dreg:$0xc]  }
0xf7: {  	[spmem:s3] =	stream.indirect.scatter.add.f32 [tilespmem:s16], [sflag:$0x1], $0x1, s6, s15, $0xb8;
	[tilespmem:$0x4180] =	vst v63  }
0xf8: {  	_ =	swait.ge [sflag:s17], $0x80  }
0xf9: {  	[sflag:s17] =	ssyncset.done $0x0  }
0xfa: {  	[sflag:s17] =	ssyncadd.s32 $0xFFFFFF80  }
0xfb: {  	_ =	swait.ge [sflag:s17], $0x80  }
0xfc: {  	[sflag:s17] =	ssyncset.done $0x0  }
0xfd: {  	[sflag:s17] =	ssyncadd.s32 $0xFFFFFF80  }
0xfe: {  	_ =	swait.ge [sflag:s17], $0x80  }
0xff: {  	[sflag:s17] =	ssyncset.done $0x0  }
0x100: {  	[sflag:s17] =	ssyncadd.s32 $0xFFFFFF80  }
0x101: {  	_ =	swait.ge [sflag:s17], $0x80  }
0x102: {  	[sflag:s17] =	ssyncset.done $0x0  }
0x103: {  	s5 =	rddreg [dreg:$0xd];
	[sflag:s17] =	ssyncadd.s32 $0xFFFFFF80  }
0x104: {  	[spmem:s2] =	stream.indirect.scatter.add.f32 [tilespmem:s16], [sflag:$0x1], $0x1, s5, s15, $0xb8;
	[tilespmem:$0x4180] =	vst v63  }
0x105: {  	s6 =	rddreg [dreg:$0xe]  }
0x106: {  	[spmem:s3] =	stream.indirect.scatter.add.f32 [tilespmem:s16], [sflag:$0x1], $0x1, s6, s15, $0xb8;
	[tilespmem:$0x4180] =	vst v63  }
0x107: {  	s5 =	rddreg [dreg:$0xf]  }
0x108: {  	[spmem:s2] =	stream.indirect.scatter.add.f32 [tilespmem:s16], [sflag:$0x1], $0x1, s5, s15, $0xb8;
	[tilespmem:$0x4180] =	vst v63  }
0x109: {  	s6 =	rddreg [dreg:$0x10]  }
0x10a: {  	[spmem:s3] =	stream.indirect.scatter.add.f32 [tilespmem:s16], [sflag:$0x1], $0x1, s6, s15, $0xb8;
	[tilespmem:$0x4180] =	vst v63  }
0x10b: {  	_ =	swait.ge [sflag:s17], $0x80  }
0x10c: {  	[sflag:s17] =	ssyncset.done $0x0  }
0x10d: {  	[sflag:s17] =	ssyncadd.s32 $0xFFFFFF80  }
0x10e: {  	_ =	swait.ge [sflag:s17], $0x80  }
0x10f: {  	[sflag:s17] =	ssyncset.done $0x0  }
0x110: {  	[sflag:s17] =	ssyncadd.s32 $0xFFFFFF80  }
0x111: {  	_ =	swait.ge [sflag:s17], $0x80  }
0x112: {  	[sflag:s17] =	ssyncset.done $0x0  }
0x113: {  	[sflag:s17] =	ssyncadd.s32 $0xFFFFFF80  }
0x114: {  	_ =	swait.ge [sflag:s17], $0x80  }
0x115: {  	[sflag:s17] =	ssyncset.done $0x0  }
0x116: {  	s5 =	rddreg [dreg:$0x11];
	[sflag:s17] =	ssyncadd.s32 $0xFFFFFF80  }
0x117: {  	[spmem:s2] =	stream.indirect.scatter.add.f32 [tilespmem:s16], [sflag:$0x1], $0x1, s5, s15, $0xb8;
	[tilespmem:$0x4180] =	vst v63  }
0x118: {  	s6 =	rddreg [dreg:$0x12]  }
0x119: {  	[spmem:s3] =	stream.indirect.scatter.add.f32 [tilespmem:s16], [sflag:$0x1], $0x1, s6, s15, $0xb8;
	[tilespmem:$0x4180] =	vst v63  }
0x11a: {  	_ = 	snop  }
0x11b: {  	[spmem:s2] =	stream.indirect.scatter.add.f32 [tilespmem:s16], [sflag:$0x1], $0x1, s18, s15, $0xb8;
	[tilespmem:$0x4180] =	vst v63  }
0x11c: {  	_ = 	snop  }
0x11d: {  	[spmem:s3] =	stream.indirect.scatter.add.f32 [tilespmem:s16], [sflag:$0x1], $0x1, s19, s15, $0xb8;
	[tilespmem:$0x4180] =	vst v63  }
0x11e: {  	_ =	swait.ge [sflag:s17], $0x80  }
0x11f: {  	[sflag:s17] =	ssyncset.done $0x0  }
0x120: {  	[sflag:s17] =	ssyncadd.s32 $0xFFFFFF80  }
0x121: {  	_ =	swait.ge [sflag:s17], $0x80  }
0x122: {  	[sflag:s17] =	ssyncset.done $0x0  }
0x123: {  	[sflag:s17] =	ssyncadd.s32 $0xFFFFFF80  }
0x124: {  	_ =	swait.ge [sflag:s17], $0x80  }
0x125: {  	[sflag:s17] =	ssyncset.done $0x0  }
0x126: {  	[sflag:s17] =	ssyncadd.s32 $0xFFFFFF80  }
0x127: {  	_ =	swait.ge [sflag:s17], $0x80  }
0x128: {  	[sflag:s17] =	ssyncset.done $0x0  }
0x129: {  	[sflag:s17] =	ssyncadd.s32 $0xFFFFFF80  }
0x12a: {  	[spmem:s2] =	stream.indirect.scatter.add.f32 [tilespmem:s16], [sflag:$0x1], $0x1, s20, s15, $0xb8;
	[tilespmem:$0x4180] =	vst v63  }
0x12b: {  	_ = 	snop  }
0x12c: {  	[spmem:s3] =	stream.indirect.scatter.add.f32 [tilespmem:s16], [sflag:$0x1], $0x1, s21, s15, $0xb8;
	[tilespmem:$0x4180] =	vst v63  }
0x12d: {  	_ = 	snop  }
0x12e: {  	[spmem:s2] =	stream.indirect.scatter.add.f32 [tilespmem:s16], [sflag:$0x1], $0x1, s22, s15, $0xb8;
	[tilespmem:$0x4180] =	vst v63  }
0x12f: {  	_ = 	snop  }
0x130: {  	[spmem:s3] =	stream.indirect.scatter.add.f32 [tilespmem:s16], [sflag:$0x1], $0x1, s23, s15, $0xb8;
	[tilespmem:$0x4180] =	vst v63  }
0x131: {  	_ =	swait.ge [sflag:s17], $0x80  }
0x132: {  	[sflag:s17] =	ssyncset.done $0x0  }
0x133: {  	[sflag:s17] =	ssyncadd.s32 $0xFFFFFF80  }
0x134: {  	_ =	swait.ge [sflag:s17], $0x80  }
0x135: {  	[sflag:s17] =	ssyncset.done $0x0  }
0x136: {  	[sflag:s17] =	ssyncadd.s32 $0xFFFFFF80  }
0x137: {  	_ =	swait.ge [sflag:s17], $0x80  }
0x138: {  	[sflag:s17] =	ssyncset.done $0x0  }
0x139: {  	[sflag:s17] =	ssyncadd.s32 $0xFFFFFF80  }
0x13a: {  	_ =	swait.ge [sflag:s17], $0x80  }
0x13b: {  	[sflag:s17] =	ssyncset.done $0x0  }
0x13c: {  	[sflag:s17] =	ssyncadd.s32 $0xFFFFFF80  }
0x13d: {  	[spmem:s2] =	stream.indirect.scatter.add.f32 [tilespmem:s16], [sflag:$0x1], $0x1, s24, s15, $0xb8;
	[tilespmem:$0x4180] =	vst v63  }
0x13e: {  	_ = 	snop  }
0x13f: {  	[spmem:s3] =	stream.indirect.scatter.add.f32 [tilespmem:s16], [sflag:$0x1], $0x1, s25, s15, $0xb8;
	[tilespmem:$0x4180] =	vst v63  }
0x140: {  	_ = 	snop  }
0x141: {  	[spmem:s2] =	stream.indirect.scatter.add.f32 [tilespmem:s16], [sflag:$0x1], $0x1, s26, s15, $0xb8;
	[tilespmem:$0x4180] =	vst v63  }
0x142: {  	_ = 	snop  }
0x143: {  	[spmem:s3] =	stream.indirect.scatter.add.f32 [tilespmem:s16], [sflag:$0x1], $0x1, s28, s15, $0xb8;
	[tilespmem:$0x4180] =	vst v63  }
0x144: {  	_ =	swait.ge [sflag:s17], $0x80  }
0x145: {  	[sflag:s17] =	ssyncset.done $0x0  }
0x146: {  	[sflag:s17] =	ssyncadd.s32 $0xFFFFFF80  }
0x147: {  	_ =	swait.ge [sflag:s17], $0x80  }
0x148: {  	[sflag:s17] =	ssyncset.done $0x0  }
0x149: {  	[sflag:s17] =	ssyncadd.s32 $0xFFFFFF80  }
0x14a: {  	_ =	swait.ge [sflag:s17], $0x80  }
0x14b: {  	[sflag:s17] =	ssyncset.done $0x0  }
0x14c: {  	[sflag:s17] =	ssyncadd.s32 $0xFFFFFF80  }
0x14d: {  	_ =	swait.ge [sflag:s17], $0x80  }
0x14e: {  	[sflag:s17] =	ssyncset.done $0x0  }
0x14f: {  	[sflag:s17] =	ssyncadd.s32 $0xFFFFFF80  }
0x150: {  	[spmem:s2] =	stream.indirect.scatter.add.f32 [tilespmem:s16], [sflag:$0x1], $0x1, s29, s15, $0xb8;
	[tilespmem:$0x4180] =	vst v63  }
0x151: {  	_ = 	snop  }
0x152: {  	[spmem:s3] =	stream.indirect.scatter.add.f32 [tilespmem:s16], [sflag:$0x1], $0x1, s30, s15, $0xb8;
	[tilespmem:$0x4180] =	vst v63  }
0x153: {  	_ = 	snop  }
0x154: {  	[spmem:s2] =	stream.indirect.scatter.add.f32 [tilespmem:s16], [sflag:$0x1], $0x1, s31, s15, $0xb8;
	[tilespmem:$0x4180] =	vst v63  }
0x155: {  	_ = 	snop  }
0x156: {  	[spmem:s3] =	stream.indirect.scatter.add.f32 [tilespmem:s16], [sflag:$0x1], $0x1, s1, s15, $0xb8;
	[tilespmem:$0x4180] =	vst v63  }
0x157: {  	_ =	swait.ge [sflag:s17], $0x80  }
0x158: {  	[sflag:s17] =	ssyncset.done $0x0  }
0x159: {  	[sflag:s17] =	ssyncadd.s32 $0xFFFFFF80  }
0x15a: {  	_ =	swait.ge [sflag:s17], $0x80  }
0x15b: {  	[sflag:s17] =	ssyncset.done $0x0  }
0x15c: {  	[sflag:s17] =	ssyncadd.s32 $0xFFFFFF80  }
0x15d: {  	_ =	swait.ge [sflag:s17], $0x80  }
0x15e: {  	[sflag:s17] =	ssyncset.done $0x0  }
0x15f: {  	[sflag:s17] =	ssyncadd.s32 $0xFFFFFF80  }
0x160: {  	_ =	swait.ge [sflag:s17], $0x80  }
0x161: {  	[sflag:s17] =	ssyncset.done $0x0  }
0x162: {  	[sflag:s17] =	ssyncadd.s32 $0xFFFFFF80  }
0x163: {  	[spmem:s2] =	stream.indirect.scatter.add.f32 [tilespmem:s16], [sflag:$0x1], $0x1, s0, s15, $0xb8;
	[tilespmem:$0x4180] =	vst v63  }
0x164: {  	_ = 	snop  }
0x165: {  	[spmem:s3] =	stream.indirect.scatter.add.f32 [tilespmem:s16], [sflag:$0x1], $0x1, s7, s15, $0xb8;
	[tilespmem:$0x4180] =	vst v63  }
0x166: {  	_ = 	snop  }
0x167: {  	[spmem:s2] =	stream.indirect.scatter.add.f32 [tilespmem:s16], [sflag:$0x1], $0x1, s8, s15, $0xb8;
	[tilespmem:$0x4180] =	vst v63  }
0x168: {  	_ = 	snop  }
0x169: {  	[spmem:s3] =	stream.indirect.scatter.add.f32 [tilespmem:s16], [sflag:$0x1], $0x1, s9, s15, $0xb8;
	[tilespmem:$0x4180] =	vst v63  }
0x16a: {  	_ =	swait.ge [sflag:s17], $0x80  }
0x16b: {  	[sflag:s17] =	ssyncset.done $0x0  }
0x16c: {  	[sflag:s17] =	ssyncadd.s32 $0xFFFFFF80  }
0x16d: {  	_ =	swait.ge [sflag:s17], $0x80  }
0x16e: {  	[sflag:s17] =	ssyncset.done $0x0  }
0x16f: {  	p0 =	sne.s32 s12, $0x3000;
	[sflag:s17] =	ssyncadd.s32 $0xFFFFFF80  }
.Ltmp0:
0x170: {  	_ =	swait.ge [sflag:s17], $0x80;
	(pc) =	sbr.rel @p0 .LBB2_2-.Ltmp0, $4  }
0x171: {  	[sflag:s17] =	ssyncset.done $0x0  }
0x172: {  	[sflag:s17] =	ssyncadd.s32 $0xFFFFFF80  }
0x173: {  	_ =	swait.ge [sflag:s17], $0x80  }
0x174: {  	s12 =	sadd.s32 $0x100, s12;
	s6 =	rddreg [dreg:$0x6];
	[sflag:s17] =	ssyncset.done $0x0  }
0x175: {  	[sflag:s17] =	ssyncadd.s32 $0xFFFFFF80;
	s5 =	sadd.s32 s10, s6  }
0x176: {  	[tilespmem:s13], [sflag:$0x2] =	stream.linear.gather [hbm4b:s5+s4], $0x800, $0x38;
	[tilespmem:$0x4180] =	vst v63  }
0x177: {  	_ =	swait.ge [sflag:s11], $0x800  }
0x178: {  	s6 =	rddreg [dreg:$0x5];
	[sflag:s11] =	ssyncset.done $0x0  }
0x179: {  	[sflag:s11] =	ssyncadd.s32 $0xFFFFF800;
	s5 =	sadd.s32 s10, s6  }
0x17a: {  	[tilespmem:s14], [sflag:$0x2] =	stream.linear.gather [hbm4b:s5+s4], $0x800, $0x38;
	[tilespmem:$0x4180] =	vst v63  }
0x17b: {  	_ =	swait.ge [sflag:s11], $0x800  }
0x17c: {  	[sflag:s11] =	ssyncset.done $0x0  }
0x17d: {  	[sflag:s11] =	ssyncadd.s32 $0xFFFFF800  }
0x17e: {  	[spmem:s2] =	stream.indirect.scatter.add.f32 [tilespmem:s16], [sflag:$0x1], $0x1, s13, s15, $0xb8;
	[tilespmem:$0x4180] =	vst v63  }
0x17f: {  	_ = 	snop  }
0x180: {  	[spmem:s3] =	stream.indirect.scatter.add.f32 [tilespmem:s16], [sflag:$0x1], $0x1, s14, s15, $0xb8;
	[tilespmem:$0x4180] =	vst v63  }
0x181: {  	s10 =	rddreg [dreg:$0x7]  }
0x182: {  	[spmem:s2] =	stream.indirect.scatter.add.f32 [tilespmem:s16], [sflag:$0x1], $0x1, s10, s15, $0xb8;
	[tilespmem:$0x4180] =	vst v63  }
0x183: {  	s12 =	rddreg [dreg:$0x8]  }
0x184: {  	[spmem:s3] =	stream.indirect.scatter.add.f32 [tilespmem:s16], [sflag:$0x1], $0x1, s12, s15, $0xb8;
	[tilespmem:$0x4180] =	vst v63  }
0x185: {  	_ =	swait.ge [sflag:s17], $0x80  }
0x186: {  	[sflag:s17] =	ssyncset.done $0x0  }
0x187: {  	[sflag:s17] =	ssyncadd.s32 $0xFFFFFF80  }
0x188: {  	_ =	swait.ge [sflag:s17], $0x80  }
0x189: {  	[sflag:s17] =	ssyncset.done $0x0  }
0x18a: {  	[sflag:s17] =	ssyncadd.s32 $0xFFFFFF80  }
0x18b: {  	_ =	swait.ge [sflag:s17], $0x80  }
0x18c: {  	[sflag:s17] =	ssyncset.done $0x0  }
0x18d: {  	[sflag:s17] =	ssyncadd.s32 $0xFFFFFF80  }
0x18e: {  	_ =	swait.ge [sflag:s17], $0x80  }
0x18f: {  	[sflag:s17] =	ssyncset.done $0x0  }
0x190: {  	s10 =	rddreg [dreg:$0x9];
	[sflag:s17] =	ssyncadd.s32 $0xFFFFFF80  }
0x191: {  	[spmem:s2] =	stream.indirect.scatter.add.f32 [tilespmem:s16], [sflag:$0x1], $0x1, s10, s15, $0xb8;
	[tilespmem:$0x4180] =	vst v63  }
0x192: {  	s12 =	rddreg [dreg:$0xa]  }
0x193: {  	[spmem:s3] =	stream.indirect.scatter.add.f32 [tilespmem:s16], [sflag:$0x1], $0x1, s12, s15, $0xb8;
	[tilespmem:$0x4180] =	vst v63  }
0x194: {  	s10 =	rddreg [dreg:$0xb]  }
0x195: {  	[spmem:s2] =	stream.indirect.scatter.add.f32 [tilespmem:s16], [sflag:$0x1], $0x1, s10, s15, $0xb8;
	[tilespmem:$0x4180] =	vst v63  }
0x196: {  	s12 =	rddreg [dreg:$0xc]  }
0x197: {  	[spmem:s3] =	stream.indirect.scatter.add.f32 [tilespmem:s16], [sflag:$0x1], $0x1, s12, s15, $0xb8;
	[tilespmem:$0x4180] =	vst v63  }
0x198: {  	_ =	swait.ge [sflag:s17], $0x80  }
0x199: {  	[sflag:s17] =	ssyncset.done $0x0  }
0x19a: {  	[sflag:s17] =	ssyncadd.s32 $0xFFFFFF80  }
0x19b: {  	_ =	swait.ge [sflag:s17], $0x80  }
0x19c: {  	[sflag:s17] =	ssyncset.done $0x0  }
0x19d: {  	[sflag:s17] =	ssyncadd.s32 $0xFFFFFF80  }
0x19e: {  	_ =	swait.ge [sflag:s17], $0x80  }
0x19f: {  	[sflag:s17] =	ssyncset.done $0x0  }
0x1a0: {  	[sflag:s17] =	ssyncadd.s32 $0xFFFFFF80  }
0x1a1: {  	_ =	swait.ge [sflag:s17], $0x80  }
0x1a2: {  	[sflag:s17] =	ssyncset.done $0x0  }
0x1a3: {  	s10 =	rddreg [dreg:$0xd];
	[sflag:s17] =	ssyncadd.s32 $0xFFFFFF80  }
0x1a4: {  	[spmem:s2] =	stream.indirect.scatter.add.f32 [tilespmem:s16], [sflag:$0x1], $0x1, s10, s15, $0xb8;
	[tilespmem:$0x4180] =	vst v63  }
0x1a5: {  	s12 =	rddreg [dreg:$0xe]  }
0x1a6: {  	[spmem:s3] =	stream.indirect.scatter.add.f32 [tilespmem:s16], [sflag:$0x1], $0x1, s12, s15, $0xb8;
	[tilespmem:$0x4180] =	vst v63  }
0x1a7: {  	s10 =	rddreg [dreg:$0xf]  }
0x1a8: {  	[spmem:s2] =	stream.indirect.scatter.add.f32 [tilespmem:s16], [sflag:$0x1], $0x1, s10, s15, $0xb8;
	[tilespmem:$0x4180] =	vst v63  }
0x1a9: {  	s12 =	rddreg [dreg:$0x10]  }
0x1aa: {  	[spmem:s3] =	stream.indirect.scatter.add.f32 [tilespmem:s16], [sflag:$0x1], $0x1, s12, s15, $0xb8;
	[tilespmem:$0x4180] =	vst v63  }
0x1ab: {  	_ =	swait.ge [sflag:s17], $0x80  }
0x1ac: {  	[sflag:s17] =	ssyncset.done $0x0  }
0x1ad: {  	[sflag:s17] =	ssyncadd.s32 $0xFFFFFF80  }
0x1ae: {  	_ =	swait.ge [sflag:s17], $0x80  }
0x1af: {  	[sflag:s17] =	ssyncset.done $0x0  }
0x1b0: {  	[sflag:s17] =	ssyncadd.s32 $0xFFFFFF80  }
0x1b1: {  	_ =	swait.ge [sflag:s17], $0x80  }
0x1b2: {  	[sflag:s17] =	ssyncset.done $0x0  }
0x1b3: {  	[sflag:s17] =	ssyncadd.s32 $0xFFFFFF80  }
0x1b4: {  	_ =	swait.ge [sflag:s17], $0x80  }
0x1b5: {  	[sflag:s17] =	ssyncset.done $0x0  }
0x1b6: {  	s10 =	rddreg [dreg:$0x11];
	[sflag:s17] =	ssyncadd.s32 $0xFFFFFF80  }
0x1b7: {  	[spmem:s2] =	stream.indirect.scatter.add.f32 [tilespmem:s16], [sflag:$0x1], $0x1, s10, s15, $0xb8;
	[tilespmem:$0x4180] =	vst v63  }
0x1b8: {  	s12 =	rddreg [dreg:$0x12]  }
0x1b9: {  	[spmem:s3] =	stream.indirect.scatter.add.f32 [tilespmem:s16], [sflag:$0x1], $0x1, s12, s15, $0xb8;
	[tilespmem:$0x4180] =	vst v63  }
0x1ba: {  	_ = 	snop  }
0x1bb: {  	[spmem:s2] =	stream.indirect.scatter.add.f32 [tilespmem:s16], [sflag:$0x1], $0x1, s18, s15, $0xb8;
	[tilespmem:$0x4180] =	vst v63  }
0x1bc: {  	_ = 	snop  }
0x1bd: {  	[spmem:s3] =	stream.indirect.scatter.add.f32 [tilespmem:s16], [sflag:$0x1], $0x1, s19, s15, $0xb8;
	[tilespmem:$0x4180] =	vst v63  }
0x1be: {  	_ =	swait.ge [sflag:s17], $0x80  }
0x1bf: {  	[sflag:s17] =	ssyncset.done $0x0  }
0x1c0: {  	[sflag:s17] =	ssyncadd.s32 $0xFFFFFF80  }
0x1c1: {  	_ =	swait.ge [sflag:s17], $0x80  }
0x1c2: {  	[sflag:s17] =	ssyncset.done $0x0  }
0x1c3: {  	[sflag:s17] =	ssyncadd.s32 $0xFFFFFF80  }
0x1c4: {  	_ =	swait.ge [sflag:s17], $0x80  }
0x1c5: {  	[sflag:s17] =	ssyncset.done $0x0  }
0x1c6: {  	[sflag:s17] =	ssyncadd.s32 $0xFFFFFF80  }
0x1c7: {  	_ =	swait.ge [sflag:s17], $0x80  }
0x1c8: {  	[sflag:s17] =	ssyncset.done $0x0  }
0x1c9: {  	[sflag:s17] =	ssyncadd.s32 $0xFFFFFF80  }
0x1ca: {  	[spmem:s2] =	stream.indirect.scatter.add.f32 [tilespmem:s16], [sflag:$0x1], $0x1, s20, s15, $0xb8;
	[tilespmem:$0x4180] =	vst v63  }
0x1cb: {  	_ = 	snop  }
0x1cc: {  	[spmem:s3] =	stream.indirect.scatter.add.f32 [tilespmem:s16], [sflag:$0x1], $0x1, s21, s15, $0xb8;
	[tilespmem:$0x4180] =	vst v63  }
0x1cd: {  	_ = 	snop  }
0x1ce: {  	[spmem:s2] =	stream.indirect.scatter.add.f32 [tilespmem:s16], [sflag:$0x1], $0x1, s22, s15, $0xb8;
	[tilespmem:$0x4180] =	vst v63  }
0x1cf: {  	_ = 	snop  }
0x1d0: {  	[spmem:s3] =	stream.indirect.scatter.add.f32 [tilespmem:s16], [sflag:$0x1], $0x1, s23, s15, $0xb8;
	[tilespmem:$0x4180] =	vst v63  }
0x1d1: {  	_ =	swait.ge [sflag:s17], $0x80  }
0x1d2: {  	[sflag:s17] =	ssyncset.done $0x0  }
0x1d3: {  	[sflag:s17] =	ssyncadd.s32 $0xFFFFFF80  }
0x1d4: {  	_ =	swait.ge [sflag:s17], $0x80  }
0x1d5: {  	[sflag:s17] =	ssyncset.done $0x0  }
0x1d6: {  	[sflag:s17] =	ssyncadd.s32 $0xFFFFFF80  }
0x1d7: {  	_ =	swait.ge [sflag:s17], $0x80  }
0x1d8: {  	[sflag:s17] =	ssyncset.done $0x0  }
0x1d9: {  	[sflag:s17] =	ssyncadd.s32 $0xFFFFFF80  }
0x1da: {  	_ =	swait.ge [sflag:s17], $0x80  }
0x1db: {  	[sflag:s17] =	ssyncset.done $0x0  }
0x1dc: {  	[sflag:s17] =	ssyncadd.s32 $0xFFFFFF80  }
0x1dd: {  	[spmem:s2] =	stream.indirect.scatter.add.f32 [tilespmem:s16], [sflag:$0x1], $0x1, s24, s15, $0xb8;
	[tilespmem:$0x4180] =	vst v63  }
0x1de: {  	_ = 	snop  }
0x1df: {  	[spmem:s3] =	stream.indirect.scatter.add.f32 [tilespmem:s16], [sflag:$0x1], $0x1, s25, s15, $0xb8;
	[tilespmem:$0x4180] =	vst v63  }
0x1e0: {  	_ = 	snop  }
0x1e1: {  	[spmem:s2] =	stream.indirect.scatter.add.f32 [tilespmem:s16], [sflag:$0x1], $0x1, s26, s15, $0xb8;
	[tilespmem:$0x4180] =	vst v63  }
0x1e2: {  	_ = 	snop  }
0x1e3: {  	[spmem:s3] =	stream.indirect.scatter.add.f32 [tilespmem:s16], [sflag:$0x1], $0x1, s28, s15, $0xb8;
	[tilespmem:$0x4180] =	vst v63  }
0x1e4: {  	_ =	swait.ge [sflag:s17], $0x80  }
0x1e5: {  	[sflag:s17] =	ssyncset.done $0x0  }
0x1e6: {  	[sflag:s17] =	ssyncadd.s32 $0xFFFFFF80  }
0x1e7: {  	_ =	swait.ge [sflag:s17], $0x80  }
0x1e8: {  	[sflag:s17] =	ssyncset.done $0x0  }
0x1e9: {  	[sflag:s17] =	ssyncadd.s32 $0xFFFFFF80  }
0x1ea: {  	_ =	swait.ge [sflag:s17], $0x80  }
0x1eb: {  	[sflag:s17] =	ssyncset.done $0x0  }
0x1ec: {  	[sflag:s17] =	ssyncadd.s32 $0xFFFFFF80  }
0x1ed: {  	_ =	swait.ge [sflag:s17], $0x80  }
0x1ee: {  	[sflag:s17] =	ssyncset.done $0x0  }
0x1ef: {  	[sflag:s17] =	ssyncadd.s32 $0xFFFFFF80  }
0x1f0: {  	[spmem:s2] =	stream.indirect.scatter.add.f32 [tilespmem:s16], [sflag:$0x1], $0x1, s29, s15, $0xb8;
	[tilespmem:$0x4180] =	vst v63  }
0x1f1: {  	_ = 	snop  }
0x1f2: {  	[spmem:s3] =	stream.indirect.scatter.add.f32 [tilespmem:s16], [sflag:$0x1], $0x1, s30, s15, $0xb8;
	[tilespmem:$0x4180] =	vst v63  }
0x1f3: {  	_ = 	snop  }
0x1f4: {  	[spmem:s2] =	stream.indirect.scatter.add.f32 [tilespmem:s16], [sflag:$0x1], $0x1, s31, s15, $0xb8;
	[tilespmem:$0x4180] =	vst v63  }
0x1f5: {  	_ = 	snop  }
0x1f6: {  	[spmem:s3] =	stream.indirect.scatter.add.f32 [tilespmem:s16], [sflag:$0x1], $0x1, s1, s15, $0xb8;
	[tilespmem:$0x4180] =	vst v63  }
0x1f7: {  	_ =	swait.ge [sflag:s17], $0x80  }
0x1f8: {  	[sflag:s17] =	ssyncset.done $0x0  }
0x1f9: {  	[sflag:s17] =	ssyncadd.s32 $0xFFFFFF80  }
0x1fa: {  	_ =	swait.ge [sflag:s17], $0x80  }
0x1fb: {  	[sflag:s17] =	ssyncset.done $0x0  }
0x1fc: {  	[sflag:s17] =	ssyncadd.s32 $0xFFFFFF80  }
0x1fd: {  	_ =	swait.ge [sflag:s17], $0x80  }
0x1fe: {  	[sflag:s17] =	ssyncset.done $0x0  }
0x1ff: {  	[sflag:s17] =	ssyncadd.s32 $0xFFFFFF80  }
0x200: {  	_ =	swait.ge [sflag:s17], $0x80  }
0x201: {  	[sflag:s17] =	ssyncset.done $0x0  }
0x202: {  	[sflag:s17] =	ssyncadd.s32 $0xFFFFFF80  }
0x203: {  	[spmem:s2] =	stream.indirect.scatter.add.f32 [tilespmem:s16], [sflag:$0x1], $0x1, s0, s15, $0xb8;
	[tilespmem:$0x4180] =	vst v63  }
0x204: {  	_ = 	snop  }
0x205: {  	[spmem:s3] =	stream.indirect.scatter.add.f32 [tilespmem:s16], [sflag:$0x1], $0x1, s7, s15, $0xb8;
	[tilespmem:$0x4180] =	vst v63  }
0x206: {  	_ = 	snop  }
0x207: {  	[spmem:s2] =	stream.indirect.scatter.add.f32 [tilespmem:s16], [sflag:$0x1], $0x1, s8, s15, $0xb8;
	[tilespmem:$0x4180] =	vst v63  }
0x208: {  	_ = 	snop  }
0x209: {  	[spmem:s3] =	stream.indirect.scatter.add.f32 [tilespmem:s16], [sflag:$0x1], $0x1, s9, s15, $0xb8;
	[tilespmem:$0x4180] =	vst v63  }
0x20a: {  	_ =	swait.ge [sflag:s17], $0x80  }
0x20b: {  	[sflag:s17] =	ssyncset.done $0x0  }
0x20c: {  	[sflag:s17] =	ssyncadd.s32 $0xFFFFFF80  }
0x20d: {  	_ =	swait.ge [sflag:s17], $0x80  }
0x20e: {  	[sflag:s17] =	ssyncset.done $0x0  }
0x20f: {  	[sflag:s17] =	ssyncadd.s32 $0xFFFFFF80  }
0x210: {  	_ =	swait.ge [sflag:s17], $0x80  }
0x211: {  	[sflag:s17] =	ssyncset.done $0x0  }
0x212: {  	[sflag:s17] =	ssyncadd.s32 $0xFFFFFF80  }
0x213: {  	_ =	swait.ge [sflag:s17], $0x80  }
0x214: {  	[sflag:s17] =	ssyncset.done $0x0  }
0x215: {  	[sflag:s17] =	ssyncadd.s32 $0xFFFFFF80  }
0x216: {  	[bflag:$0x0] =	sbarrier.arrive $0xFFFF  }
0x217: {  	s10 =	rddreg [dreg:$0x14]  }
0x218: {  	s5 =	rddreg [dreg:$0x15]  }
0x219: {  	s6 =	simm.s32 $0x20;
	s12 =	simm.s32 $0x10;
	s18 =	rddreg [dreg:$0x18]  }
0x21a: {  	[hbm:s5@s6], [sflag:s10] =	dma.strided [spmem:s18@s12], $0x310, s17, $0x10   }
0x21b: {  	_ =	swait.ge [sflag:s11], $0x310  }
0x21c: {  	s18 =	simm.s32 $0x10;
	[sflag:s11] =	ssyncset.done $0x0;
	s5 =	rddreg [dreg:$0x16]  }
0x21d: {  	s12 =	simm.s32 $0x20;
	s6 =	rddreg [dreg:$0x19];
	[sflag:s11] =	ssyncadd.s32 $0xFFFFFCF0  }
0x21e: {  	[hbm:s5@s12], [sflag:s10] =	dma.strided [spmem:s6@s18], $0x310, s17, $0x10   }
0x21f: {  	_ =	swait.ge [sflag:s11], $0x310  }
0x220: {  	s5 =	rddreg [dreg:$0x1a]  }
0x221: {  	s12 =	sadd.s32 $0x1, s5;
	s5 =	rddreg [dreg:$0x17]  }
0x222: {  	p0 =	sne.s32 s12, s5  }
.Ltmp1:
0x223: {  	_ = 	snop;
	(pc) =	sbr.rel @p0 .LBB2_1-.Ltmp1, $3  }
0x224: {  	_ =	sdelay $0x1  }
0x225: {  	[sflag:s11] =	ssyncset.done $0x0;
	[dreg:$0x1a] =	wrdreg s12  }
0x226: {  	s18 =	simm.s32 $0x3480;
	[sflag:s11] =	ssyncadd.s32 $0xFFFFFCF0;
	s12 =	rddreg [dreg:$0x18]  }
0x227: {  	_ =	sfence.sel $0x180000  }
0x228: {  	[bflag:$0x0] =	sbarrier.arrive $0xFFFF  }
0x229: {  	_ =	strace $0x90000047  }
0x22a: {  	s0 =	stileid.u32;
	[bflag:$0x2] =	sbarrier.arrive $0xFFFF  }
0x22b: {  	p0 =	sne.s32 s0, $0x0;
	s0 =	rddreg [dreg:$0x4]  }
0x22c: {  	s0 =	sadd.s32 @!p0 $0x100000, s0  }
0x22d: {  	[sflag:s0] =	ssyncadd.tile.s32 @!p0 $0x1;
	_ =	shalt  }
.Lfunc_end2:
_tile_overlayer_lowered:
.L_overlay_start_2:
0x22e: {  	(tag) =	ssettag $0x2  }
0x22f: {  	s0 =	rddreg [dreg:$0x0];
	s2 =	stileid.u32  }
0x230: {  	s1 =	rddreg [dreg:$0x1];
	p0 =	sne.s32 s2, $0x0  }
0x231: {  	s3 =	rddreg [dreg:$0x2];
	[bflag:$0x3] =	sbarrier.arrive $0xFFFF;
	s2 =	simm.s32 @!p0 $0x1C02  }
0x232: {  	[timem:s3], [sflag:s2] =	dma.local @!p0 [hbm:s0], s1  }
0x233: {  	s0 =	simm.s32 @!p0 $0x2  }
0x234: {  	_ =	swait.ge @!p0 [sflag:s0], s1  }
0x235: {  	s1 =	ssub.s32 @!p0 $0x0, s1;
	[sflag:s0] =	ssyncset.done @!p0 $0x0  }
0x236: {  	[sflag:s0] =	ssyncadd.s32 @!p0 s1  }
0x237: {  	[bflag:$0x3] =	sbarrier.arrive $0xFFFF  }
0x238: {  	_ =	shalt  }

// kernel: kernel.9.cloned.1.call-start
scs
__scs_entry_jumppad:
0x0: {  	(pc) =	sbr.rel $0x88, $3  }
0x1: {  	(tag) =	ssettag $0x0;
	lr =	simm.s32 $0x1  }
0x2: {  	[smem:$0x3F9B] =	sst lr;
	_ =	strace $0xD0000000  }
0x3: {  	_ = 	snop  }
0x4: {  	_ = 	snop  }
0x5: {  	_ = 	snop  }
0x6: {  	_ = 	snop  }
0x7: {  	_ = 	snop  }
__scs_overlays_trampoline_lowered:
0x8: {  	[smem:$0x3FAA] =	sst s0  }
0x9: {  	[smem:$0x3FAB] =	sst s1  }
0xa: {  	[smem:$0x3FAC] =	sst s2  }
0xb: {  	[smem:$0x3FAD] =	sst s3  }
0xc: {  	[smem:$0x3FAE] =	sst s4  }
0xd: {  	[smem:$0x3FAF] =	sst s5  }
0xe: {  	[smem:$0x3FB0] =	sst s6  }
0xf: {  	[smem:$0x3FB1] =	sst s7  }
0x10: {  	[smem:$0x3FB2] =	sst s8  }
0x11: {  	[smem:$0x3FB3] =	sst s9;
	s0 =	simm.s32 @!p0 $0x0  }
0x12: {  	s1 =	sld [smem:$0x3F99];
	s0 =	simm.s32 @p0 $0x1  }
0x13: {  	[smem:$0x3FB4] =	sst s0;
	s0 =	simm.s32 @!p1 $0x0  }
0x14: {  	s2 =	sld [smem:$0x3F98];
	s0 =	simm.s32 @p1 $0x1  }
0x15: {  	[smem:$0x3FB5] =	sst s0;
	s0 =	simm.s32 @!p2 $0x0  }
0x16: {  	s3 =	sld [smem:$0x3FDB];
	s0 =	simm.s32 @p2 $0x1  }
0x17: {  	s4 =	simm.s32 $0x1BF5;
	[smem:$0x3FB7] =	sst s0  }
0x18: {  	s0 =	sld [smem:$0x3F9A];
	_ =	swait.ge [sflag:s4], $0x0  }
0x19: {  	s7 =	sld [smem:$0x3F9B]  }
0x1a: {  	s8 =	sadd.s32 $0xFFFFE003, lr  }
0x1b: {  	s9 =	sadd.s32 $0xFFFFFEF7, lr;
	s5 =	simm.s32 $0xFFFFFFFF;
	p2 =	slt.u32 s8, $0xFFFFF086  }
0x1c: {  	p1 =	slt.u32 s9, $0xF7A;
	s5 =	simm.s32 @!p2 $0x0  }
0x1d: {  	s5 =	simm.s32 @p1 $0x1;
	p0 =	seq.s32 s7, s2  }
0x1e: {  	s7 =	smul.u32 @!p0 $0xF7A, s2;
	p2 =	seq.s32 @!p0 s5, $0x0  }
0x1f: {  	s9 =	smul.u32 $0xF7A, s1;
	s8 =	simm.s32 @!p0 $0x1BF5;
	p2 =	por !p2, p0  }
0x20: {  	[sflag:s8] =	ssyncset.s32 @!p0 $0xFFFFF086;
	s6 =	sadd.s32 @!p0 s3, s7;
	s7 =	simm.s32 @!p0 $0x108  }
0x21: {  	s3 =	sadd.s32 s3, s9;
	s6 =	sadd.s32 @!p0 $0x88, s6;
	s7 =	simm.s32 @p2 $0x1082  }
0x22: {  	[simem:s7], [sflag:s8] =	dma.local @!p0 [hbm:s6], $0xF7A  }
0x23: {  	s9 =	sor.u32 $0xD0000000, s2;
	s6 =	simm.s32 $0x108;
	_ =	swait.ge @!p0 [sflag:s8], $0x0  }
0x24: {  	s3 =	sadd.s32 $0x88, s3;
	s6 =	simm.s32 @!p1 $0x1082;
	[sflag:s4] =	ssyncset.s32 $0xFFFFF086  }
0x25: {  	[simem:s6], [sflag:s4] =	dma.local [hbm:s3], $0xF7A  }
0x26: {  	[smem:$0x3F9B] =	sst s1;
	(tag) =	ssettag s2;
	_ =	strace s9  }
0x27: {  	s1 =	sld [smem:$0x3FAB]  }
0x28: {  	s2 =	sld [smem:$0x3FAC]  }
0x29: {  	s4 =	sld [smem:$0x3FAE]  }
0x2a: {  	p0 =	seq.s32 s5, $0x0;
	s5 =	sld [smem:$0x3FAF]  }
0x2b: {  	s6 =	sld [smem:$0x3FB0]  }
0x2c: {  	s7 =	sld [smem:$0x3FB1]  }
0x2d: {  	s3 =	simm.s32 $0x108;
	s8 =	sld [smem:$0x3FB2]  }
0x2e: {  	s3 =	simm.s32 @!p0 $0x1082;
	s9 =	sld [smem:$0x3FB3]  }
0x2f: {  	lr =	sadd.s32 s0, s3;
	s0 =	sld [smem:$0x3FAA]  }
0x30: {  	s3 =	sld [smem:$0x3FAD]  }
0x31: {  	[smem:$0x3FB6] =	sst s10  }
0x32: {  	s10 =	sld [smem:$0x3FB4];
	_ =	sdelay $0x3  }
0x33: {  	p0 =	seq.s32 s10, $0x1;
	s10 =	sld [smem:$0x3FB6];
	_ =	sdelay $0x3  }
0x34: {  	[smem:$0x3FB6] =	sst s10  }
0x35: {  	s10 =	sld [smem:$0x3FB5];
	_ =	sdelay $0x3  }
0x36: {  	p1 =	seq.s32 s10, $0x1;
	s10 =	sld [smem:$0x3FB6];
	_ =	sdelay $0x3  }
0x37: {  	[smem:$0x3FB6] =	sst s10  }
0x38: {  	s10 =	sld [smem:$0x3FB7]  }
0x39: {  	_ = 	snop;
	(pc) =	sbr.ind lr, $3  }
0x3a: {  	_ = 	snop  }
0x3b: {  	_ = 	snop  }
0x3c: {  	p2 =	seq.s32 s10, $0x1;
	s10 =	sld [smem:$0x3FB6]  }
0x3d: {  	_ =	shalt  }
0x3e: {  	_ =	shalt  }
0x3f: {  	_ =	shalt  }
0x40: {  	_ =	shalt  }
0x41: {  	_ =	shalt  }
0x42: {  	_ =	shalt  }
0x43: {  	_ =	shalt  }
0x44: {  	_ =	shalt  }
0x45: {  	_ =	shalt  }
0x46: {  	_ =	shalt  }
0x47: {  	_ =	shalt  }
0x48: {  	_ =	shalt  }
0x49: {  	_ =	shalt  }
0x4a: {  	_ =	shalt  }
0x4b: {  	_ =	shalt  }
0x4c: {  	_ =	shalt  }
0x4d: {  	_ =	shalt  }
0x4e: {  	_ =	shalt  }
0x4f: {  	_ =	shalt  }
0x50: {  	_ =	shalt  }
0x51: {  	_ =	shalt  }
0x52: {  	_ =	shalt  }
0x53: {  	_ =	shalt  }
0x54: {  	_ =	shalt  }
0x55: {  	_ =	shalt  }
0x56: {  	_ =	shalt  }
0x57: {  	_ =	shalt  }
0x58: {  	_ =	shalt  }
0x59: {  	_ =	shalt  }
0x5a: {  	_ =	shalt  }
0x5b: {  	_ =	shalt  }
0x5c: {  	_ =	shalt  }
0x5d: {  	_ =	shalt  }
0x5e: {  	_ =	shalt  }
0x5f: {  	_ =	shalt  }
0x60: {  	_ =	shalt  }
0x61: {  	_ =	shalt  }
0x62: {  	_ =	shalt  }
0x63: {  	_ =	shalt  }
0x64: {  	_ =	shalt  }
0x65: {  	_ =	shalt  }
0x66: {  	_ =	shalt  }
0x67: {  	_ =	shalt  }
0x68: {  	_ =	shalt  }
0x69: {  	_ =	shalt  }
0x6a: {  	_ =	shalt  }
0x6b: {  	_ =	shalt  }
0x6c: {  	_ =	shalt  }
0x6d: {  	_ =	shalt  }
0x6e: {  	_ =	shalt  }
0x6f: {  	_ =	shalt  }
0x70: {  	_ =	shalt  }
0x71: {  	_ =	shalt  }
0x72: {  	_ =	shalt  }
0x73: {  	_ =	shalt  }
0x74: {  	_ =	shalt  }
0x75: {  	_ =	shalt  }
0x76: {  	_ =	shalt  }
0x77: {  	_ =	shalt  }
0x78: {  	_ =	shalt  }
0x79: {  	_ =	shalt  }
0x7a: {  	_ =	shalt  }
0x7b: {  	_ =	shalt  }
0x7c: {  	_ =	shalt  }
0x7d: {  	_ =	shalt  }
0x7e: {  	_ =	shalt  }
0x7f: {  	_ =	shalt  }
0x80: {  	_ =	shalt  }
0x81: {  	_ =	shalt  }
0x82: {  	_ =	shalt  }
0x83: {  	_ =	shalt  }
0x84: {  	_ =	shalt  }
0x85: {  	_ =	shalt  }
0x86: {  	_ =	shalt  }
0x87: {  	_ =	shalt  }
.Lfunc_end0:
.L_simem_size_0:
called_computation.1_lowered:
.L_overlay_start_0:
0x88: {  	s2 =	sld [smem:$0x3FD9]  }
0x89: {  	s3 =	sld [smem:$0x3FFE];
	_ =	sdelay $0x1  }
0x8a: {  	s1 =	srdreg.scid  }
0x8b: {  	s0 =	sand.u32 $0x1, s1  }
0x8c: {  	s17 =	sshll.u32 s0, $0xA;
	s2 =	sadd.s32 s3, s2  }
0x8d: {  	s2 =	sadd.s32 s2, s17  }
0x8e: {  	[smem:$0x3FC2] =	sst s2  }
0x8f: {  	_ = 	snop  }
0x90: {  	s2 =	sld [smem:$0x3FD0];
	(tm) =	ssettm $0x1  }
0x91: {  	s18 =	sld [smem:$0x3FFB];
	_ =	sdelay $0x3  }
0x92: {  	_ =	strace s18  }
0x93: {  	s3 =	sld [smem:$0x3FFC];
	_ =	sdelay $0x3  }
0x94: {  	_ =	strace s3  }
0x95: {  	s3 =	sld [smem:$0x3FFD];
	_ =	sdelay $0x3  }
0x96: {  	_ =	strace s3  }
0x97: {  	_ =	strace $0x8FFFFFFF  }
0x98: {  	s19 =	sld [smem:$0x3FDB];
	_ =	sdelay $0x1  }
0x99: {  	s4 =	simm.s32 $_scs_section_size  }
0x9a: {  	s5 =	simm.s32 $_size__tile_overlayer_lowered;
	s6 =	simm.s32 $_tile_overlayer_lowered  }
0x9b: {  	s22 =	simm.s32 $0x1BFF;
	s21 =	sshll.u32 s6, $0x1;
	s3 =	sadd.s32 s4, s19  }
0x9c: {  	s7 =	simm.s32 $0x0;
	s20 =	sshll.u32 s5, $0x1;
	s5 =	sadd.s32 s21, s3  }
0x9d: {  	[timem:s7], [sflag:s22] =	dma.local [hbm:s5], s20  }
0x9e: {  	_ =	swait.ge [sflag:s22], s20  }
0x9f: {  	s4 =	ssub.s32 $0x0, s20;
	[sflag:s22] =	ssyncset.done $0x0  }
0xa0: {  	[sflag:s22] =	ssyncadd.s32 s4;
	_ =	sdelay $0x1  }
0xa1: {  	s23 =	simm.s32 $0x1B8B  }
0xa2: {  	_ =	swait.ge [sflag:s23], $0x1  }
0xa3: {  	[sflag:s23] =	ssyncset.done $0x0  }
0xa4: {  	s25 =	simm.s32 $0x1B8E;
	s24 =	sld [smem:$0x3FFE];
	[sflag:s23] =	ssyncadd.s32 $0xFFFFFFFF  }
0xa5: {  	s26 =	simm.s32 $execute0_lowered;
	[smem:$0x3FD2] =	sst s25  }
0xa6: {  	s5 =	sshll.u32 s26, $0x1;
	_ =	strace $0x80000049;
	[dreg:$0x1] =	wrdreg $0xFFFFFFFF  }
0xa7: {  	s28 =	simm.s32 $_size_execute0_lowered;
	s3 =	sadd.s32 s3, s5;
	[dreg:$0x0] =	wrdreg $0x0  }
0xa8: {  	s5 =	sshll.u32 s28, $0x1;
	[dreg:$0x2] =	wrdreg s3  }
0xa9: {  	[dreg:$0x3] =	wrdreg s5  }
0xaa: {  	[dreg:$0x4] =	wrdreg $0xC0  }
0xab: {  	_ =	task [dreg:s7], $0x5FFFF  }
0xac: {  	[dreg:$0x1] =	wrdreg $0xFFFFFFFF  }
0xad: {  	[dreg:$0x0] =	wrdreg $0x60  }
0xae: {  	[dreg:$0x2] =	wrdreg s24  }
0xaf: {  	[dreg:$0x3] =	wrdreg s2  }
0xb0: {  	[dreg:$0x4] =	wrdreg $0x0  }
0xb1: {  	[dreg:$0x5] =	wrdreg $0x62000  }
0xb2: {  	[dreg:$0x6] =	wrdreg $0x18800  }
0xb3: {  	[dreg:$0x7] =	wrdreg $0x7A800  }
0xb4: {  	[dreg:$0x8] =	wrdreg $0x31000  }
0xb5: {  	[dreg:$0x9] =	wrdreg $0x93000  }
0xb6: {  	[dreg:$0xa] =	wrdreg $0x49800  }
0xb7: {  	[dreg:$0xb] =	wrdreg $0xAB800  }
0xb8: {  	[dreg:$0xc] =	wrdreg $0x9  }
0xb9: {  	_ =	task.clear_ibuf [dreg:s7], $0xDFFFF;
	_ =	strace $0x90000049  }
0xba: {  	s29 =	simm.s32 $0x9;
	_ =	strace $0x8000004B  }
0xbb: {  	_ =	swait.ge [sflag:s29], $0x1  }
0xbc: {  	[sflag:s29] =	ssyncadd.s32 $0xFFFFFFFF  }
0xbd: {  	_ =	strace $0x9000004B  }
0xbe: {  	_ =	sfence  }
0xbf: {  	s30 =	sld [smem:$0x0];
	_ =	sdelay $0x2  }
0xc0: {  	s31 =	sshll.u32 s1, $0xD;
	s1 =	sshrl.u32 s1, $0x2  }
0xc1: {  	s3 =	sand.u32 $0x4000, s31;
	s1 =	sadd.s32 s1, s30  }
0xc2: {  	s0 =	sor.u32 s3, s0;
	s1 =	sshll.u32 s1, $0x11  }
0xc3: {  	s0 =	sor.u32 s1, s0  }
0xc4: {  	s0 =	sadd.s32 $0x8F2B, s0  }
0xc5: {  	[sflag:s0] =	ssyncadd.remote.s32 $0x1  }
0xc6: {  	_ =	sfence.sel $0xFFFF  }
0xc7: {  	[dreg:$0x0] =	wrdreg $0xFFFFFFFF;
	(pc) =	sbr.abs _section_cstart, $3  }
0xc8: {  	[dreg:$0x1] =	wrdreg $0xFFFFFFFF  }
0xc9: {  	_ =	task.clear_ibuf [dreg:s7], $0x2FFFF;
	_ =	strace $0x9FFFFFFF  }
0xca: {  	(tm) =	ssettm $0x7FFFFFFF  }
0xcb: {  	_ =	shalt  }
tec
execute0_lowered:
.L_overlay_start_1:
0x0: {  	(tag) =	ssettag $0x1  }
0x1: {  	s3 =	rddreg [dreg:$0x0]  }
0x2: {  	s1 =	rddreg [dreg:$0x2]  }
0x3: {  	s2 =	rddreg [dreg:$0x3]  }
0x4: {  	s4 =	rddreg [dreg:$0x4]  }
0x5: {  	s5 =	rddreg [dreg:$0x5]  }
0x6: {  	s6 =	rddreg [dreg:$0x6]  }
0x7: {  	s8 =	rddreg [dreg:$0x7]  }
0x8: {  	s9 =	rddreg [dreg:$0x8]  }
0x9: {  	s10 =	rddreg [dreg:$0x9];
	s0 =	stileid.u32  }
0xa: {  	s11 =	srdreg.scid;
	s14 =	simm.s32 $0x0;
	s12 =	simm.s32 $0x0  }
0xb: {  	s28 =	simm.s32 $0xD600;
	s29 =	simm.s32 $0xD680;
	s30 =	simm.s32 $0xD700  }
0xc: {  	s31 =	simm.s32 $0xD780;
	s7 =	smul.u32 $0x6200, s0;
	[dreg:$0xb] =	wrdreg s12  }
0xd: {  	s13 =	smul.u32 $0x1880, s0;
	s11 =	sand.u32 $0x1, s11;
	[smem:$0x7FF] =	sst s14  }
0xe: {  	s12 =	sadd.s32 $0x2400, s3;
	s26 =	sshll.u32 s0, $0x6;
	s15 =	smul.u32 $0x62000, s11  }
0xf: {  	_ =	strace $0x8000004A;
	s25 =	ssub.s32 $0x2, s11;
	s19 =	sor.u32 $0x1C03, s26  }
0x10: {  	s11 =	sshll.u32 s11, $0x4;
	[smem:$0x7FD] =	sst s12;
	s24 =	sshrl.u32 s7, $0x3  }
0x11: {  	s16 =	sshrl.u32 s13, $0x3;
	s17 =	sshrl.u32 s25, $0x1;
	s20 =	sadd.s32 s13, s2  }
0x12: {  	s11 =	sor.u32 s0, s11;
	s26 =	sadd.s32 s13, s10;
	[dreg:$0xe] =	wrdreg s20  }
0x13: {  	s14 =	sadd.s32 s24, s3;
	s24 =	sadd.s32 s13, s5;
	[dreg:$0x15] =	wrdreg s26  }
0x14: {  	s16 =	sadd.s32 s16, s3;
	s18 =	sadd.s32 $0x67600, s14;
	[dreg:$0x13] =	wrdreg s24  }
0x15: {  	s7 =	sadd.s32 s7, s15;
	s21 =	sadd.s32 $0x64400, s16;
	[dreg:$0xc] =	wrdreg s18  }
0x16: {  	s15 =	sadd.s32 s13, s4;
	s22 =	sadd.s32 $0x67610, s14;
	[dreg:$0xf] =	wrdreg s21  }
0x17: {  	s7 =	sshrl.u32 s7, $0x3;
	s23 =	sadd.s32 $0x67620, s14;
	[dreg:$0x10] =	wrdreg s22  }
0x18: {  	s14 =	sadd.s32 $0x67630, s14;
	s16 =	sadd.s32 s13, s9;
	[dreg:$0x11] =	wrdreg s23  }
0x19: {  	s24 =	sshrl.u32 s15, $0x3;
	s3 =	sadd.s32 s7, s3;
	[dreg:$0x12] =	wrdreg s14  }
0x1a: {  	s7 =	ssub.s32 s25, s17;
	s25 =	sadd.s32 s13, s8;
	[dreg:$0x1c] =	wrdreg s24  }
0x1b: {  	s17 =	sadd.s32 s13, s1;
	s26 =	sshrl.u32 s16, $0x3;
	[dreg:$0x14] =	wrdreg s25  }
0x1c: {  	s23 =	smul.u32 $0x18800, s11;
	s11 =	smov.u32 s19;
	[dreg:$0x1e] =	wrdreg s26  }
0x1d: {  	s14 =	sadd.s32 s13, s6;
	s13 =	sadd.s32 $0x73A00, s3;
	[dreg:$0xd] =	wrdreg s11  }
0x1e: {  	s15 =	simm.s32 $0xD380;
	s18 =	sadd.s32 $0x73A10, s3;
	[dreg:$0x16] =	wrdreg s13  }
0x1f: {  	s24 =	simm.s32 $0xD480;
	s19 =	sadd.s32 $0x73A20, s3;
	[dreg:$0x17] =	wrdreg s18  }
0x20: {  	s16 =	simm.s32 $0xCB80;
	s20 =	sadd.s32 $0x73A30, s3;
	[dreg:$0x18] =	wrdreg s19  }
0x21: {  	s21 =	smax.u32 s7, $0x1;
	s22 =	sshrl.u32 s17, $0x3;
	[dreg:$0x19] =	wrdreg s20  }
0x22: {  	s25 =	sshrl.u32 s14, $0x3;
	s17 =	simm.s32 $0x10;
	[dreg:$0x1a] =	wrdreg s21  }
0x23: {  	s26 =	simm.s32 $0xD580;
	s3 =	simm.s32 $0x2;
	[dreg:$0x1b] =	wrdreg s22  }
0x24: {  	s7 =	simm.s32 $0xD300;
	[dreg:$0x1d] =	wrdreg s25;
	s13 =	simm.s32 $0x1  }
0x25: {  	s20 =	simm.s32 $0x40;
	s18 =	simm.s32 $0x3;
	s19 =	simm.s32 $0xC400  }
0x26: {  	s21 =	simm.s32 $0x80;
	s22 =	simm.s32 $0xD400;
	s25 =	simm.s32 $0xD500  }
.LBB2_1:
0x27: {  	s0 =	rddreg [dreg:$0xc]  }
0x28: {  	s14 =	rddreg [dreg:$0x1b]  }
0x29: {  	[spmem:s14@s17], [sflag:s11] =	dma.strided [hbm:s0@s20], $0x310, s13, $0x10   }
0x2a: {  	_ =	swait.ge [sflag:s18], $0x310  }
0x2b: {  	s20 =	rddreg [dreg:$0xe]  }
0x2c: {  	[sflag:s18] =	ssyncset.done $0x0;
	s0 =	rddreg [dreg:$0xf];
	s12 =	sshrl.u32 s20, $0x3  }
0x2d: {  	[sflag:s18] =	ssyncadd.s32 $0xFFFFFCF0;
	[dreg:$0x1f] =	wrdreg s12  }
0x2e: {  	[spmem:s12], [sflag:s11] =	dma.local [hbm:s0], $0x310  }
0x2f: {  	_ =	swait.ge [sflag:s18], $0x310  }
0x30: {  	s20 =	simm.s32 $0x40;
	[sflag:s18] =	ssyncset.done $0x0;
	s14 =	rddreg [dreg:$0x10]  }
0x31: {  	s12 =	simm.s32 $0x10;
	s17 =	rddreg [dreg:$0x1c];
	[sflag:s18] =	ssyncadd.s32 $0xFFFFFCF0  }
0x32: {  	[spmem:s17@s12], [sflag:s11] =	dma.strided [hbm:s14@s20], $0x310, s13, $0x10   }
0x33: {  	_ =	swait.ge [sflag:s18], $0x310  }
0x34: {  	s17 =	rddreg [dreg:$0x13]  }
0x35: {  	[sflag:s18] =	ssyncset.done $0x0;
	s14 =	sshrl.u32 s17, $0x3  }
0x36: {  	[sflag:s18] =	ssyncadd.s32 $0xFFFFFCF0;
	[smem:$0x7FA] =	sst s14  }
0x37: {  	[spmem:s14], [sflag:s11] =	dma.local [hbm:s0], $0x310  }
0x38: {  	_ =	swait.ge [sflag:s18], $0x310  }
0x39: {  	s20 =	simm.s32 $0x40;
	[sflag:s18] =	ssyncset.done $0x0;
	s14 =	rddreg [dreg:$0x11]  }
0x3a: {  	s12 =	simm.s32 $0x10;
	s17 =	rddreg [dreg:$0x1d];
	[sflag:s18] =	ssyncadd.s32 $0xFFFFFCF0  }
0x3b: {  	[spmem:s17@s12], [sflag:s11] =	dma.strided [hbm:s14@s20], $0x310, s13, $0x10   }
0x3c: {  	_ =	swait.ge [sflag:s18], $0x310  }
0x3d: {  	s20 =	rddreg [dreg:$0x14]  }
0x3e: {  	[sflag:s18] =	ssyncset.done $0x0;
	s14 =	sshrl.u32 s20, $0x3  }
0x3f: {  	[sflag:s18] =	ssyncadd.s32 $0xFFFFFCF0;
	[smem:$0x7FB] =	sst s14  }
0x40: {  	[spmem:s14], [sflag:s11] =	dma.local [hbm:s0], $0x310  }
0x41: {  	_ =	swait.ge [sflag:s18], $0x310  }
0x42: {  	s12 =	simm.s32 $0x10;
	[sflag:s18] =	ssyncset.done $0x0;
	s14 =	rddreg [dreg:$0x12]  }
0x43: {  	s20 =	simm.s32 $0x40;
	s17 =	rddreg [dreg:$0x1e];
	[sflag:s18] =	ssyncadd.s32 $0xFFFFFCF0  }
0x44: {  	[spmem:s17@s12], [sflag:s11] =	dma.strided [hbm:s14@s20], $0x310, s13, $0x10   }
0x45: {  	s12 =	sld [smem:$0x7FD];
	_ =	swait.ge [sflag:s18], $0x310  }
0x46: {  	s17 =	rddreg [dreg:$0x15]  }
0x47: {  	[sflag:s18] =	ssyncset.done $0x0;
	s14 =	sshrl.u32 s17, $0x3  }
0x48: {  	[sflag:s18] =	ssyncadd.s32 $0xFFFFFCF0;
	[smem:$0x7FC] =	sst s14  }
0x49: {  	[spmem:s14], [sflag:s11] =	dma.local [hbm:s0], $0x310  }
0x4a: {  	_ =	swait.ge [sflag:s18], $0x310  }
0x4b: {  	[sflag:s18] =	ssyncset.done $0x0  }
0x4c: {  	[sflag:s18] =	ssyncadd.s32 $0xFFFFFCF0  }
0x4d: {  	s20 =	simm.s32 $0x40;
	s17 =	simm.s32 $0x0;
	[bflag:$0x0] =	sbarrier.arrive $0xFFFF  }
.LBB2_2:
0x4e: {  	s11 =	sshll.u32 s17, $0xB  }
0x4f: {  	s11 =	sadd.s32 s23, s11  }
0x50: {  	s11 =	sshrl.u32 s11, $0x3  }
0x51: {  	s0 =	simm.s32 $0x0;
	s14 =	sadd.s32 s12, s11  }
0x52: {  	[tilespmem:s19], [sflag:$0x3] =	stream.linear.gather [hbm4b:s14+s0], $0x800, $0x38;
	[tilespmem:$0xD800] =	vst v63  }
0x53: {  	_ =	swait.ge [sflag:s18], $0x800  }
0x54: {  	[sflag:s18] =	ssyncset.done $0x0  }
0x55: {  	[sflag:s18] =	ssyncadd.s32 $0xFFFFF800  }
0x56: {  	s14 =	rddreg [dreg:$0x1]  }
0x57: {  	s11 =	sadd.s32 s14, s11;
	s14 =	simm.s32 $0xCC00  }
0x58: {  	[tilespmem:s14], [sflag:$0x3] =	stream.linear.gather [hbm4b:s11+s0], $0x800, $0x38;
	[tilespmem:$0xD800] =	vst v63  }
0x59: {  	_ =	swait.ge [sflag:s18], $0x800  }
0x5a: {  	[sflag:s18] =	ssyncset.done $0x0  }
0x5b: {  	[sflag:s18] =	ssyncadd.s32 $0xFFFFF800  }
0x5c: {  	[tilespmem:s22], [sflag:$0x1] =	stream.indirect.gather [spmem:s1], $0x1, s19, s21, $0xb8;
	[tilespmem:$0xD800] =	vst v63  }
0x5d: {  	_ = 	snop  }
0x5e: {  	[tilespmem:s24], [sflag:$0x1] =	stream.indirect.gather [spmem:s4], $0x1, s19, s21, $0xb8;
	[tilespmem:$0xD800] =	vst v63  }
0x5f: {  	_ = 	snop  }
0x60: {  	[tilespmem:s25], [sflag:$0x1] =	stream.indirect.gather [spmem:s6], $0x1, s19, s21, $0xb8;
	[tilespmem:$0xD800] =	vst v63  }
0x61: {  	_ = 	snop  }
0x62: {  	[tilespmem:s26], [sflag:$0x1] =	stream.indirect.gather [spmem:s9], $0x1, s19, s21, $0xb8;
	[tilespmem:$0xD800] =	vst v63  }
0x63: {  	_ =	swait.ge [sflag:s13], $0x80  }
0x64: {  	[sflag:s13] =	ssyncset.done $0x0  }
0x65: {  	[sflag:s13] =	ssyncadd.s32 $0xFFFFFF80  }
0x66: {  	_ =	swait.ge [sflag:s13], $0x80  }
0x67: {  	[sflag:s13] =	ssyncset.done $0x0  }
0x68: {  	[sflag:s13] =	ssyncadd.s32 $0xFFFFFF80  }
0x69: {  	_ =	swait.ge [sflag:s13], $0x80  }
0x6a: {  	[sflag:s13] =	ssyncset.done $0x0  }
0x6b: {  	[sflag:s13] =	ssyncadd.s32 $0xFFFFFF80  }
0x6c: {  	_ =	swait.ge [sflag:s13], $0x80  }
0x6d: {  	[sflag:s13] =	ssyncset.done $0x0  }
0x6e: {  	s11 =	simm.s32 $0xCC00;
	[sflag:s13] =	ssyncadd.s32 $0xFFFFFF80  }
0x6f: {  	[spmem:s2] =	stream.indirect.scatter.add.f32 [tilespmem:s22], [sflag:$0x2], $0x1, s11, s21, $0xb8;
	[tilespmem:$0xD800] =	vst v63  }
0x70: {  	_ = 	snop  }
0x71: {  	[spmem:s5] =	stream.indirect.scatter.add.f32 [tilespmem:s24], [sflag:$0x2], $0x1, s11, s21, $0xb8;
	[tilespmem:$0xD800] =	vst v63  }
0x72: {  	_ = 	snop  }
0x73: {  	[spmem:s8] =	stream.indirect.scatter.add.f32 [tilespmem:s25], [sflag:$0x2], $0x1, s11, s21, $0xb8;
	[tilespmem:$0xD800] =	vst v63  }
0x74: {  	_ = 	snop  }
0x75: {  	[spmem:s10] =	stream.indirect.scatter.add.f32 [tilespmem:s26], [sflag:$0x2], $0x1, s11, s21, $0xb8;
	[tilespmem:$0xD800] =	vst v63  }
0x76: {  	s14 =	simm.s32 $0xC480  }
0x77: {  	[tilespmem:s28], [sflag:$0x1] =	stream.indirect.gather [spmem:s1], $0x1, s14, s21, $0xb8;
	[tilespmem:$0xD800] =	vst v63  }
0x78: {  	_ = 	snop  }
0x79: {  	[tilespmem:s29], [sflag:$0x1] =	stream.indirect.gather [spmem:s4], $0x1, s14, s21, $0xb8;
	[tilespmem:$0xD800] =	vst v63  }
0x7a: {  	_ = 	snop  }
0x7b: {  	[tilespmem:s30], [sflag:$0x1] =	stream.indirect.gather [spmem:s6], $0x1, s14, s21, $0xb8;
	[tilespmem:$0xD800] =	vst v63  }
0x7c: {  	_ = 	snop  }
0x7d: {  	[tilespmem:s31], [sflag:$0x1] =	stream.indirect.gather [spmem:s9], $0x1, s14, s21, $0xb8;
	[tilespmem:$0xD800] =	vst v63  }
0x7e: {  	_ =	swait.ge [sflag:s3], $0x80  }
0x7f: {  	[sflag:s3] =	ssyncset.done $0x0  }
0x80: {  	[sflag:s3] =	ssyncadd.s32 $0xFFFFFF80  }
0x81: {  	_ =	swait.ge [sflag:s3], $0x80  }
0x82: {  	[sflag:s3] =	ssyncset.done $0x0  }
0x83: {  	[sflag:s3] =	ssyncadd.s32 $0xFFFFFF80  }
0x84: {  	_ =	swait.ge [sflag:s3], $0x80  }
0x85: {  	[sflag:s3] =	ssyncset.done $0x0  }
0x86: {  	[sflag:s3] =	ssyncadd.s32 $0xFFFFFF80  }
0x87: {  	_ =	swait.ge [sflag:s3], $0x80  }
0x88: {  	[sflag:s3] =	ssyncset.done $0x0  }
0x89: {  	[sflag:s3] =	ssyncadd.s32 $0xFFFFFF80  }
0x8a: {  	_ =	swait.ge [sflag:s13], $0x80  }
0x8b: {  	[sflag:s13] =	ssyncset.done $0x0  }
0x8c: {  	[sflag:s13] =	ssyncadd.s32 $0xFFFFFF80  }
0x8d: {  	_ =	swait.ge [sflag:s13], $0x80  }
0x8e: {  	[sflag:s13] =	ssyncset.done $0x0  }
0x8f: {  	[sflag:s13] =	ssyncadd.s32 $0xFFFFFF80  }
0x90: {  	_ =	swait.ge [sflag:s13], $0x80  }
0x91: {  	[sflag:s13] =	ssyncset.done $0x0  }
0x92: {  	[sflag:s13] =	ssyncadd.s32 $0xFFFFFF80  }
0x93: {  	_ =	swait.ge [sflag:s13], $0x80  }
0x94: {  	[sflag:s13] =	ssyncset.done $0x0  }
0x95: {  	s11 =	simm.s32 $0xCC80;
	[sflag:s13] =	ssyncadd.s32 $0xFFFFFF80  }
0x96: {  	[spmem:s2] =	stream.indirect.scatter.add.f32 [tilespmem:s28], [sflag:$0x2], $0x1, s11, s21, $0xb8;
	[tilespmem:$0xD800] =	vst v63  }
0x97: {  	_ = 	snop  }
0x98: {  	[spmem:s5] =	stream.indirect.scatter.add.f32 [tilespmem:s29], [sflag:$0x2], $0x1, s11, s21, $0xb8;
	[tilespmem:$0xD800] =	vst v63  }
0x99: {  	_ = 	snop  }
0x9a: {  	[spmem:s8] =	stream.indirect.scatter.add.f32 [tilespmem:s30], [sflag:$0x2], $0x1, s11, s21, $0xb8;
	[tilespmem:$0xD800] =	vst v63  }
0x9b: {  	_ = 	snop  }
0x9c: {  	[spmem:s10] =	stream.indirect.scatter.add.f32 [tilespmem:s31], [sflag:$0x2], $0x1, s11, s21, $0xb8;
	[tilespmem:$0xD800] =	vst v63  }
0x9d: {  	s14 =	simm.s32 $0xC500  }
0x9e: {  	[tilespmem:s22], [sflag:$0x1] =	stream.indirect.gather [spmem:s1], $0x1, s14, s21, $0xb8;
	[tilespmem:$0xD800] =	vst v63  }
0x9f: {  	_ = 	snop  }
0xa0: {  	[tilespmem:s24], [sflag:$0x1] =	stream.indirect.gather [spmem:s4], $0x1, s14, s21, $0xb8;
	[tilespmem:$0xD800] =	vst v63  }
0xa1: {  	_ = 	snop  }
0xa2: {  	[tilespmem:s25], [sflag:$0x1] =	stream.indirect.gather [spmem:s6], $0x1, s14, s21, $0xb8;
	[tilespmem:$0xD800] =	vst v63  }
0xa3: {  	_ = 	snop  }
0xa4: {  	[tilespmem:s26], [sflag:$0x1] =	stream.indirect.gather [spmem:s9], $0x1, s14, s21, $0xb8;
	[tilespmem:$0xD800] =	vst v63  }
0xa5: {  	_ =	swait.ge [sflag:s3], $0x80  }
0xa6: {  	[sflag:s3] =	ssyncset.done $0x0  }
0xa7: {  	[sflag:s3] =	ssyncadd.s32 $0xFFFFFF80  }
0xa8: {  	_ =	swait.ge [sflag:s3], $0x80  }
0xa9: {  	[sflag:s3] =	ssyncset.done $0x0  }
0xaa: {  	[sflag:s3] =	ssyncadd.s32 $0xFFFFFF80  }
0xab: {  	_ =	swait.ge [sflag:s3], $0x80  }
0xac: {  	[sflag:s3] =	ssyncset.done $0x0  }
0xad: {  	[sflag:s3] =	ssyncadd.s32 $0xFFFFFF80  }
0xae: {  	_ =	swait.ge [sflag:s3], $0x80  }
0xaf: {  	s11 =	simm.s32 $0x400;
	[sflag:s3] =	ssyncset.done $0x0  }
.LBB2_3:
0xb0: {  	p0 =	sne.s32 s11, $0x1800  }
0xb1: {  	[sflag:s3] =	ssyncadd.s32 $0xFFFFFF80;
	s0 =	smov.u32 s11;
	s11 =	sadd.s32 $0x400, s11  }
0xb2: {  	_ =	swait.ge [sflag:s13], $0x80  }
0xb3: {  	[sflag:s13] =	ssyncset.done $0x0  }
0xb4: {  	[sflag:s13] =	ssyncadd.s32 $0xFFFFFF80  }
0xb5: {  	_ =	swait.ge [sflag:s13], $0x80  }
0xb6: {  	[sflag:s13] =	ssyncset.done $0x0  }
0xb7: {  	[sflag:s13] =	ssyncadd.s32 $0xFFFFFF80  }
0xb8: {  	_ =	swait.ge [sflag:s13], $0x80  }
0xb9: {  	[sflag:s13] =	ssyncset.done $0x0  }
0xba: {  	[sflag:s13] =	ssyncadd.s32 $0xFFFFFF80  }
0xbb: {  	_ =	swait.ge [sflag:s13], $0x80  }
0xbc: {  	s14 =	sshra.s32 s0, $0x2;
	[sflag:s13] =	ssyncset.done $0x0  }
0xbd: {  	s0 =	sadd.s32 $0xCC00, s14;
	[sflag:s13] =	ssyncadd.s32 $0xFFFFFF80  }
0xbe: {  	[spmem:s2] =	stream.indirect.scatter.add.f32 [tilespmem:s22], [sflag:$0x2], $0x1, s0, s21, $0xb8;
	[tilespmem:$0xD800] =	vst v63  }
0xbf: {  	_ = 	snop  }
0xc0: {  	[spmem:s5] =	stream.indirect.scatter.add.f32 [tilespmem:s24], [sflag:$0x2], $0x1, s0, s21, $0xb8;
	[tilespmem:$0xD800] =	vst v63  }
0xc1: {  	_ = 	snop  }
0xc2: {  	[spmem:s8] =	stream.indirect.scatter.add.f32 [tilespmem:s25], [sflag:$0x2], $0x1, s0, s21, $0xb8;
	[tilespmem:$0xD800] =	vst v63  }
0xc3: {  	_ = 	snop  }
0xc4: {  	[spmem:s10] =	stream.indirect.scatter.add.f32 [tilespmem:s26], [sflag:$0x2], $0x1, s0, s21, $0xb8;
	[tilespmem:$0xD800] =	vst v63  }
0xc5: {  	s0 =	sadd.s32 $0xC480, s14  }
0xc6: {  	[tilespmem:s28], [sflag:$0x1] =	stream.indirect.gather [spmem:s1], $0x1, s0, s21, $0xb8;
	[tilespmem:$0xD800] =	vst v63  }
0xc7: {  	_ = 	snop  }
0xc8: {  	[tilespmem:s29], [sflag:$0x1] =	stream.indirect.gather [spmem:s4], $0x1, s0, s21, $0xb8;
	[tilespmem:$0xD800] =	vst v63  }
0xc9: {  	_ = 	snop  }
0xca: {  	[tilespmem:s30], [sflag:$0x1] =	stream.indirect.gather [spmem:s6], $0x1, s0, s21, $0xb8;
	[tilespmem:$0xD800] =	vst v63  }
0xcb: {  	_ = 	snop  }
0xcc: {  	[tilespmem:s31], [sflag:$0x1] =	stream.indirect.gather [spmem:s9], $0x1, s0, s21, $0xb8;
	[tilespmem:$0xD800] =	vst v63  }
0xcd: {  	_ =	swait.ge [sflag:s3], $0x80  }
0xce: {  	[sflag:s3] =	ssyncset.done $0x0  }
0xcf: {  	[sflag:s3] =	ssyncadd.s32 $0xFFFFFF80  }
0xd0: {  	_ =	swait.ge [sflag:s3], $0x80  }
0xd1: {  	[sflag:s3] =	ssyncset.done $0x0  }
0xd2: {  	[sflag:s3] =	ssyncadd.s32 $0xFFFFFF80  }
0xd3: {  	_ =	swait.ge [sflag:s3], $0x80  }
0xd4: {  	[sflag:s3] =	ssyncset.done $0x0  }
0xd5: {  	[sflag:s3] =	ssyncadd.s32 $0xFFFFFF80  }
0xd6: {  	_ =	swait.ge [sflag:s3], $0x80  }
0xd7: {  	[sflag:s3] =	ssyncset.done $0x0  }
0xd8: {  	[sflag:s3] =	ssyncadd.s32 $0xFFFFFF80  }
0xd9: {  	_ =	swait.ge [sflag:s13], $0x80  }
0xda: {  	[sflag:s13] =	ssyncset.done $0x0  }
0xdb: {  	[sflag:s13] =	ssyncadd.s32 $0xFFFFFF80  }
0xdc: {  	_ =	swait.ge [sflag:s13], $0x80  }
0xdd: {  	[sflag:s13] =	ssyncset.done $0x0  }
0xde: {  	[sflag:s13] =	ssyncadd.s32 $0xFFFFFF80  }
0xdf: {  	_ =	swait.ge [sflag:s13], $0x80  }
0xe0: {  	[sflag:s13] =	ssyncset.done $0x0  }
0xe1: {  	[sflag:s13] =	ssyncadd.s32 $0xFFFFFF80  }
0xe2: {  	_ =	swait.ge [sflag:s13], $0x80  }
0xe3: {  	[sflag:s13] =	ssyncset.done $0x0  }
0xe4: {  	s0 =	sadd.s32 $0xCC80, s14;
	[sflag:s13] =	ssyncadd.s32 $0xFFFFFF80  }
0xe5: {  	[spmem:s2] =	stream.indirect.scatter.add.f32 [tilespmem:s28], [sflag:$0x2], $0x1, s0, s21, $0xb8;
	[tilespmem:$0xD800] =	vst v63  }
0xe6: {  	_ = 	snop  }
0xe7: {  	[spmem:s5] =	stream.indirect.scatter.add.f32 [tilespmem:s29], [sflag:$0x2], $0x1, s0, s21, $0xb8;
	[tilespmem:$0xD800] =	vst v63  }
0xe8: {  	_ = 	snop  }
0xe9: {  	[spmem:s8] =	stream.indirect.scatter.add.f32 [tilespmem:s30], [sflag:$0x2], $0x1, s0, s21, $0xb8;
	[tilespmem:$0xD800] =	vst v63  }
0xea: {  	_ = 	snop  }
0xeb: {  	[spmem:s10] =	stream.indirect.scatter.add.f32 [tilespmem:s31], [sflag:$0x2], $0x1, s0, s21, $0xb8;
	[tilespmem:$0xD800] =	vst v63  }
0xec: {  	s0 =	sadd.s32 $0xC500, s14  }
0xed: {  	[tilespmem:s22], [sflag:$0x1] =	stream.indirect.gather [spmem:s1], $0x1, s0, s21, $0xb8;
	[tilespmem:$0xD800] =	vst v63  }
0xee: {  	_ = 	snop  }
0xef: {  	[tilespmem:s24], [sflag:$0x1] =	stream.indirect.gather [spmem:s4], $0x1, s0, s21, $0xb8;
	[tilespmem:$0xD800] =	vst v63  }
0xf0: {  	_ = 	snop  }
0xf1: {  	[tilespmem:s25], [sflag:$0x1] =	stream.indirect.gather [spmem:s6], $0x1, s0, s21, $0xb8;
	[tilespmem:$0xD800] =	vst v63  }
0xf2: {  	_ = 	snop  }
0xf3: {  	[tilespmem:s26], [sflag:$0x1] =	stream.indirect.gather [spmem:s9], $0x1, s0, s21, $0xb8;
	[tilespmem:$0xD800] =	vst v63  }
0xf4: {  	_ =	swait.ge [sflag:s3], $0x80  }
0xf5: {  	[sflag:s3] =	ssyncset.done $0x0  }
0xf6: {  	[sflag:s3] =	ssyncadd.s32 $0xFFFFFF80  }
0xf7: {  	_ =	swait.ge [sflag:s3], $0x80  }
0xf8: {  	[sflag:s3] =	ssyncset.done $0x0  }
0xf9: {  	[sflag:s3] =	ssyncadd.s32 $0xFFFFFF80  }
.Ltmp0:
0xfa: {  	_ =	swait.ge [sflag:s3], $0x80;
	(pc) =	sbr.rel @p0 .LBB2_3-.Ltmp0, $4  }
0xfb: {  	[sflag:s3] =	ssyncset.done $0x0  }
0xfc: {  	[sflag:s3] =	ssyncadd.s32 $0xFFFFFF80  }
0xfd: {  	_ =	swait.ge [sflag:s3], $0x80  }
0xfe: {  	[sflag:s3] =	ssyncset.done $0x0  }
0xff: {  	[sflag:s3] =	ssyncadd.s32 $0xFFFFFF80  }
0x100: {  	_ =	swait.ge [sflag:s13], $0x80  }
0x101: {  	[sflag:s13] =	ssyncset.done $0x0  }
0x102: {  	[sflag:s13] =	ssyncadd.s32 $0xFFFFFF80  }
0x103: {  	_ =	swait.ge [sflag:s13], $0x80  }
0x104: {  	[sflag:s13] =	ssyncset.done $0x0  }
0x105: {  	[sflag:s13] =	ssyncadd.s32 $0xFFFFFF80  }
0x106: {  	_ =	swait.ge [sflag:s13], $0x80  }
0x107: {  	[sflag:s13] =	ssyncset.done $0x0  }
0x108: {  	[sflag:s13] =	ssyncadd.s32 $0xFFFFFF80  }
0x109: {  	_ =	swait.ge [sflag:s13], $0x80  }
0x10a: {  	[sflag:s13] =	ssyncset.done $0x0  }
0x10b: {  	[sflag:s13] =	ssyncadd.s32 $0xFFFFFF80  }
0x10c: {  	[spmem:s2] =	stream.indirect.scatter.add.f32 [tilespmem:s22], [sflag:$0x2], $0x1, s7, s21, $0xb8;
	[tilespmem:$0xD800] =	vst v63  }
0x10d: {  	_ = 	snop  }
0x10e: {  	[spmem:s5] =	stream.indirect.scatter.add.f32 [tilespmem:s24], [sflag:$0x2], $0x1, s7, s21, $0xb8;
	[tilespmem:$0xD800] =	vst v63  }
0x10f: {  	_ = 	snop  }
0x110: {  	[spmem:s8] =	stream.indirect.scatter.add.f32 [tilespmem:s25], [sflag:$0x2], $0x1, s7, s21, $0xb8;
	[tilespmem:$0xD800] =	vst v63  }
0x111: {  	_ = 	snop  }
0x112: {  	[spmem:s10] =	stream.indirect.scatter.add.f32 [tilespmem:s26], [sflag:$0x2], $0x1, s7, s21, $0xb8;
	[tilespmem:$0xD800] =	vst v63  }
0x113: {  	_ = 	snop  }
0x114: {  	[tilespmem:s28], [sflag:$0x1] =	stream.indirect.gather [spmem:s1], $0x1, s16, s21, $0xb8;
	[tilespmem:$0xD800] =	vst v63  }
0x115: {  	_ = 	snop  }
0x116: {  	[tilespmem:s29], [sflag:$0x1] =	stream.indirect.gather [spmem:s4], $0x1, s16, s21, $0xb8;
	[tilespmem:$0xD800] =	vst v63  }
0x117: {  	_ = 	snop  }
0x118: {  	[tilespmem:s30], [sflag:$0x1] =	stream.indirect.gather [spmem:s6], $0x1, s16, s21, $0xb8;
	[tilespmem:$0xD800] =	vst v63  }
0x119: {  	_ = 	snop  }
0x11a: {  	[tilespmem:s31], [sflag:$0x1] =	stream.indirect.gather [spmem:s9], $0x1, s16, s21, $0xb8;
	[tilespmem:$0xD800] =	vst v63  }
0x11b: {  	_ =	swait.ge [sflag:s3], $0x80  }
0x11c: {  	[sflag:s3] =	ssyncset.done $0x0  }
0x11d: {  	[sflag:s3] =	ssyncadd.s32 $0xFFFFFF80  }
0x11e: {  	_ =	swait.ge [sflag:s3], $0x80  }
0x11f: {  	[sflag:s3] =	ssyncset.done $0x0  }
0x120: {  	[sflag:s3] =	ssyncadd.s32 $0xFFFFFF80  }
0x121: {  	_ =	swait.ge [sflag:s3], $0x80  }
0x122: {  	[sflag:s3] =	ssyncset.done $0x0  }
0x123: {  	[sflag:s3] =	ssyncadd.s32 $0xFFFFFF80  }
0x124: {  	_ =	swait.ge [sflag:s3], $0x80  }
0x125: {  	[sflag:s3] =	ssyncset.done $0x0  }
0x126: {  	[sflag:s3] =	ssyncadd.s32 $0xFFFFFF80  }
0x127: {  	_ =	swait.ge [sflag:s13], $0x80  }
0x128: {  	[sflag:s13] =	ssyncset.done $0x0  }
0x129: {  	[sflag:s13] =	ssyncadd.s32 $0xFFFFFF80  }
0x12a: {  	_ =	swait.ge [sflag:s13], $0x80  }
0x12b: {  	[sflag:s13] =	ssyncset.done $0x0  }
0x12c: {  	[sflag:s13] =	ssyncadd.s32 $0xFFFFFF80  }
0x12d: {  	_ =	swait.ge [sflag:s13], $0x80  }
0x12e: {  	[sflag:s13] =	ssyncset.done $0x0  }
0x12f: {  	[sflag:s13] =	ssyncadd.s32 $0xFFFFFF80  }
0x130: {  	_ =	swait.ge [sflag:s13], $0x80  }
0x131: {  	[sflag:s13] =	ssyncset.done $0x0  }
0x132: {  	[sflag:s13] =	ssyncadd.s32 $0xFFFFFF80  }
0x133: {  	[spmem:s2] =	stream.indirect.scatter.add.f32 [tilespmem:s28], [sflag:$0x2], $0x1, s15, s21, $0xb8;
	[tilespmem:$0xD800] =	vst v63  }
0x134: {  	_ = 	snop  }
0x135: {  	[spmem:s5] =	stream.indirect.scatter.add.f32 [tilespmem:s29], [sflag:$0x2], $0x1, s15, s21, $0xb8;
	[tilespmem:$0xD800] =	vst v63  }
0x136: {  	_ = 	snop  }
0x137: {  	[spmem:s8] =	stream.indirect.scatter.add.f32 [tilespmem:s30], [sflag:$0x2], $0x1, s15, s21, $0xb8;
	[tilespmem:$0xD800] =	vst v63  }
0x138: {  	_ = 	snop  }
0x139: {  	[spmem:s10] =	stream.indirect.scatter.add.f32 [tilespmem:s31], [sflag:$0x2], $0x1, s15, s21, $0xb8;
	[tilespmem:$0xD800] =	vst v63  }
0x13a: {  	_ =	swait.ge [sflag:s3], $0x80  }
0x13b: {  	[sflag:s3] =	ssyncset.done $0x0  }
0x13c: {  	[sflag:s3] =	ssyncadd.s32 $0xFFFFFF80  }
0x13d: {  	_ =	swait.ge [sflag:s3], $0x80  }
0x13e: {  	[sflag:s3] =	ssyncset.done $0x0  }
0x13f: {  	s17 =	sadd.s32 $0x1, s17;
	[sflag:s3] =	ssyncadd.s32 $0xFFFFFF80  }
0x140: {  	p0 =	sne.s32 s17, $0x31;
	_ =	swait.ge [sflag:s3], $0x80  }
.Ltmp1:
0x141: {  	[sflag:s3] =	ssyncset.done $0x0;
	(pc) =	sbr.rel @p0 .LBB2_2-.Ltmp1, $4  }
0x142: {  	[sflag:s3] =	ssyncadd.s32 $0xFFFFFF80  }
0x143: {  	_ =	swait.ge [sflag:s3], $0x80  }
0x144: {  	[sflag:s3] =	ssyncset.done $0x0  }
0x145: {  	[sflag:s3] =	ssyncadd.s32 $0xFFFFFF80  }
0x146: {  	[bflag:$0x0] =	sbarrier.arrive $0xFFFF  }
0x147: {  	s11 =	rddreg [dreg:$0xd]  }
0x148: {  	s0 =	rddreg [dreg:$0x16]  }
0x149: {  	s17 =	simm.s32 $0x10;
	s14 =	rddreg [dreg:$0x1f]  }
0x14a: {  	[hbm:s0@s20], [sflag:s11] =	dma.strided [spmem:s14@s17], $0x310, s13, $0x10   }
0x14b: {  	_ =	swait.ge [sflag:s18], $0x310  }
0x14c: {  	s12 =	sld [smem:$0x7FA]  }
0x14d: {  	[sflag:s18] =	ssyncset.done $0x0  }
0x14e: {  	s14 =	rddreg [dreg:$0x17];
	[sflag:s18] =	ssyncadd.s32 $0xFFFFFCF0  }
0x14f: {  	[hbm:s14@s20], [sflag:s11] =	dma.strided [spmem:s12@s17], $0x310, s13, $0x10   }
0x150: {  	_ =	swait.ge [sflag:s18], $0x310  }
0x151: {  	s12 =	sld [smem:$0x7FB]  }
0x152: {  	[sflag:s18] =	ssyncset.done $0x0  }
0x153: {  	s14 =	rddreg [dreg:$0x18];
	[sflag:s18] =	ssyncadd.s32 $0xFFFFFCF0  }
0x154: {  	[hbm:s14@s20], [sflag:s11] =	dma.strided [spmem:s12@s17], $0x310, s13, $0x10   }
0x155: {  	_ =	swait.ge [sflag:s18], $0x310  }
0x156: {  	s12 =	sld [smem:$0x7FC]  }
0x157: {  	[sflag:s18] =	ssyncset.done $0x0  }
0x158: {  	s14 =	rddreg [dreg:$0x19];
	[sflag:s18] =	ssyncadd.s32 $0xFFFFFCF0  }
0x159: {  	[hbm:s14@s20], [sflag:s11] =	dma.strided [spmem:s12@s17], $0x310, s13, $0x10   }
0x15a: {  	_ =	swait.ge [sflag:s18], $0x310  }
0x15b: {  	s14 =	rddreg [dreg:$0xb]  }
0x15c: {  	s12 =	rddreg [dreg:$0x1a];
	s0 =	sadd.s32 $0x1, s14  }
0x15d: {  	p0 =	sne.s32 s0, s12  }
.Ltmp2:
0x15e: {  	_ = 	snop;
	(pc) =	sbr.rel @p0 .LBB2_1-.Ltmp2, $3  }
0x15f: {  	_ =	sdelay $0x1  }
0x160: {  	[sflag:s18] =	ssyncset.done $0x0  }
0x161: {  	[sflag:s18] =	ssyncadd.s32 $0xFFFFFCF0;
	[dreg:$0xb] =	wrdreg s0  }
0x162: {  	_ =	sfence.sel $0x180000  }
0x163: {  	[bflag:$0x0] =	sbarrier.arrive $0xFFFF  }
0x164: {  	_ =	strace $0x9000004A  }
0x165: {  	s0 =	stileid.u32;
	[bflag:$0x2] =	sbarrier.arrive $0xFFFF  }
0x166: {  	p0 =	sne.s32 s0, $0x0;
	s0 =	rddreg [dreg:$0xa]  }
0x167: {  	s0 =	sadd.s32 @!p0 $0x100000, s0  }
0x168: {  	[sflag:s0] =	ssyncadd.tile.s32 @!p0 $0x1;
	_ =	shalt  }
.Lfunc_end2:
_tile_overlayer_lowered:
.L_overlay_start_2:
0x169: {  	(tag) =	ssettag $0x2  }
0x16a: {  	s0 =	rddreg [dreg:$0x0];
	s2 =	stileid.u32  }
0x16b: {  	s1 =	rddreg [dreg:$0x1];
	p0 =	sne.s32 s2, $0x0  }
0x16c: {  	s3 =	rddreg [dreg:$0x2];
	[bflag:$0x3] =	sbarrier.arrive $0xFFFF;
	s2 =	simm.s32 @!p0 $0x1C03  }
0x16d: {  	[timem:s3], [sflag:s2] =	dma.local @!p0 [hbm:s0], s1  }
0x16e: {  	s0 =	simm.s32 @!p0 $0x3  }
0x16f: {  	_ =	swait.ge @!p0 [sflag:s0], s1  }
0x170: {  	s1 =	ssub.s32 @!p0 $0x0, s1;
	[sflag:s0] =	ssyncset.done @!p0 $0x0  }
0x171: {  	[sflag:s0] =	ssyncadd.s32 @!p0 s1  }
0x172: {  	[bflag:$0x3] =	sbarrier.arrive $0xFFFF  }
0x173: {  	_ =	shalt  }

</sc_bundles>
